<compile_context>
chip_gen: v7x
topology: tpu7x:2x2x1
jax: 0.10.2.dev20260603
libtpu: 0.0.44.dev20260713+nightly
codegen_flags: <defaults>
</compile_context>

<pallas_src>
import functools

import jax
import jax.numpy as jnp
from jax import lax
from jax.experimental import pallas as pl
from jax.experimental.pallas import tpu as pltpu
from jax.experimental.pallas import tpu_sc as plsc

NC = 2
NS = 16
NW = NC * NS
LANES = 128
PCH = 64
PDEPTH = 3
FRAC0 = 0.81
DEGW = 16
ROWBLK = 512


def _sc_degree(n_acc, k, f):
    rpt = n_acc // NS
    mesh = plsc.VectorSubcoreMesh(core_axis_name="c", subcore_axis_name="s",
                                  num_cores=NC, num_subcores=NS)

    @functools.partial(
        pl.kernel,
        out_type=jax.ShapeDtypeStruct((NC, n_acc, f), jnp.float32),
        mesh=mesh,
        scratch_types=[
            pltpu.VMEM((1, LANES), jnp.int32),
            pltpu.VMEM((1, LANES), jnp.int32),
            pltpu.VMEM((LANES, f), jnp.float32),
            pltpu.VMEM_SHARED((n_acc, f), jnp.float32),
            pltpu.SemaphoreType.DMA,
            pltpu.SemaphoreType.DMA,
        ],
    )
    def deg_kernel(dst_hbm, ones_hbm, zeros_hbm, out_hbm,
                   db0, db1, ones_v, acc_sh, ds0, ds1):
        c = lax.axis_index("c")
        s = lax.axis_index("s")
        wid = c * NS + s
        dbuf = (db0, db1)
        dsem = (ds0, ds1)
        pltpu.sync_copy(zeros_hbm.at[pl.ds(s * rpt, rpt)],
                        acc_sh.at[pl.ds(s * rpt, rpt)])
        pltpu.sync_copy(ones_hbm, ones_v)
        for b in range(2):
            pltpu.async_copy(dst_hbm.at[wid, b], dbuf[b], dsem[b])
        plsc.subcore_barrier()

        @pl.loop(0, k, step=2)
        def _(j):
            for b in range(2):
                jj = j + b
                pltpu.make_async_copy(
                    dst_hbm.at[wid, jj], dbuf[b], dsem[b]).wait()
                pltpu.sync_copy(ones_v, acc_sh.at[dbuf[b].at[0]], add=True)

                @pl.when(jj + 2 < k)
                def _():
                    pltpu.async_copy(dst_hbm.at[wid, jj + 2], dbuf[b], dsem[b])

        plsc.subcore_barrier()
        pltpu.sync_copy(acc_sh.at[pl.ds(s * rpt, rpt)],
                        out_hbm.at[c, pl.ds(s * rpt, rpt)])

    return deg_kernel


def _sc_propagate(n_acc, pt0, pt1, f):
    rpt = n_acc // NS
    kc0 = pt0 // PCH
    kc1 = pt1 // PCH
    mesh = plsc.VectorSubcoreMesh(core_axis_name="c", subcore_axis_name="s",
                                  num_cores=NC, num_subcores=NS)

    @functools.partial(
        pl.kernel,
        out_type=jax.ShapeDtypeStruct((NC, n_acc, f), jnp.float32),
        mesh=mesh,
        scratch_types=[
            pltpu.VMEM((pt0,), jnp.int32),
            [pltpu.VMEM((1, PCH), jnp.int32) for _ in range(PDEPTH)],
            [pltpu.VMEM((PCH, f), jnp.float32) for _ in range(PDEPTH)],
            pltpu.VMEM_SHARED((n_acc, f), jnp.float32),
            [pltpu.SemaphoreType.DMA for _ in range(PDEPTH)],
            [pltpu.SemaphoreType.DMA for _ in range(PDEPTH)],
        ],
    )
    def prop_kernel(src_hbm, dst_hbm, y_hbm, zeros_hbm, out_hbm,
                    src_v, dbuf, gbuf, acc_sh, dsem, gsem):
        c = lax.axis_index("c")
        s = lax.axis_index("s")
        wid = c * NS + s
        kc = jnp.where(c == 0, kc0, kc1)
        base = jnp.where(c == 0, s * pt0, NS * pt0 + s * pt1)
        pltpu.sync_copy(zeros_hbm.at[pl.ds(s * rpt, rpt)],
                        acc_sh.at[pl.ds(s * rpt, rpt)])
        pltpu.sync_copy(src_hbm.at[pl.ds(base, pt0)], src_v)
        for b in range(PDEPTH):
            pltpu.async_copy(dst_hbm.at[wid, b], dbuf[b], dsem[b])
            pltpu.async_copy(y_hbm.at[src_v.at[pl.ds(b * PCH, PCH)]],
                             gbuf[b], gsem[b])
        plsc.subcore_barrier()

        @pl.loop(0, kc, step=PDEPTH)
        def _(j):
            for b in range(PDEPTH):
                jj = j + b
                pltpu.make_async_copy(
                    y_hbm.at[src_v.at[pl.ds(jj * PCH, PCH)]],
                    gbuf[b], gsem[b]).wait()
                pltpu.make_async_copy(
                    dst_hbm.at[wid, jj], dbuf[b], dsem[b]).wait()
                pltpu.sync_copy(gbuf[b], acc_sh.at[dbuf[b].at[0]], add=True)

                @pl.when(jj + PDEPTH < kc)
                def _():
                    pltpu.async_copy(dst_hbm.at[wid, jj + PDEPTH],
                                     dbuf[b], dsem[b])
                    pltpu.async_copy(
                        y_hbm.at[src_v.at[pl.ds((jj + PDEPTH) * PCH, PCH)]],
                        gbuf[b], gsem[b])

        plsc.subcore_barrier()
        pltpu.sync_copy(acc_sh.at[pl.ds(s * rpt, rpt)],
                        out_hbm.at[c, pl.ds(s * rpt, rpt)])

    return prop_kernel


def _tc_stage1(n, f, grid):
    def body(x_ref, w_ref, d0_ref, d1_ref, y_ref, dinv_ref):
        deg = d0_ref[:, :1] + d1_ref[:, :1] + 1.0
        dinv = lax.rsqrt(deg)
        xw = jnp.dot(x_ref[...], w_ref[...], preferred_element_type=jnp.float32)
        y_ref[...] = xw * dinv
        dinv_ref[...] = dinv

    return pl.pallas_call(
        body,
        grid=(grid,),
        in_specs=[
            pl.BlockSpec((ROWBLK, f), lambda i: (i, 0)),
            pl.BlockSpec((f, f), lambda i: (0, 0)),
            pl.BlockSpec((ROWBLK, f), lambda i: (i, 0)),
            pl.BlockSpec((ROWBLK, f), lambda i: (i, 0)),
        ],
        out_specs=[
            pl.BlockSpec((ROWBLK, f), lambda i: (i, 0)),
            pl.BlockSpec((ROWBLK, 1), lambda i: (i, 0)),
        ],
        out_shape=[
            jax.ShapeDtypeStruct((n, f), jnp.float32),
            jax.ShapeDtypeStruct((n, 1), jnp.float32),
        ],
    )


def _tc_stage2(n, f, grid):
    def body(a0_ref, a1_ref, y_ref, dinv_ref, b_ref, w_ref, out_ref):
        dinv = dinv_ref[...]
        p = (a0_ref[...] + a1_ref[...] + y_ref[...]) * dinv + b_ref[...]
        h = jnp.maximum(p, 0.0)
        hw = jnp.dot(h, w_ref[...], preferred_element_type=jnp.float32)
        out_ref[...] = hw * dinv

    return pl.pallas_call(
        body,
        grid=(grid,),
        in_specs=[
            pl.BlockSpec((ROWBLK, f), lambda i: (i, 0)),
            pl.BlockSpec((ROWBLK, f), lambda i: (i, 0)),
            pl.BlockSpec((ROWBLK, f), lambda i: (i, 0)),
            pl.BlockSpec((ROWBLK, 1), lambda i: (i, 0)),
            pl.BlockSpec((1, f), lambda i: (0, 0)),
            pl.BlockSpec((f, f), lambda i: (0, 0)),
        ],
        out_specs=pl.BlockSpec((ROWBLK, f), lambda i: (i, 0)),
        out_shape=jax.ShapeDtypeStruct((n, f), jnp.float32),
    )


def _tc_stage3(n, f, c_out, grid):
    def body(a0_ref, a1_ref, y_ref, dinv_ref, b2_ref, wl_ref, bl_ref, out_ref):
        dinv = dinv_ref[...]
        p = (a0_ref[...] + a1_ref[...] + y_ref[...]) * dinv + b2_ref[...]
        h = jnp.maximum(p, 0.0)
        out_ref[...] = (
            jnp.dot(h, wl_ref[...], preferred_element_type=jnp.float32)
            + bl_ref[...]
        )

    return pl.pallas_call(
        body,
        grid=(grid,),
        in_specs=[
            pl.BlockSpec((ROWBLK, f), lambda i: (i, 0)),
            pl.BlockSpec((ROWBLK, f), lambda i: (i, 0)),
            pl.BlockSpec((ROWBLK, f), lambda i: (i, 0)),
            pl.BlockSpec((ROWBLK, 1), lambda i: (i, 0)),
            pl.BlockSpec((1, f), lambda i: (0, 0)),
            pl.BlockSpec((f, c_out), lambda i: (0, 0)),
            pl.BlockSpec((1, c_out), lambda i: (0, 0)),
        ],
        out_specs=pl.BlockSpec((ROWBLK, c_out), lambda i: (i, 0)),
        out_shape=jax.ShapeDtypeStruct((n, c_out), jnp.float32),
    )


def kernel(node_features, edge_indices, W1, b1, W2, b2, Wl, bl):
    n, f = node_features.shape
    e = edge_indices.shape[1]
    c_out = Wl.shape[0]

    n_acc = ((n + 1 + 255) // 256) * 256

    unit = PCH * PDEPTH
    pt0 = max(unit, int(round(FRAC0 * e / NS / unit)) * unit)
    pt1 = max(unit, -(-(e - NS * pt0) // (NS * unit)) * unit)
    kc0, kc1 = pt0 // PCH, pt1 // PCH
    l0, l1 = NS * pt0, NS * pt1
    pad = l0 + l1 - e

    def padded(arr, m, fill_trash):
        if fill_trash:
            fill = n + (jnp.arange(m, dtype=jnp.int32) % (n_acc - n))
        else:
            fill = jnp.zeros((m,), jnp.int32)
        return jnp.concatenate([arr, fill])

    src_flat = padded(edge_indices[0], pad, False)
    dst_flat = padded(edge_indices[1], pad, True)
    src_ext = jnp.concatenate(
        [src_flat, jnp.zeros((pt0 - pt1,), jnp.int32)])
    d0 = dst_flat[:l0].reshape(NS, kc0, 1, PCH)
    d1 = dst_flat[l0:].reshape(NS, kc1, 1, PCH)
    d1 = jnp.pad(d1, ((0, 0), (0, kc0 - kc1), (0, 0), (0, 0)),
                 constant_values=n)
    dst4p = jnp.concatenate([d0, d1], axis=0)

    k = -(-(l0 + l1) // (NW * LANES))
    if k % 2:
        k += 1
    pad_deg = NW * k * LANES - e
    dst4 = padded(edge_indices[1], pad_deg, True).reshape(NW, k, 1, LANES)

    zeros_acc = jnp.zeros((n_acc, f), jnp.float32)
    ones_rows = jnp.ones((LANES, f), jnp.float32)

    grid = -(-n // ROWBLK)

    degp = _sc_degree(n_acc, k, f)(dst4, ones_rows, zeros_acc)

    W1t = jnp.transpose(W1)
    W2t = jnp.transpose(W2)
    Wlt = jnp.transpose(Wl)

    y1, dinv = _tc_stage1(n, f, grid)(
        node_features, W1t, degp[0, :n], degp[1, :n])

    prop = _sc_propagate(n_acc, pt0, pt1, f)
    acc1 = prop(src_ext, dst4p, y1, zeros_acc)
    y2 = _tc_stage2(n, f, grid)(
        acc1[0, :n], acc1[1, :n], y1, dinv, b1.reshape(1, f), W2t)

    acc2 = prop(src_ext, dst4p, y2, zeros_acc)
    out = _tc_stage3(n, f, c_out, grid)(
        acc2[0, :n], acc2[1, :n], y2, dinv, b2.reshape(1, f), Wlt,
        bl.reshape(1, c_out))
    return out

# --- scband reference (transcript-rebuilt; emitter-appended) ---
"""Pipeline reference for scband-sgconv-model-33071248179459 (READ-ONLY COPY).

The authoritative reference and input builder live on the scoring server;
editing this copy changes nothing except your own understanding.
"""

import jax, jax.numpy as jnp
import numpy as np

N = 10000
E = 320000
F_IN = 128
H1 = 128
H2 = 128
C = 40


def setup_inputs(seed: int = 0) -> dict:
    key = jax.random.key(seed)
    ks = jax.random.split(key, 8)
    node_features = jax.random.normal(ks[0], (N, F_IN), dtype=jnp.float32)
    edge_indices = jax.random.randint(ks[1], (2, E), 0, N, dtype=jnp.int32)
    W1 = jax.random.normal(ks[2], (H1, F_IN), dtype=jnp.float32) / np.sqrt(F_IN)
    b1 = jnp.zeros((H1,), dtype=jnp.float32)
    W2 = jax.random.normal(ks[3], (H2, H1), dtype=jnp.float32) / np.sqrt(H1)
    b2 = jnp.zeros((H2,), dtype=jnp.float32)
    Wl = jax.random.normal(ks[4], (C, H2), dtype=jnp.float32) / np.sqrt(H2)
    bl = jnp.zeros((C,), dtype=jnp.float32)
    return {"node_features": node_features, "edge_indices": edge_indices,
            "W1": W1, "b1": b1, "W2": W2, "b2": b2, "Wl": Wl, "bl": bl}


def _sg_propagate(x, src, dst):
    # SGConv (K=1) propagation with added self-loops and symmetric GCN norm
    loop = jnp.arange(N, dtype=src.dtype)
    s = jnp.concatenate([src, loop])
    d = jnp.concatenate([dst, loop])
    deg = jnp.zeros((N,), x.dtype).at[d].add(1.0)
    dinv = jnp.where(deg > 0, jax.lax.rsqrt(deg), 0.0)
    norm = dinv[s] * dinv[d]
    msgs = norm[:, None] * jnp.take(x, s, axis=0)
    return jnp.zeros((N, x.shape[1]), x.dtype).at[d].add(msgs)


def reference(node_features, edge_indices, W1, b1, W2, b2, Wl, bl):
    src = edge_indices[0]
    dst = edge_indices[1]
    # conv1: propagate then linear
    h = _sg_propagate(node_features, src, dst) @ W1.T + b1
    h = jax.nn.relu(h)
    # dropout is identity in eval mode
    h = _sg_propagate(h, src, dst) @ W2.T + b2
    h = jax.nn.relu(h)
    out = h @ Wl.T + bl
    return out

if __name__ == "__main__":
    import jax
    _d = setup_inputs()
    print(jax.jit(kernel)(*tuple(_d.values())))

</pallas_src>

<mosaic_0001>
#map = affine_map<(d0, d1) -> (0, 0, 0, 0)>
#map1 = affine_map<(d0, d1) -> (0, 0)>
#map2 = affine_map<(d0, d1) -> (0, 0, 0)>
module attributes {stable_mosaic.version = 14 : i64} {
  func.func @deg_kernel(%arg0: i32, %arg1: i32, %arg2: memref<32x80x1x128xi32, #tpu.memory_space<hbm>>, %arg3: memref<128x128xf32, #tpu.memory_space<hbm>>, %arg4: memref<10240x128xf32, #tpu.memory_space<hbm>>, %arg5: memref<2x10240x128xf32, #tpu.memory_space<hbm>>, %arg6: memref<1x128xi32, #tpu.memory_space<vmem>>, %arg7: memref<1x128xi32, #tpu.memory_space<vmem>>, %arg8: memref<128x128xf32, #tpu.memory_space<vmem>>, %arg9: memref<10240x128xf32, #tpu.memory_space<vmem_shared>>, %arg10: memref<!tpu.dma_semaphore, #tpu.memory_space<semaphore_mem>>, %arg11: memref<!tpu.dma_semaphore, #tpu.memory_space<semaphore_mem>>) attributes {dimension_semantics = [#tpu.dimension_semantics<core_parallel>, #tpu.dimension_semantics<subcore_parallel>], iteration_bounds = array<i64: 2, 16>, scalar_prefetch = 0 : i64, scratch_operands = 6 : i64, tpu.core_type = #tpu.core_type<sc_vector_subcore>, window_params = [{transform_indices = #map}, {transform_indices = #map1}, {transform_indices = #map1}, {transform_indices = #map2}]} {
    %mul3A = arith.constant 16 : i32
    %mul3A_0 = arith.muli %arg0, %mul3A : i32
    %add3A = arith.addi %mul3A_0, %arg1 : i32
    %mul3A_1 = arith.constant 640 : i32
    %mul3A_2 = arith.muli %arg1, %mul3A_1 : i32
    %mul3A_3 = arith.constant 640 : i32
    %mul3A_4 = arith.muli %arg1, %mul3A_3 : i32
    "tpu.region"() ({
      %run_scoped3A = tpu.sem_alloc : memref<!tpu.dma_semaphore, #tpu.memory_space<semaphore_mem>>
      %dma_start3A_31 = arith.constant 0 : i32
      %dma_start3A_32 = tpu.memref_slice %arg9[%mul3A_4, %dma_start3A_31] : memref<10240x128xf32, #tpu.memory_space<vmem_shared>> -> memref<640x128xf32, #tpu.memory_space<vmem_shared>>
      %dma_start3A_33 = arith.constant 0 : i32
      %dma_start3A_34 = tpu.memref_slice %arg4[%mul3A_2, %dma_start3A_33] : memref<10240x128xf32, #tpu.memory_space<hbm>> -> memref<640x128xf32, #tpu.memory_space<hbm>>
      tpu.enqueue_dma source(%dma_start3A_34 : memref<640x128xf32, #tpu.memory_space<hbm>>) target(%dma_start3A_32 : memref<640x128xf32, #tpu.memory_space<vmem_shared>>) target_semaphore(%run_scoped3A : memref<!tpu.dma_semaphore, #tpu.memory_space<semaphore_mem>>)
      %dma_wait3A = arith.constant 0 : i32
      %dma_wait3A_35 = tpu.memref_slice %arg9[%mul3A_4, %dma_wait3A] : memref<10240x128xf32, #tpu.memory_space<vmem_shared>> -> memref<640x128xf32, #tpu.memory_space<vmem_shared>>
      %dma_wait3A_36 = arith.constant 0 : i32
      %dma_wait3A_37 = tpu.memref_slice %arg4[%mul3A_2, %dma_wait3A_36] : memref<10240x128xf32, #tpu.memory_space<hbm>> -> memref<640x128xf32, #tpu.memory_space<hbm>>
      tpu.wait_dma2 semaphore(%run_scoped3A : memref<!tpu.dma_semaphore, #tpu.memory_space<semaphore_mem>>) src(%dma_wait3A_37 : memref<640x128xf32, #tpu.memory_space<hbm>>) dst(%dma_wait3A_35 : memref<640x128xf32, #tpu.memory_space<vmem_shared>>)
      tpu.yield
    }) : () -> ()
    "tpu.region"() ({
      %run_scoped3A = tpu.sem_alloc : memref<!tpu.dma_semaphore, #tpu.memory_space<semaphore_mem>>
      tpu.enqueue_dma source(%arg3 : memref<128x128xf32, #tpu.memory_space<hbm>>) target(%arg8 : memref<128x128xf32, #tpu.memory_space<vmem>>) target_semaphore(%run_scoped3A : memref<!tpu.dma_semaphore, #tpu.memory_space<semaphore_mem>>)
      tpu.wait_dma2 semaphore(%run_scoped3A : memref<!tpu.dma_semaphore, #tpu.memory_space<semaphore_mem>>) src(%arg3 : memref<128x128xf32, #tpu.memory_space<hbm>>) dst(%arg8 : memref<128x128xf32, #tpu.memory_space<vmem>>)
      tpu.yield
    }) : () -> ()
    %dma_start3A = arith.constant 0 : i32
    %dma_start3A_5 = arith.constant 0 : i32
    %dma_start3A_6 = arith.constant 0 : i32
    %dma_start3A_7 = tpu.memref_slice %arg2[%add3A, %dma_start3A, %dma_start3A_5, %dma_start3A_6] : memref<32x80x1x128xi32, #tpu.memory_space<hbm>> -> memref<1x1x1x128xi32, #tpu.memory_space<hbm>>
    %dma_start3A_8 = tpu.memref_squeeze %dma_start3A_7 : memref<1x1x1x128xi32, #tpu.memory_space<hbm>> -> memref<1x128xi32, #tpu.memory_space<hbm>>
    %dma_start3A_9 = arith.constant 0 : i32
    %dma_start3A_10 = arith.constant 0 : i32
    %dma_start3A_11 = tpu.memref_slice %arg2[%add3A, %dma_start3A, %dma_start3A_9, %dma_start3A_10] : memref<32x80x1x128xi32, #tpu.memory_space<hbm>> -> memref<1x1x1x128xi32, #tpu.memory_space<hbm>>
    %dma_start3A_12 = tpu.memref_squeeze %dma_start3A_11 : memref<1x1x1x128xi32, #tpu.memory_space<hbm>> -> memref<1x128xi32, #tpu.memory_space<hbm>>
    tpu.enqueue_dma source(%dma_start3A_12 : memref<1x128xi32, #tpu.memory_space<hbm>>) target(%arg6 : memref<1x128xi32, #tpu.memory_space<vmem>>) target_semaphore(%arg10 : memref<!tpu.dma_semaphore, #tpu.memory_space<semaphore_mem>>)
    %dma_start3A_13 = arith.constant 1 : i32
    %dma_start3A_14 = arith.constant 0 : i32
    %dma_start3A_15 = arith.constant 0 : i32
    %dma_start3A_16 = tpu.memref_slice %arg2[%add3A, %dma_start3A_13, %dma_start3A_14, %dma_start3A_15] : memref<32x80x1x128xi32, #tpu.memory_space<hbm>> -> memref<1x1x1x128xi32, #tpu.memory_space<hbm>>
    %dma_start3A_17 = tpu.memref_squeeze %dma_start3A_16 : memref<1x1x1x128xi32, #tpu.memory_space<hbm>> -> memref<1x128xi32, #tpu.memory_space<hbm>>
    %dma_start3A_18 = arith.constant 0 : i32
    %dma_start3A_19 = arith.constant 0 : i32
    %dma_start3A_20 = tpu.memref_slice %arg2[%add3A, %dma_start3A_13, %dma_start3A_18, %dma_start3A_19] : memref<32x80x1x128xi32, #tpu.memory_space<hbm>> -> memref<1x1x1x128xi32, #tpu.memory_space<hbm>>
    %dma_start3A_21 = tpu.memref_squeeze %dma_start3A_20 : memref<1x1x1x128xi32, #tpu.memory_space<hbm>> -> memref<1x128xi32, #tpu.memory_space<hbm>>
    tpu.enqueue_dma source(%dma_start3A_21 : memref<1x128xi32, #tpu.memory_space<hbm>>) target(%arg7 : memref<1x128xi32, #tpu.memory_space<vmem>>) target_semaphore(%arg11 : memref<!tpu.dma_semaphore, #tpu.memory_space<semaphore_mem>>)
    %barrier3A = arith.constant 0 : index
    tpu.barrier barrier_id(%barrier3A)
    %scan3A = arith.constant 0 : i32
    %scan3A_22 = arith.constant 40 : i32
    %scan3A_23 = arith.addi %scan3A, %scan3A_22 : i32
    %scan3A_24 = arith.constant 1 : i32
    scf.for %scan3A_31 = %scan3A to %scan3A_23 step %scan3A_24  : i32 {
      %mul3A_32 = arith.constant 2 : i32
      %mul3A_33 = arith.muli %scan3A_31, %mul3A_32 : i32
      %add3A_34 = arith.constant 0 : i32
      %add3A_35 = arith.addi %add3A_34, %mul3A_33 : i32
      %add3A_36 = arith.constant 0 : i32
      %add3A_37 = arith.addi %add3A_35, %add3A_36 : i32
      %dma_wait3A = arith.constant 0 : i32
      %dma_wait3A_38 = arith.constant 0 : i32
      %dma_wait3A_39 = tpu.memref_slice %arg2[%add3A, %add3A_37, %dma_wait3A, %dma_wait3A_38] : memref<32x80x1x128xi32, #tpu.memory_space<hbm>> -> memref<1x1x1x128xi32, #tpu.memory_space<hbm>>
      %dma_wait3A_40 = tpu.memref_squeeze %dma_wait3A_39 : memref<1x1x1x128xi32, #tpu.memory_space<hbm>> -> memref<1x128xi32, #tpu.memory_space<hbm>>
      %dma_wait3A_41 = arith.constant 0 : i32
      %dma_wait3A_42 = arith.constant 0 : i32
      %dma_wait3A_43 = tpu.memref_slice %arg2[%add3A, %add3A_37, %dma_wait3A_41, %dma_wait3A_42] : memref<32x80x1x128xi32, #tpu.memory_space<hbm>> -> memref<1x1x1x128xi32, #tpu.memory_space<hbm>>
      %dma_wait3A_44 = tpu.memref_squeeze %dma_wait3A_43 : memref<1x1x1x128xi32, #tpu.memory_space<hbm>> -> memref<1x128xi32, #tpu.memory_space<hbm>>
      tpu.wait_dma2 semaphore(%arg10 : memref<!tpu.dma_semaphore, #tpu.memory_space<semaphore_mem>>) src(%dma_wait3A_44 : memref<1x128xi32, #tpu.memory_space<hbm>>) dst(%arg6 : memref<1x128xi32, #tpu.memory_space<vmem>>)
      %run_scoped3A = arith.constant 0 : i32
      "tpu.region"() ({
        %run_scoped3A_67 = tpu.sem_alloc : memref<!tpu.dma_semaphore, #tpu.memory_space<semaphore_mem>>
        %dma_start3A_68 = arith.constant 0 : i32
        %dma_start3A_69 = tpu.memref_slice %arg6[%run_scoped3A, %dma_start3A_68] : memref<1x128xi32, #tpu.memory_space<vmem>> -> memref<1x128xi32, #tpu.memory_space<vmem>>
        %dma_start3A_70 = tpu.memref_squeeze %dma_start3A_69 : memref<1x128xi32, #tpu.memory_space<vmem>> -> memref<128xi32, #tpu.memory_space<vmem>>
        %dma_start3A_71 = arith.constant 0 : i32
        %dma_start3A_72 = arith.constant 0 : i32
        %dma_start3A_73 = tpu.memref_slice %arg9[%dma_start3A_71, %dma_start3A_72] : memref<10240x128xf32, #tpu.memory_space<vmem_shared>> -> memref<10240x128xf32, #tpu.memory_space<vmem_shared>>
        tpu.enqueue_indirect_dma source(%arg8 : memref<128x128xf32, #tpu.memory_space<vmem>>) target(%dma_start3A_73 : memref<10240x128xf32, #tpu.memory_space<vmem_shared>>) offsets(%dma_start3A_70 : memref<128xi32, #tpu.memory_space<vmem>>) semaphore(%run_scoped3A_67 : memref<!tpu.dma_semaphore, #tpu.memory_space<semaphore_mem>>) {add = true}
        %dma_wait3A_74 = arith.constant 0 : i32
        %dma_wait3A_75 = tpu.memref_slice %arg6[%run_scoped3A, %dma_wait3A_74] : memref<1x128xi32, #tpu.memory_space<vmem>> -> memref<1x128xi32, #tpu.memory_space<vmem>>
        %dma_wait3A_76 = tpu.memref_squeeze %dma_wait3A_75 : memref<1x128xi32, #tpu.memory_space<vmem>> -> memref<128xi32, #tpu.memory_space<vmem>>
        %dma_wait3A_77 = arith.constant 0 : i32
        %dma_wait3A_78 = arith.constant 0 : i32
        %dma_wait3A_79 = tpu.memref_slice %arg9[%dma_wait3A_77, %dma_wait3A_78] : memref<10240x128xf32, #tpu.memory_space<vmem_shared>> -> memref<10240x128xf32, #tpu.memory_space<vmem_shared>>
        tpu.wait_indirect_dma semaphore(%run_scoped3A_67 : memref<!tpu.dma_semaphore, #tpu.memory_space<semaphore_mem>>) src(%arg8 : memref<128x128xf32, #tpu.memory_space<vmem>>) dst(%dma_wait3A_79 : memref<10240x128xf32, #tpu.memory_space<vmem_shared>>)
        tpu.yield
      }) : () -> ()
      %add3A_45 = arith.constant 2 : i32
      %add3A_46 = arith.addi %add3A_37, %add3A_45 : i32
      %lt3A = arith.constant 80 : i32
      %lt3A_47 = arith.cmpi slt, %add3A_46, %lt3A : i32
      %convert_element_type3A = arith.extui %lt3A_47 : i1 to i32
      %cond3A = arith.constant 0 : i32
      %cond3A_48 = arith.cmpi ne, %convert_element_type3A, %cond3A : i32
      scf.if %cond3A_48 {
        %add3A_67 = arith.constant 2 : i32
        %add3A_68 = arith.addi %add3A_37, %add3A_67 : i32
        %dma_start3A_69 = arith.constant 0 : i32
        %dma_start3A_70 = arith.constant 0 : i32
        %dma_start3A_71 = tpu.memref_slice %arg2[%add3A, %add3A_68, %dma_start3A_69, %dma_start3A_70] : memref<32x80x1x128xi32, #tpu.memory_space<hbm>> -> memref<1x1x1x128xi32, #tpu.memory_space<hbm>>
        %dma_start3A_72 = tpu.memref_squeeze %dma_start3A_71 : memref<1x1x1x128xi32, #tpu.memory_space<hbm>> -> memref<1x128xi32, #tpu.memory_space<hbm>>
        %dma_start3A_73 = arith.constant 0 : i32
        %dma_start3A_74 = arith.constant 0 : i32
        %dma_start3A_75 = tpu.memref_slice %arg2[%add3A, %add3A_68, %dma_start3A_73, %dma_start3A_74] : memref<32x80x1x128xi32, #tpu.memory_space<hbm>> -> memref<1x1x1x128xi32, #tpu.memory_space<hbm>>
        %dma_start3A_76 = tpu.memref_squeeze %dma_start3A_75 : memref<1x1x1x128xi32, #tpu.memory_space<hbm>> -> memref<1x128xi32, #tpu.memory_space<hbm>>
        tpu.enqueue_dma source(%dma_start3A_76 : memref<1x128xi32, #tpu.memory_space<hbm>>) target(%arg6 : memref<1x128xi32, #tpu.memory_space<vmem>>) target_semaphore(%arg10 : memref<!tpu.dma_semaphore, #tpu.memory_space<semaphore_mem>>)
      } else {
      }
      %add3A_49 = arith.constant 1 : i32
      %add3A_50 = arith.addi %add3A_35, %add3A_49 : i32
      %dma_wait3A_51 = arith.constant 0 : i32
      %dma_wait3A_52 = arith.constant 0 : i32
      %dma_wait3A_53 = tpu.memref_slice %arg2[%add3A, %add3A_50, %dma_wait3A_51, %dma_wait3A_52] : memref<32x80x1x128xi32, #tpu.memory_space<hbm>> -> memref<1x1x1x128xi32, #tpu.memory_space<hbm>>
      %dma_wait3A_54 = tpu.memref_squeeze %dma_wait3A_53 : memref<1x1x1x128xi32, #tpu.memory_space<hbm>> -> memref<1x128xi32, #tpu.memory_space<hbm>>
      %dma_wait3A_55 = arith.constant 0 : i32
      %dma_wait3A_56 = arith.constant 0 : i32
      %dma_wait3A_57 = tpu.memref_slice %arg2[%add3A, %add3A_50, %dma_wait3A_55, %dma_wait3A_56] : memref<32x80x1x128xi32, #tpu.memory_space<hbm>> -> memref<1x1x1x128xi32, #tpu.memory_space<hbm>>
      %dma_wait3A_58 = tpu.memref_squeeze %dma_wait3A_57 : memref<1x1x1x128xi32, #tpu.memory_space<hbm>> -> memref<1x128xi32, #tpu.memory_space<hbm>>
      tpu.wait_dma2 semaphore(%arg11 : memref<!tpu.dma_semaphore, #tpu.memory_space<semaphore_mem>>) src(%dma_wait3A_58 : memref<1x128xi32, #tpu.memory_space<hbm>>) dst(%arg7 : memref<1x128xi32, #tpu.memory_space<vmem>>)
      %run_scoped3A_59 = arith.constant 0 : i32
      "tpu.region"() ({
        %run_scoped3A_67 = tpu.sem_alloc : memref<!tpu.dma_semaphore, #tpu.memory_space<semaphore_mem>>
        %dma_start3A_68 = arith.constant 0 : i32
        %dma_start3A_69 = tpu.memref_slice %arg7[%run_scoped3A_59, %dma_start3A_68] : memref<1x128xi32, #tpu.memory_space<vmem>> -> memref<1x128xi32, #tpu.memory_space<vmem>>
        %dma_start3A_70 = tpu.memref_squeeze %dma_start3A_69 : memref<1x128xi32, #tpu.memory_space<vmem>> -> memref<128xi32, #tpu.memory_space<vmem>>
        %dma_start3A_71 = arith.constant 0 : i32
        %dma_start3A_72 = arith.constant 0 : i32
        %dma_start3A_73 = tpu.memref_slice %arg9[%dma_start3A_71, %dma_start3A_72] : memref<10240x128xf32, #tpu.memory_space<vmem_shared>> -> memref<10240x128xf32, #tpu.memory_space<vmem_shared>>
        tpu.enqueue_indirect_dma source(%arg8 : memref<128x128xf32, #tpu.memory_space<vmem>>) target(%dma_start3A_73 : memref<10240x128xf32, #tpu.memory_space<vmem_shared>>) offsets(%dma_start3A_70 : memref<128xi32, #tpu.memory_space<vmem>>) semaphore(%run_scoped3A_67 : memref<!tpu.dma_semaphore, #tpu.memory_space<semaphore_mem>>) {add = true}
        %dma_wait3A_74 = arith.constant 0 : i32
        %dma_wait3A_75 = tpu.memref_slice %arg7[%run_scoped3A_59, %dma_wait3A_74] : memref<1x128xi32, #tpu.memory_space<vmem>> -> memref<1x128xi32, #tpu.memory_space<vmem>>
        %dma_wait3A_76 = tpu.memref_squeeze %dma_wait3A_75 : memref<1x128xi32, #tpu.memory_space<vmem>> -> memref<128xi32, #tpu.memory_space<vmem>>
        %dma_wait3A_77 = arith.constant 0 : i32
        %dma_wait3A_78 = arith.constant 0 : i32
        %dma_wait3A_79 = tpu.memref_slice %arg9[%dma_wait3A_77, %dma_wait3A_78] : memref<10240x128xf32, #tpu.memory_space<vmem_shared>> -> memref<10240x128xf32, #tpu.memory_space<vmem_shared>>
        tpu.wait_indirect_dma semaphore(%run_scoped3A_67 : memref<!tpu.dma_semaphore, #tpu.memory_space<semaphore_mem>>) src(%arg8 : memref<128x128xf32, #tpu.memory_space<vmem>>) dst(%dma_wait3A_79 : memref<10240x128xf32, #tpu.memory_space<vmem_shared>>)
        tpu.yield
      }) : () -> ()
      %add3A_60 = arith.constant 2 : i32
      %add3A_61 = arith.addi %add3A_50, %add3A_60 : i32
      %lt3A_62 = arith.constant 80 : i32
      %lt3A_63 = arith.cmpi slt, %add3A_61, %lt3A_62 : i32
      %convert_element_type3A_64 = arith.extui %lt3A_63 : i1 to i32
      %cond3A_65 = arith.constant 0 : i32
      %cond3A_66 = arith.cmpi ne, %convert_element_type3A_64, %cond3A_65 : i32
      scf.if %cond3A_66 {
        %add3A_67 = arith.constant 2 : i32
        %add3A_68 = arith.addi %add3A_50, %add3A_67 : i32
        %dma_start3A_69 = arith.constant 0 : i32
        %dma_start3A_70 = arith.constant 0 : i32
        %dma_start3A_71 = tpu.memref_slice %arg2[%add3A, %add3A_68, %dma_start3A_69, %dma_start3A_70] : memref<32x80x1x128xi32, #tpu.memory_space<hbm>> -> memref<1x1x1x128xi32, #tpu.memory_space<hbm>>
        %dma_start3A_72 = tpu.memref_squeeze %dma_start3A_71 : memref<1x1x1x128xi32, #tpu.memory_space<hbm>> -> memref<1x128xi32, #tpu.memory_space<hbm>>
        %dma_start3A_73 = arith.constant 0 : i32
        %dma_start3A_74 = arith.constant 0 : i32
        %dma_start3A_75 = tpu.memref_slice %arg2[%add3A, %add3A_68, %dma_start3A_73, %dma_start3A_74] : memref<32x80x1x128xi32, #tpu.memory_space<hbm>> -> memref<1x1x1x128xi32, #tpu.memory_space<hbm>>
        %dma_start3A_76 = tpu.memref_squeeze %dma_start3A_75 : memref<1x1x1x128xi32, #tpu.memory_space<hbm>> -> memref<1x128xi32, #tpu.memory_space<hbm>>
        tpu.enqueue_dma source(%dma_start3A_76 : memref<1x128xi32, #tpu.memory_space<hbm>>) target(%arg7 : memref<1x128xi32, #tpu.memory_space<vmem>>) target_semaphore(%arg11 : memref<!tpu.dma_semaphore, #tpu.memory_space<semaphore_mem>>)
      } else {
      }
    }
    %scan3A_25 = arith.constant 40 : i32
    %barrier3A_26 = arith.constant 0 : index
    tpu.barrier barrier_id(%barrier3A_26)
    %mul3A_27 = arith.constant 640 : i32
    %mul3A_28 = arith.muli %arg1, %mul3A_27 : i32
    %mul3A_29 = arith.constant 640 : i32
    %mul3A_30 = arith.muli %arg1, %mul3A_29 : i32
    "tpu.region"() ({
      %run_scoped3A = tpu.sem_alloc : memref<!tpu.dma_semaphore, #tpu.memory_space<semaphore_mem>>
      %dma_start3A_31 = arith.constant 0 : i32
      %dma_start3A_32 = tpu.memref_slice %arg5[%arg0, %mul3A_30, %dma_start3A_31] : memref<2x10240x128xf32, #tpu.memory_space<hbm>> -> memref<1x640x128xf32, #tpu.memory_space<hbm>>
      %dma_start3A_33 = tpu.memref_squeeze %dma_start3A_32 : memref<1x640x128xf32, #tpu.memory_space<hbm>> -> memref<640x128xf32, #tpu.memory_space<hbm>>
      %dma_start3A_34 = arith.constant 0 : i32
      %dma_start3A_35 = tpu.memref_slice %arg9[%mul3A_28, %dma_start3A_34] : memref<10240x128xf32, #tpu.memory_space<vmem_shared>> -> memref<640x128xf32, #tpu.memory_space<vmem_shared>>
      tpu.enqueue_dma source(%dma_start3A_35 : memref<640x128xf32, #tpu.memory_space<vmem_shared>>) target(%dma_start3A_33 : memref<640x128xf32, #tpu.memory_space<hbm>>) target_semaphore(%run_scoped3A : memref<!tpu.dma_semaphore, #tpu.memory_space<semaphore_mem>>)
      %dma_wait3A = arith.constant 0 : i32
      %dma_wait3A_36 = tpu.memref_slice %arg5[%arg0, %mul3A_30, %dma_wait3A] : memref<2x10240x128xf32, #tpu.memory_space<hbm>> -> memref<1x640x128xf32, #tpu.memory_space<hbm>>
      %dma_wait3A_37 = tpu.memref_squeeze %dma_wait3A_36 : memref<1x640x128xf32, #tpu.memory_space<hbm>> -> memref<640x128xf32, #tpu.memory_space<hbm>>
      %dma_wait3A_38 = arith.constant 0 : i32
      %dma_wait3A_39 = tpu.memref_slice %arg9[%mul3A_28, %dma_wait3A_38] : memref<10240x128xf32, #tpu.memory_space<vmem_shared>> -> memref<640x128xf32, #tpu.memory_space<vmem_shared>>
      tpu.wait_dma2 semaphore(%run_scoped3A : memref<!tpu.dma_semaphore, #tpu.memory_space<semaphore_mem>>) src(%dma_wait3A_39 : memref<640x128xf32, #tpu.memory_space<vmem_shared>>) dst(%dma_wait3A_37 : memref<640x128xf32, #tpu.memory_space<hbm>>)
      tpu.yield
    }) : () -> ()
    return
  }
}

#map = affine_map<(d0, d1) -> (0)>
#map1 = affine_map<(d0, d1) -> (0, 0, 0, 0)>
#map2 = affine_map<(d0, d1) -> (0, 0)>
#map3 = affine_map<(d0, d1) -> (0, 0, 0)>
module attributes {stable_mosaic.version = 14 : i64} {
  func.func @prop_kernel(%arg0: i32, %arg1: i32, %arg2: memref<334656xi32, #tpu.memory_space<hbm>>, %arg3: memref<32x252x1x64xi32, #tpu.memory_space<hbm>>, %arg4: memref<10000x128xf32, #tpu.memory_space<hbm>>, %arg5: memref<10240x128xf32, #tpu.memory_space<hbm>>, %arg6: memref<2x10240x128xf32, #tpu.memory_space<hbm>>, %arg7: memref<16128xi32, #tpu.memory_space<vmem>>, %arg8: memref<1x64xi32, #tpu.memory_space<vmem>>, %arg9: memref<1x64xi32, #tpu.memory_space<vmem>>, %arg10: memref<1x64xi32, #tpu.memory_space<vmem>>, %arg11: memref<64x128xf32, #tpu.memory_space<vmem>>, %arg12: memref<64x128xf32, #tpu.memory_space<vmem>>, %arg13: memref<64x128xf32, #tpu.memory_space<vmem>>, %arg14: memref<10240x128xf32, #tpu.memory_space<vmem_shared>>, %arg15: memref<!tpu.dma_semaphore, #tpu.memory_space<semaphore_mem>>, %arg16: memref<!tpu.dma_semaphore, #tpu.memory_space<semaphore_mem>>, %arg17: memref<!tpu.dma_semaphore, #tpu.memory_space<semaphore_mem>>, %arg18: memref<!tpu.dma_semaphore, #tpu.memory_space<semaphore_mem>>, %arg19: memref<!tpu.dma_semaphore, #tpu.memory_space<semaphore_mem>>, %arg20: memref<!tpu.dma_semaphore, #tpu.memory_space<semaphore_mem>>) attributes {dimension_semantics = [#tpu.dimension_semantics<core_parallel>, #tpu.dimension_semantics<subcore_parallel>], iteration_bounds = array<i64: 2, 16>, scalar_prefetch = 0 : i64, scratch_operands = 14 : i64, tpu.core_type = #tpu.core_type<sc_vector_subcore>, window_params = [{transform_indices = #map}, {transform_indices = #map1}, {transform_indices = #map2}, {transform_indices = #map2}, {transform_indices = #map3}]} {
    %mul3A = arith.constant 16 : i32
    %mul3A_0 = arith.muli %arg0, %mul3A : i32
    %add3A = arith.addi %mul3A_0, %arg1 : i32
    %eq3A = arith.constant 0 : i32
    %eq3A_1 = arith.cmpi eq, %arg0, %eq3A : i32
    %jit3A = arith.constant 252 : i32
    %jit3A_2 = arith.constant 63 : i32
    %select_n3A = arith.select %eq3A_1, %jit3A, %jit3A_2 : i32
    %eq3A_3 = arith.constant 0 : i32
    %eq3A_4 = arith.cmpi eq, %arg0, %eq3A_3 : i32
    %mul3A_5 = arith.constant 16128 : i32
    %mul3A_6 = arith.muli %arg1, %mul3A_5 : i32
    %mul3A_7 = arith.constant 4032 : i32
    %mul3A_8 = arith.muli %arg1, %mul3A_7 : i32
    %add3A_9 = arith.constant 258048 : i32
    %add3A_10 = arith.addi %add3A_9, %mul3A_8 : i32
    %select_n3A_11 = arith.select %eq3A_4, %mul3A_6, %add3A_10 : i32
    %mul3A_12 = arith.constant 640 : i32
    %mul3A_13 = arith.muli %arg1, %mul3A_12 : i32
    %mul3A_14 = arith.constant 640 : i32
    %mul3A_15 = arith.muli %arg1, %mul3A_14 : i32
    "tpu.region"() ({
      %run_scoped3A = tpu.sem_alloc : memref<!tpu.dma_semaphore, #tpu.memory_space<semaphore_mem>>
      %dma_start3A_78 = arith.constant 0 : i32
      %dma_start3A_79 = tpu.memref_slice %arg14[%mul3A_15, %dma_start3A_78] : memref<10240x128xf32, #tpu.memory_space<vmem_shared>> -> memref<640x128xf32, #tpu.memory_space<vmem_shared>>
      %dma_start3A_80 = arith.constant 0 : i32
      %dma_start3A_81 = tpu.memref_slice %arg5[%mul3A_13, %dma_start3A_80] : memref<10240x128xf32, #tpu.memory_space<hbm>> -> memref<640x128xf32, #tpu.memory_space<hbm>>
      tpu.enqueue_dma source(%dma_start3A_81 : memref<640x128xf32, #tpu.memory_space<hbm>>) target(%dma_start3A_79 : memref<640x128xf32, #tpu.memory_space<vmem_shared>>) target_semaphore(%run_scoped3A : memref<!tpu.dma_semaphore, #tpu.memory_space<semaphore_mem>>)
      %dma_wait3A = arith.constant 0 : i32
      %dma_wait3A_82 = tpu.memref_slice %arg14[%mul3A_15, %dma_wait3A] : memref<10240x128xf32, #tpu.memory_space<vmem_shared>> -> memref<640x128xf32, #tpu.memory_space<vmem_shared>>
      %dma_wait3A_83 = arith.constant 0 : i32
      %dma_wait3A_84 = tpu.memref_slice %arg5[%mul3A_13, %dma_wait3A_83] : memref<10240x128xf32, #tpu.memory_space<hbm>> -> memref<640x128xf32, #tpu.memory_space<hbm>>
      tpu.wait_dma2 semaphore(%run_scoped3A : memref<!tpu.dma_semaphore, #tpu.memory_space<semaphore_mem>>) src(%dma_wait3A_84 : memref<640x128xf32, #tpu.memory_space<hbm>>) dst(%dma_wait3A_82 : memref<640x128xf32, #tpu.memory_space<vmem_shared>>)
      tpu.yield
    }) : () -> ()
    "tpu.region"() ({
      %run_scoped3A = tpu.sem_alloc : memref<!tpu.dma_semaphore, #tpu.memory_space<semaphore_mem>>
      %dma_start3A_78 = tpu.memref_slice %arg2[%select_n3A_11] : memref<334656xi32, #tpu.memory_space<hbm>> -> memref<16128xi32, #tpu.memory_space<hbm>>
      %dma_start3A_79 = tpu.memref_slice %arg2[%select_n3A_11] : memref<334656xi32, #tpu.memory_space<hbm>> -> memref<16128xi32, #tpu.memory_space<hbm>>
      tpu.enqueue_dma source(%dma_start3A_79 : memref<16128xi32, #tpu.memory_space<hbm>>) target(%arg7 : memref<16128xi32, #tpu.memory_space<vmem>>) target_semaphore(%run_scoped3A : memref<!tpu.dma_semaphore, #tpu.memory_space<semaphore_mem>>)
      %dma_wait3A = tpu.memref_slice %arg2[%select_n3A_11] : memref<334656xi32, #tpu.memory_space<hbm>> -> memref<16128xi32, #tpu.memory_space<hbm>>
      %dma_wait3A_80 = tpu.memref_slice %arg2[%select_n3A_11] : memref<334656xi32, #tpu.memory_space<hbm>> -> memref<16128xi32, #tpu.memory_space<hbm>>
      tpu.wait_dma2 semaphore(%run_scoped3A : memref<!tpu.dma_semaphore, #tpu.memory_space<semaphore_mem>>) src(%dma_wait3A_80 : memref<16128xi32, #tpu.memory_space<hbm>>) dst(%arg7 : memref<16128xi32, #tpu.memory_space<vmem>>)
      tpu.yield
    }) : () -> ()
    %dma_start3A = arith.constant 0 : i32
    %dma_start3A_16 = arith.constant 0 : i32
    %dma_start3A_17 = arith.constant 0 : i32
    %dma_start3A_18 = tpu.memref_slice %arg3[%add3A, %dma_start3A, %dma_start3A_16, %dma_start3A_17] : memref<32x252x1x64xi32, #tpu.memory_space<hbm>> -> memref<1x1x1x64xi32, #tpu.memory_space<hbm>>
    %dma_start3A_19 = tpu.memref_squeeze %dma_start3A_18 : memref<1x1x1x64xi32, #tpu.memory_space<hbm>> -> memref<1x64xi32, #tpu.memory_space<hbm>>
    %dma_start3A_20 = arith.constant 0 : i32
    %dma_start3A_21 = arith.constant 0 : i32
    %dma_start3A_22 = tpu.memref_slice %arg3[%add3A, %dma_start3A, %dma_start3A_20, %dma_start3A_21] : memref<32x252x1x64xi32, #tpu.memory_space<hbm>> -> memref<1x1x1x64xi32, #tpu.memory_space<hbm>>
    %dma_start3A_23 = tpu.memref_squeeze %dma_start3A_22 : memref<1x1x1x64xi32, #tpu.memory_space<hbm>> -> memref<1x64xi32, #tpu.memory_space<hbm>>
    tpu.enqueue_dma source(%dma_start3A_23 : memref<1x64xi32, #tpu.memory_space<hbm>>) target(%arg8 : memref<1x64xi32, #tpu.memory_space<vmem>>) target_semaphore(%arg15 : memref<!tpu.dma_semaphore, #tpu.memory_space<semaphore_mem>>)
    %dma_start3A_24 = arith.constant 0 : i32
    %dma_start3A_25 = tpu.memref_slice %arg7[%dma_start3A_24] : memref<16128xi32, #tpu.memory_space<vmem>> -> memref<64xi32, #tpu.memory_space<vmem>>
    %dma_start3A_26 = arith.constant 0 : i32
    %dma_start3A_27 = arith.constant 0 : i32
    %dma_start3A_28 = tpu.memref_slice %arg4[%dma_start3A_26, %dma_start3A_27] : memref<10000x128xf32, #tpu.memory_space<hbm>> -> memref<10000x128xf32, #tpu.memory_space<hbm>>
    tpu.enqueue_indirect_dma source(%dma_start3A_28 : memref<10000x128xf32, #tpu.memory_space<hbm>>) target(%arg11 : memref<64x128xf32, #tpu.memory_space<vmem>>) offsets(%dma_start3A_25 : memref<64xi32, #tpu.memory_space<vmem>>) semaphore(%arg18 : memref<!tpu.dma_semaphore, #tpu.memory_space<semaphore_mem>>)
    %dma_start3A_29 = arith.constant 1 : i32
    %dma_start3A_30 = arith.constant 0 : i32
    %dma_start3A_31 = arith.constant 0 : i32
    %dma_start3A_32 = tpu.memref_slice %arg3[%add3A, %dma_start3A_29, %dma_start3A_30, %dma_start3A_31] : memref<32x252x1x64xi32, #tpu.memory_space<hbm>> -> memref<1x1x1x64xi32, #tpu.memory_space<hbm>>
    %dma_start3A_33 = tpu.memref_squeeze %dma_start3A_32 : memref<1x1x1x64xi32, #tpu.memory_space<hbm>> -> memref<1x64xi32, #tpu.memory_space<hbm>>
    %dma_start3A_34 = arith.constant 0 : i32
    %dma_start3A_35 = arith.constant 0 : i32
    %dma_start3A_36 = tpu.memref_slice %arg3[%add3A, %dma_start3A_29, %dma_start3A_34, %dma_start3A_35] : memref<32x252x1x64xi32, #tpu.memory_space<hbm>> -> memref<1x1x1x64xi32, #tpu.memory_space<hbm>>
    %dma_start3A_37 = tpu.memref_squeeze %dma_start3A_36 : memref<1x1x1x64xi32, #tpu.memory_space<hbm>> -> memref<1x64xi32, #tpu.memory_space<hbm>>
    tpu.enqueue_dma source(%dma_start3A_37 : memref<1x64xi32, #tpu.memory_space<hbm>>) target(%arg9 : memref<1x64xi32, #tpu.memory_space<vmem>>) target_semaphore(%arg16 : memref<!tpu.dma_semaphore, #tpu.memory_space<semaphore_mem>>)
    %dma_start3A_38 = arith.constant 64 : i32
    %dma_start3A_39 = tpu.memref_slice %arg7[%dma_start3A_38] : memref<16128xi32, #tpu.memory_space<vmem>> -> memref<64xi32, #tpu.memory_space<vmem>>
    %dma_start3A_40 = arith.constant 0 : i32
    %dma_start3A_41 = arith.constant 0 : i32
    %dma_start3A_42 = tpu.memref_slice %arg4[%dma_start3A_40, %dma_start3A_41] : memref<10000x128xf32, #tpu.memory_space<hbm>> -> memref<10000x128xf32, #tpu.memory_space<hbm>>
    tpu.enqueue_indirect_dma source(%dma_start3A_42 : memref<10000x128xf32, #tpu.memory_space<hbm>>) target(%arg12 : memref<64x128xf32, #tpu.memory_space<vmem>>) offsets(%dma_start3A_39 : memref<64xi32, #tpu.memory_space<vmem>>) semaphore(%arg19 : memref<!tpu.dma_semaphore, #tpu.memory_space<semaphore_mem>>)
    %dma_start3A_43 = arith.constant 2 : i32
    %dma_start3A_44 = arith.constant 0 : i32
    %dma_start3A_45 = arith.constant 0 : i32
    %dma_start3A_46 = tpu.memref_slice %arg3[%add3A, %dma_start3A_43, %dma_start3A_44, %dma_start3A_45] : memref<32x252x1x64xi32, #tpu.memory_space<hbm>> -> memref<1x1x1x64xi32, #tpu.memory_space<hbm>>
    %dma_start3A_47 = tpu.memref_squeeze %dma_start3A_46 : memref<1x1x1x64xi32, #tpu.memory_space<hbm>> -> memref<1x64xi32, #tpu.memory_space<hbm>>
    %dma_start3A_48 = arith.constant 0 : i32
    %dma_start3A_49 = arith.constant 0 : i32
    %dma_start3A_50 = tpu.memref_slice %arg3[%add3A, %dma_start3A_43, %dma_start3A_48, %dma_start3A_49] : memref<32x252x1x64xi32, #tpu.memory_space<hbm>> -> memref<1x1x1x64xi32, #tpu.memory_space<hbm>>
    %dma_start3A_51 = tpu.memref_squeeze %dma_start3A_50 : memref<1x1x1x64xi32, #tpu.memory_space<hbm>> -> memref<1x64xi32, #tpu.memory_space<hbm>>
    tpu.enqueue_dma source(%dma_start3A_51 : memref<1x64xi32, #tpu.memory_space<hbm>>) target(%arg10 : memref<1x64xi32, #tpu.memory_space<vmem>>) target_semaphore(%arg17 : memref<!tpu.dma_semaphore, #tpu.memory_space<semaphore_mem>>)
    %dma_start3A_52 = arith.constant 128 : i32
    %dma_start3A_53 = tpu.memref_slice %arg7[%dma_start3A_52] : memref<16128xi32, #tpu.memory_space<vmem>> -> memref<64xi32, #tpu.memory_space<vmem>>
    %dma_start3A_54 = arith.constant 0 : i32
    %dma_start3A_55 = arith.constant 0 : i32
    %dma_start3A_56 = tpu.memref_slice %arg4[%dma_start3A_54, %dma_start3A_55] : memref<10000x128xf32, #tpu.memory_space<hbm>> -> memref<10000x128xf32, #tpu.memory_space<hbm>>
    tpu.enqueue_indirect_dma source(%dma_start3A_56 : memref<10000x128xf32, #tpu.memory_space<hbm>>) target(%arg13 : memref<64x128xf32, #tpu.memory_space<vmem>>) offsets(%dma_start3A_53 : memref<64xi32, #tpu.memory_space<vmem>>) semaphore(%arg20 : memref<!tpu.dma_semaphore, #tpu.memory_space<semaphore_mem>>)
    %barrier3A = arith.constant 0 : index
    tpu.barrier barrier_id(%barrier3A)
    %sub3A = arith.constant 0 : i32
    %sub3A_57 = arith.subi %select_n3A, %sub3A : i32
    %sub3A_58 = arith.constant 3 : i32
    %sub3A_59 = arith.constant 1 : i32
    %sub3A_60 = arith.subi %sub3A_58, %sub3A_59 : i32
    %add3A_61 = arith.addi %sub3A_57, %sub3A_60 : i32
    %div3A = arith.constant 3 : i32
    %div3A_62 = arith.divsi %add3A_61, %div3A : i32
    %while3A = arith.constant 3 : i32
    %while3A_63 = arith.constant 0 : i32
    %while3A_64 = arith.constant 0 : i32
    %while3A_65 = arith.subi %div3A_62, %while3A_64 : i32
    %while3A_66 = arith.addi %while3A_64, %while3A_65 : i32
    %while3A_67 = arith.constant 1 : i32
    %while3A_68 = arith.divsi %while3A_65, %while3A_67 : i32
    %while3A_69 = arith.muli %while3A_68, %while3A_67 : i32
    %while3A_70 = arith.addi %while3A_64, %while3A_69 : i32
    %while3A_71 = arith.constant 1 : i32
    scf.for %while3A_78 = %while3A_64 to %while3A_70 step %while3A_71  : i32 {
      %mul3A_79 = arith.muli %while3A_78, %while3A : i32
      %add3A_80 = arith.addi %while3A_63, %mul3A_79 : i32
      %add3A_81 = arith.constant 0 : i32
      %add3A_82 = arith.addi %add3A_80, %add3A_81 : i32
      %mul3A_83 = arith.constant 64 : i32
      %mul3A_84 = arith.muli %add3A_82, %mul3A_83 : i32
      %dma_wait3A = tpu.memref_slice %arg7[%mul3A_84] : memref<16128xi32, #tpu.memory_space<vmem>> -> memref<64xi32, #tpu.memory_space<vmem>>
      %dma_wait3A_85 = arith.constant 0 : i32
      %dma_wait3A_86 = arith.constant 0 : i32
      %dma_wait3A_87 = tpu.memref_slice %arg4[%dma_wait3A_85, %dma_wait3A_86] : memref<10000x128xf32, #tpu.memory_space<hbm>> -> memref<10000x128xf32, #tpu.memory_space<hbm>>
      tpu.wait_indirect_dma semaphore(%arg18 : memref<!tpu.dma_semaphore, #tpu.memory_space<semaphore_mem>>) src(%dma_wait3A_87 : memref<10000x128xf32, #tpu.memory_space<hbm>>) dst(%arg11 : memref<64x128xf32, #tpu.memory_space<vmem>>)
      %dma_wait3A_88 = arith.constant 0 : i32
      %dma_wait3A_89 = arith.constant 0 : i32
      %dma_wait3A_90 = tpu.memref_slice %arg3[%add3A, %add3A_82, %dma_wait3A_88, %dma_wait3A_89] : memref<32x252x1x64xi32, #tpu.memory_space<hbm>> -> memref<1x1x1x64xi32, #tpu.memory_space<hbm>>
      %dma_wait3A_91 = tpu.memref_squeeze %dma_wait3A_90 : memref<1x1x1x64xi32, #tpu.memory_space<hbm>> -> memref<1x64xi32, #tpu.memory_space<hbm>>
      %dma_wait3A_92 = arith.constant 0 : i32
      %dma_wait3A_93 = arith.constant 0 : i32
      %dma_wait3A_94 = tpu.memref_slice %arg3[%add3A, %add3A_82, %dma_wait3A_92, %dma_wait3A_93] : memref<32x252x1x64xi32, #tpu.memory_space<hbm>> -> memref<1x1x1x64xi32, #tpu.memory_space<hbm>>
      %dma_wait3A_95 = tpu.memref_squeeze %dma_wait3A_94 : memref<1x1x1x64xi32, #tpu.memory_space<hbm>> -> memref<1x64xi32, #tpu.memory_space<hbm>>
      tpu.wait_dma2 semaphore(%arg15 : memref<!tpu.dma_semaphore, #tpu.memory_space<semaphore_mem>>) src(%dma_wait3A_95 : memref<1x64xi32, #tpu.memory_space<hbm>>) dst(%arg8 : memref<1x64xi32, #tpu.memory_space<vmem>>)
      %run_scoped3A = arith.constant 0 : i32
      "tpu.region"() ({
        %run_scoped3A_145 = tpu.sem_alloc : memref<!tpu.dma_semaphore, #tpu.memory_space<semaphore_mem>>
        %dma_start3A_146 = arith.constant 0 : i32
        %dma_start3A_147 = tpu.memref_slice %arg8[%run_scoped3A, %dma_start3A_146] : memref<1x64xi32, #tpu.memory_space<vmem>> -> memref<1x64xi32, #tpu.memory_space<vmem>>
        %dma_start3A_148 = tpu.memref_squeeze %dma_start3A_147 : memref<1x64xi32, #tpu.memory_space<vmem>> -> memref<64xi32, #tpu.memory_space<vmem>>
        %dma_start3A_149 = arith.constant 0 : i32
        %dma_start3A_150 = arith.constant 0 : i32
        %dma_start3A_151 = tpu.memref_slice %arg14[%dma_start3A_149, %dma_start3A_150] : memref<10240x128xf32, #tpu.memory_space<vmem_shared>> -> memref<10240x128xf32, #tpu.memory_space<vmem_shared>>
        tpu.enqueue_indirect_dma source(%arg11 : memref<64x128xf32, #tpu.memory_space<vmem>>) target(%dma_start3A_151 : memref<10240x128xf32, #tpu.memory_space<vmem_shared>>) offsets(%dma_start3A_148 : memref<64xi32, #tpu.memory_space<vmem>>) semaphore(%run_scoped3A_145 : memref<!tpu.dma_semaphore, #tpu.memory_space<semaphore_mem>>) {add = true}
        %dma_wait3A_152 = arith.constant 0 : i32
        %dma_wait3A_153 = tpu.memref_slice %arg8[%run_scoped3A, %dma_wait3A_152] : memref<1x64xi32, #tpu.memory_space<vmem>> -> memref<1x64xi32, #tpu.memory_space<vmem>>
        %dma_wait3A_154 = tpu.memref_squeeze %dma_wait3A_153 : memref<1x64xi32, #tpu.memory_space<vmem>> -> memref<64xi32, #tpu.memory_space<vmem>>
        %dma_wait3A_155 = arith.constant 0 : i32
        %dma_wait3A_156 = arith.constant 0 : i32
        %dma_wait3A_157 = tpu.memref_slice %arg14[%dma_wait3A_155, %dma_wait3A_156] : memref<10240x128xf32, #tpu.memory_space<vmem_shared>> -> memref<10240x128xf32, #tpu.memory_space<vmem_shared>>
        tpu.wait_indirect_dma semaphore(%run_scoped3A_145 : memref<!tpu.dma_semaphore, #tpu.memory_space<semaphore_mem>>) src(%arg11 : memref<64x128xf32, #tpu.memory_space<vmem>>) dst(%dma_wait3A_157 : memref<10240x128xf32, #tpu.memory_space<vmem_shared>>)
        tpu.yield
      }) : () -> ()
      %add3A_96 = arith.constant 3 : i32
      %add3A_97 = arith.addi %add3A_82, %add3A_96 : i32
      %lt3A = arith.cmpi slt, %add3A_97, %select_n3A : i32
      %convert_element_type3A = arith.extui %lt3A : i1 to i32
      %cond3A = arith.constant 0 : i32
      %cond3A_98 = arith.cmpi ne, %convert_element_type3A, %cond3A : i32
      scf.if %cond3A_98 {
        %add3A_145 = arith.constant 3 : i32
        %add3A_146 = arith.addi %add3A_82, %add3A_145 : i32
        %dma_start3A_147 = arith.constant 0 : i32
        %dma_start3A_148 = arith.constant 0 : i32
        %dma_start3A_149 = tpu.memref_slice %arg3[%add3A, %add3A_146, %dma_start3A_147, %dma_start3A_148] : memref<32x252x1x64xi32, #tpu.memory_space<hbm>> -> memref<1x1x1x64xi32, #tpu.memory_space<hbm>>
        %dma_start3A_150 = tpu.memref_squeeze %dma_start3A_149 : memref<1x1x1x64xi32, #tpu.memory_space<hbm>> -> memref<1x64xi32, #tpu.memory_space<hbm>>
        %dma_start3A_151 = arith.constant 0 : i32
        %dma_start3A_152 = arith.constant 0 : i32
        %dma_start3A_153 = tpu.memref_slice %arg3[%add3A, %add3A_146, %dma_start3A_151, %dma_start3A_152] : memref<32x252x1x64xi32, #tpu.memory_space<hbm>> -> memref<1x1x1x64xi32, #tpu.memory_space<hbm>>
        %dma_start3A_154 = tpu.memref_squeeze %dma_start3A_153 : memref<1x1x1x64xi32, #tpu.memory_space<hbm>> -> memref<1x64xi32, #tpu.memory_space<hbm>>
        tpu.enqueue_dma source(%dma_start3A_154 : memref<1x64xi32, #tpu.memory_space<hbm>>) target(%arg8 : memref<1x64xi32, #tpu.memory_space<vmem>>) target_semaphore(%arg15 : memref<!tpu.dma_semaphore, #tpu.memory_space<semaphore_mem>>)
        %add3A_155 = arith.constant 3 : i32
        %add3A_156 = arith.addi %add3A_82, %add3A_155 : i32
        %mul3A_157 = arith.constant 64 : i32
        %mul3A_158 = arith.muli %add3A_156, %mul3A_157 : i32
        %dma_start3A_159 = tpu.memref_slice %arg7[%mul3A_158] : memref<16128xi32, #tpu.memory_space<vmem>> -> memref<64xi32, #tpu.memory_space<vmem>>
        %dma_start3A_160 = arith.constant 0 : i32
        %dma_start3A_161 = arith.constant 0 : i32
        %dma_start3A_162 = tpu.memref_slice %arg4[%dma_start3A_160, %dma_start3A_161] : memref<10000x128xf32, #tpu.memory_space<hbm>> -> memref<10000x128xf32, #tpu.memory_space<hbm>>
        tpu.enqueue_indirect_dma source(%dma_start3A_162 : memref<10000x128xf32, #tpu.memory_space<hbm>>) target(%arg11 : memref<64x128xf32, #tpu.memory_space<vmem>>) offsets(%dma_start3A_159 : memref<64xi32, #tpu.memory_space<vmem>>) semaphore(%arg18 : memref<!tpu.dma_semaphore, #tpu.memory_space<semaphore_mem>>)
      } else {
      }
      %add3A_99 = arith.constant 1 : i32
      %add3A_100 = arith.addi %add3A_80, %add3A_99 : i32
      %mul3A_101 = arith.constant 64 : i32
      %mul3A_102 = arith.muli %add3A_100, %mul3A_101 : i32
      %dma_wait3A_103 = tpu.memref_slice %arg7[%mul3A_102] : memref<16128xi32, #tpu.memory_space<vmem>> -> memref<64xi32, #tpu.memory_space<vmem>>
      %dma_wait3A_104 = arith.constant 0 : i32
      %dma_wait3A_105 = arith.constant 0 : i32
      %dma_wait3A_106 = tpu.memref_slice %arg4[%dma_wait3A_104, %dma_wait3A_105] : memref<10000x128xf32, #tpu.memory_space<hbm>> -> memref<10000x128xf32, #tpu.memory_space<hbm>>
      tpu.wait_indirect_dma semaphore(%arg19 : memref<!tpu.dma_semaphore, #tpu.memory_space<semaphore_mem>>) src(%dma_wait3A_106 : memref<10000x128xf32, #tpu.memory_space<hbm>>) dst(%arg12 : memref<64x128xf32, #tpu.memory_space<vmem>>)
      %dma_wait3A_107 = arith.constant 0 : i32
      %dma_wait3A_108 = arith.constant 0 : i32
      %dma_wait3A_109 = tpu.memref_slice %arg3[%add3A, %add3A_100, %dma_wait3A_107, %dma_wait3A_108] : memref<32x252x1x64xi32, #tpu.memory_space<hbm>> -> memref<1x1x1x64xi32, #tpu.memory_space<hbm>>
      %dma_wait3A_110 = tpu.memref_squeeze %dma_wait3A_109 : memref<1x1x1x64xi32, #tpu.memory_space<hbm>> -> memref<1x64xi32, #tpu.memory_space<hbm>>
      %dma_wait3A_111 = arith.constant 0 : i32
      %dma_wait3A_112 = arith.constant 0 : i32
      %dma_wait3A_113 = tpu.memref_slice %arg3[%add3A, %add3A_100, %dma_wait3A_111, %dma_wait3A_112] : memref<32x252x1x64xi32, #tpu.memory_space<hbm>> -> memref<1x1x1x64xi32, #tpu.memory_space<hbm>>
      %dma_wait3A_114 = tpu.memref_squeeze %dma_wait3A_113 : memref<1x1x1x64xi32, #tpu.memory_space<hbm>> -> memref<1x64xi32, #tpu.memory_space<hbm>>
      tpu.wait_dma2 semaphore(%arg16 : memref<!tpu.dma_semaphore, #tpu.memory_space<semaphore_mem>>) src(%dma_wait3A_114 : memref<1x64xi32, #tpu.memory_space<hbm>>) dst(%arg9 : memref<1x64xi32, #tpu.memory_space<vmem>>)
      %run_scoped3A_115 = arith.constant 0 : i32
      "tpu.region"() ({
        %run_scoped3A_145 = tpu.sem_alloc : memref<!tpu.dma_semaphore, #tpu.memory_space<semaphore_mem>>
        %dma_start3A_146 = arith.constant 0 : i32
        %dma_start3A_147 = tpu.memref_slice %arg9[%run_scoped3A_115, %dma_start3A_146] : memref<1x64xi32, #tpu.memory_space<vmem>> -> memref<1x64xi32, #tpu.memory_space<vmem>>
        %dma_start3A_148 = tpu.memref_squeeze %dma_start3A_147 : memref<1x64xi32, #tpu.memory_space<vmem>> -> memref<64xi32, #tpu.memory_space<vmem>>
        %dma_start3A_149 = arith.constant 0 : i32
        %dma_start3A_150 = arith.constant 0 : i32
        %dma_start3A_151 = tpu.memref_slice %arg14[%dma_start3A_149, %dma_start3A_150] : memref<10240x128xf32, #tpu.memory_space<vmem_shared>> -> memref<10240x128xf32, #tpu.memory_space<vmem_shared>>
        tpu.enqueue_indirect_dma source(%arg12 : memref<64x128xf32, #tpu.memory_space<vmem>>) target(%dma_start3A_151 : memref<10240x128xf32, #tpu.memory_space<vmem_shared>>) offsets(%dma_start3A_148 : memref<64xi32, #tpu.memory_space<vmem>>) semaphore(%run_scoped3A_145 : memref<!tpu.dma_semaphore, #tpu.memory_space<semaphore_mem>>) {add = true}
        %dma_wait3A_152 = arith.constant 0 : i32
        %dma_wait3A_153 = tpu.memref_slice %arg9[%run_scoped3A_115, %dma_wait3A_152] : memref<1x64xi32, #tpu.memory_space<vmem>> -> memref<1x64xi32, #tpu.memory_space<vmem>>
        %dma_wait3A_154 = tpu.memref_squeeze %dma_wait3A_153 : memref<1x64xi32, #tpu.memory_space<vmem>> -> memref<64xi32, #tpu.memory_space<vmem>>
        %dma_wait3A_155 = arith.constant 0 : i32
        %dma_wait3A_156 = arith.constant 0 : i32
        %dma_wait3A_157 = tpu.memref_slice %arg14[%dma_wait3A_155, %dma_wait3A_156] : memref<10240x128xf32, #tpu.memory_space<vmem_shared>> -> memref<10240x128xf32, #tpu.memory_space<vmem_shared>>
        tpu.wait_indirect_dma semaphore(%run_scoped3A_145 : memref<!tpu.dma_semaphore, #tpu.memory_space<semaphore_mem>>) src(%arg12 : memref<64x128xf32, #tpu.memory_space<vmem>>) dst(%dma_wait3A_157 : memref<10240x128xf32, #tpu.memory_space<vmem_shared>>)
        tpu.yield
      }) : () -> ()
      %add3A_116 = arith.constant 3 : i32
      %add3A_117 = arith.addi %add3A_100, %add3A_116 : i32
      %lt3A_118 = arith.cmpi slt, %add3A_117, %select_n3A : i32
      %convert_element_type3A_119 = arith.extui %lt3A_118 : i1 to i32
      %cond3A_120 = arith.constant 0 : i32
      %cond3A_121 = arith.cmpi ne, %convert_element_type3A_119, %cond3A_120 : i32
      scf.if %cond3A_121 {
        %add3A_145 = arith.constant 3 : i32
        %add3A_146 = arith.addi %add3A_100, %add3A_145 : i32
        %dma_start3A_147 = arith.constant 0 : i32
        %dma_start3A_148 = arith.constant 0 : i32
        %dma_start3A_149 = tpu.memref_slice %arg3[%add3A, %add3A_146, %dma_start3A_147, %dma_start3A_148] : memref<32x252x1x64xi32, #tpu.memory_space<hbm>> -> memref<1x1x1x64xi32, #tpu.memory_space<hbm>>
        %dma_start3A_150 = tpu.memref_squeeze %dma_start3A_149 : memref<1x1x1x64xi32, #tpu.memory_space<hbm>> -> memref<1x64xi32, #tpu.memory_space<hbm>>
        %dma_start3A_151 = arith.constant 0 : i32
        %dma_start3A_152 = arith.constant 0 : i32
        %dma_start3A_153 = tpu.memref_slice %arg3[%add3A, %add3A_146, %dma_start3A_151, %dma_start3A_152] : memref<32x252x1x64xi32, #tpu.memory_space<hbm>> -> memref<1x1x1x64xi32, #tpu.memory_space<hbm>>
        %dma_start3A_154 = tpu.memref_squeeze %dma_start3A_153 : memref<1x1x1x64xi32, #tpu.memory_space<hbm>> -> memref<1x64xi32, #tpu.memory_space<hbm>>
        tpu.enqueue_dma source(%dma_start3A_154 : memref<1x64xi32, #tpu.memory_space<hbm>>) target(%arg9 : memref<1x64xi32, #tpu.memory_space<vmem>>) target_semaphore(%arg16 : memref<!tpu.dma_semaphore, #tpu.memory_space<semaphore_mem>>)
        %add3A_155 = arith.constant 3 : i32
        %add3A_156 = arith.addi %add3A_100, %add3A_155 : i32
        %mul3A_157 = arith.constant 64 : i32
        %mul3A_158 = arith.muli %add3A_156, %mul3A_157 : i32
        %dma_start3A_159 = tpu.memref_slice %arg7[%mul3A_158] : memref<16128xi32, #tpu.memory_space<vmem>> -> memref<64xi32, #tpu.memory_space<vmem>>
        %dma_start3A_160 = arith.constant 0 : i32
        %dma_start3A_161 = arith.constant 0 : i32
        %dma_start3A_162 = tpu.memref_slice %arg4[%dma_start3A_160, %dma_start3A_161] : memref<10000x128xf32, #tpu.memory_space<hbm>> -> memref<10000x128xf32, #tpu.memory_space<hbm>>
        tpu.enqueue_indirect_dma source(%dma_start3A_162 : memref<10000x128xf32, #tpu.memory_space<hbm>>) target(%arg12 : memref<64x128xf32, #tpu.memory_space<vmem>>) offsets(%dma_start3A_159 : memref<64xi32, #tpu.memory_space<vmem>>) semaphore(%arg19 : memref<!tpu.dma_semaphore, #tpu.memory_space<semaphore_mem>>)
      } else {
      }
      %add3A_122 = arith.constant 2 : i32
      %add3A_123 = arith.addi %add3A_80, %add3A_122 : i32
      %mul3A_124 = arith.constant 64 : i32
      %mul3A_125 = arith.muli %add3A_123, %mul3A_124 : i32
      %dma_wait3A_126 = tpu.memref_slice %arg7[%mul3A_125] : memref<16128xi32, #tpu.memory_space<vmem>> -> memref<64xi32, #tpu.memory_space<vmem>>
      %dma_wait3A_127 = arith.constant 0 : i32
      %dma_wait3A_128 = arith.constant 0 : i32
      %dma_wait3A_129 = tpu.memref_slice %arg4[%dma_wait3A_127, %dma_wait3A_128] : memref<10000x128xf32, #tpu.memory_space<hbm>> -> memref<10000x128xf32, #tpu.memory_space<hbm>>
      tpu.wait_indirect_dma semaphore(%arg20 : memref<!tpu.dma_semaphore, #tpu.memory_space<semaphore_mem>>) src(%dma_wait3A_129 : memref<10000x128xf32, #tpu.memory_space<hbm>>) dst(%arg13 : memref<64x128xf32, #tpu.memory_space<vmem>>)
      %dma_wait3A_130 = arith.constant 0 : i32
      %dma_wait3A_131 = arith.constant 0 : i32
      %dma_wait3A_132 = tpu.memref_slice %arg3[%add3A, %add3A_123, %dma_wait3A_130, %dma_wait3A_131] : memref<32x252x1x64xi32, #tpu.memory_space<hbm>> -> memref<1x1x1x64xi32, #tpu.memory_space<hbm>>
      %dma_wait3A_133 = tpu.memref_squeeze %dma_wait3A_132 : memref<1x1x1x64xi32, #tpu.memory_space<hbm>> -> memref<1x64xi32, #tpu.memory_space<hbm>>
      %dma_wait3A_134 = arith.constant 0 : i32
      %dma_wait3A_135 = arith.constant 0 : i32
      %dma_wait3A_136 = tpu.memref_slice %arg3[%add3A, %add3A_123, %dma_wait3A_134, %dma_wait3A_135] : memref<32x252x1x64xi32, #tpu.memory_space<hbm>> -> memref<1x1x1x64xi32, #tpu.memory_space<hbm>>
      %dma_wait3A_137 = tpu.memref_squeeze %dma_wait3A_136 : memref<1x1x1x64xi32, #tpu.memory_space<hbm>> -> memref<1x64xi32, #tpu.memory_space<hbm>>
      tpu.wait_dma2 semaphore(%arg17 : memref<!tpu.dma_semaphore, #tpu.memory_space<semaphore_mem>>) src(%dma_wait3A_137 : memref<1x64xi32, #tpu.memory_space<hbm>>) dst(%arg10 : memref<1x64xi32, #tpu.memory_space<vmem>>)
      %run_scoped3A_138 = arith.constant 0 : i32
      "tpu.region"() ({
        %run_scoped3A_145 = tpu.sem_alloc : memref<!tpu.dma_semaphore, #tpu.memory_space<semaphore_mem>>
        %dma_start3A_146 = arith.constant 0 : i32
        %dma_start3A_147 = tpu.memref_slice %arg10[%run_scoped3A_138, %dma_start3A_146] : memref<1x64xi32, #tpu.memory_space<vmem>> -> memref<1x64xi32, #tpu.memory_space<vmem>>
        %dma_start3A_148 = tpu.memref_squeeze %dma_start3A_147 : memref<1x64xi32, #tpu.memory_space<vmem>> -> memref<64xi32, #tpu.memory_space<vmem>>
        %dma_start3A_149 = arith.constant 0 : i32
        %dma_start3A_150 = arith.constant 0 : i32
        %dma_start3A_151 = tpu.memref_slice %arg14[%dma_start3A_149, %dma_start3A_150] : memref<10240x128xf32, #tpu.memory_space<vmem_shared>> -> memref<10240x128xf32, #tpu.memory_space<vmem_shared>>
        tpu.enqueue_indirect_dma source(%arg13 : memref<64x128xf32, #tpu.memory_space<vmem>>) target(%dma_start3A_151 : memref<10240x128xf32, #tpu.memory_space<vmem_shared>>) offsets(%dma_start3A_148 : memref<64xi32, #tpu.memory_space<vmem>>) semaphore(%run_scoped3A_145 : memref<!tpu.dma_semaphore, #tpu.memory_space<semaphore_mem>>) {add = true}
        %dma_wait3A_152 = arith.constant 0 : i32
        %dma_wait3A_153 = tpu.memref_slice %arg10[%run_scoped3A_138, %dma_wait3A_152] : memref<1x64xi32, #tpu.memory_space<vmem>> -> memref<1x64xi32, #tpu.memory_space<vmem>>
        %dma_wait3A_154 = tpu.memref_squeeze %dma_wait3A_153 : memref<1x64xi32, #tpu.memory_space<vmem>> -> memref<64xi32, #tpu.memory_space<vmem>>
        %dma_wait3A_155 = arith.constant 0 : i32
        %dma_wait3A_156 = arith.constant 0 : i32
        %dma_wait3A_157 = tpu.memref_slice %arg14[%dma_wait3A_155, %dma_wait3A_156] : memref<10240x128xf32, #tpu.memory_space<vmem_shared>> -> memref<10240x128xf32, #tpu.memory_space<vmem_shared>>
        tpu.wait_indirect_dma semaphore(%run_scoped3A_145 : memref<!tpu.dma_semaphore, #tpu.memory_space<semaphore_mem>>) src(%arg13 : memref<64x128xf32, #tpu.memory_space<vmem>>) dst(%dma_wait3A_157 : memref<10240x128xf32, #tpu.memory_space<vmem_shared>>)
        tpu.yield
      }) : () -> ()
      %add3A_139 = arith.constant 3 : i32
      %add3A_140 = arith.addi %add3A_123, %add3A_139 : i32
      %lt3A_141 = arith.cmpi slt, %add3A_140, %select_n3A : i32
      %convert_element_type3A_142 = arith.extui %lt3A_141 : i1 to i32
      %cond3A_143 = arith.constant 0 : i32
      %cond3A_144 = arith.cmpi ne, %convert_element_type3A_142, %cond3A_143 : i32
      scf.if %cond3A_144 {
        %add3A_145 = arith.constant 3 : i32
        %add3A_146 = arith.addi %add3A_123, %add3A_145 : i32
        %dma_start3A_147 = arith.constant 0 : i32
        %dma_start3A_148 = arith.constant 0 : i32
        %dma_start3A_149 = tpu.memref_slice %arg3[%add3A, %add3A_146, %dma_start3A_147, %dma_start3A_148] : memref<32x252x1x64xi32, #tpu.memory_space<hbm>> -> memref<1x1x1x64xi32, #tpu.memory_space<hbm>>
        %dma_start3A_150 = tpu.memref_squeeze %dma_start3A_149 : memref<1x1x1x64xi32, #tpu.memory_space<hbm>> -> memref<1x64xi32, #tpu.memory_space<hbm>>
        %dma_start3A_151 = arith.constant 0 : i32
        %dma_start3A_152 = arith.constant 0 : i32
        %dma_start3A_153 = tpu.memref_slice %arg3[%add3A, %add3A_146, %dma_start3A_151, %dma_start3A_152] : memref<32x252x1x64xi32, #tpu.memory_space<hbm>> -> memref<1x1x1x64xi32, #tpu.memory_space<hbm>>
        %dma_start3A_154 = tpu.memref_squeeze %dma_start3A_153 : memref<1x1x1x64xi32, #tpu.memory_space<hbm>> -> memref<1x64xi32, #tpu.memory_space<hbm>>
        tpu.enqueue_dma source(%dma_start3A_154 : memref<1x64xi32, #tpu.memory_space<hbm>>) target(%arg10 : memref<1x64xi32, #tpu.memory_space<vmem>>) target_semaphore(%arg17 : memref<!tpu.dma_semaphore, #tpu.memory_space<semaphore_mem>>)
        %add3A_155 = arith.constant 3 : i32
        %add3A_156 = arith.addi %add3A_123, %add3A_155 : i32
        %mul3A_157 = arith.constant 64 : i32
        %mul3A_158 = arith.muli %add3A_156, %mul3A_157 : i32
        %dma_start3A_159 = tpu.memref_slice %arg7[%mul3A_158] : memref<16128xi32, #tpu.memory_space<vmem>> -> memref<64xi32, #tpu.memory_space<vmem>>
        %dma_start3A_160 = arith.constant 0 : i32
        %dma_start3A_161 = arith.constant 0 : i32
        %dma_start3A_162 = tpu.memref_slice %arg4[%dma_start3A_160, %dma_start3A_161] : memref<10000x128xf32, #tpu.memory_space<hbm>> -> memref<10000x128xf32, #tpu.memory_space<hbm>>
        tpu.enqueue_indirect_dma source(%dma_start3A_162 : memref<10000x128xf32, #tpu.memory_space<hbm>>) target(%arg13 : memref<64x128xf32, #tpu.memory_space<vmem>>) offsets(%dma_start3A_159 : memref<64xi32, #tpu.memory_space<vmem>>) semaphore(%arg20 : memref<!tpu.dma_semaphore, #tpu.memory_space<semaphore_mem>>)
      } else {
      }
    }
    %while3A_72 = arith.constant 1 : i32
    scf.for %while3A_78 = %while3A_70 to %while3A_66 step %while3A_72  : i32 {
      %mul3A_79 = arith.muli %while3A_78, %while3A : i32
      %add3A_80 = arith.addi %while3A_63, %mul3A_79 : i32
      %add3A_81 = arith.constant 0 : i32
      %add3A_82 = arith.addi %add3A_80, %add3A_81 : i32
      %mul3A_83 = arith.constant 64 : i32
      %mul3A_84 = arith.muli %add3A_82, %mul3A_83 : i32
      %dma_wait3A = tpu.memref_slice %arg7[%mul3A_84] : memref<16128xi32, #tpu.memory_space<vmem>> -> memref<64xi32, #tpu.memory_space<vmem>>
      %dma_wait3A_85 = arith.constant 0 : i32
      %dma_wait3A_86 = arith.constant 0 : i32
      %dma_wait3A_87 = tpu.memref_slice %arg4[%dma_wait3A_85, %dma_wait3A_86] : memref<10000x128xf32, #tpu.memory_space<hbm>> -> memref<10000x128xf32, #tpu.memory_space<hbm>>
      tpu.wait_indirect_dma semaphore(%arg18 : memref<!tpu.dma_semaphore, #tpu.memory_space<semaphore_mem>>) src(%dma_wait3A_87 : memref<10000x128xf32, #tpu.memory_space<hbm>>) dst(%arg11 : memref<64x128xf32, #tpu.memory_space<vmem>>)
      %dma_wait3A_88 = arith.constant 0 : i32
      %dma_wait3A_89 = arith.constant 0 : i32
      %dma_wait3A_90 = tpu.memref_slice %arg3[%add3A, %add3A_82, %dma_wait3A_88, %dma_wait3A_89] : memref<32x252x1x64xi32, #tpu.memory_space<hbm>> -> memref<1x1x1x64xi32, #tpu.memory_space<hbm>>
      %dma_wait3A_91 = tpu.memref_squeeze %dma_wait3A_90 : memref<1x1x1x64xi32, #tpu.memory_space<hbm>> -> memref<1x64xi32, #tpu.memory_space<hbm>>
      %dma_wait3A_92 = arith.constant 0 : i32
      %dma_wait3A_93 = arith.constant 0 : i32
      %dma_wait3A_94 = tpu.memref_slice %arg3[%add3A, %add3A_82, %dma_wait3A_92, %dma_wait3A_93] : memref<32x252x1x64xi32, #tpu.memory_space<hbm>> -> memref<1x1x1x64xi32, #tpu.memory_space<hbm>>
      %dma_wait3A_95 = tpu.memref_squeeze %dma_wait3A_94 : memref<1x1x1x64xi32, #tpu.memory_space<hbm>> -> memref<1x64xi32, #tpu.memory_space<hbm>>
      tpu.wait_dma2 semaphore(%arg15 : memref<!tpu.dma_semaphore, #tpu.memory_space<semaphore_mem>>) src(%dma_wait3A_95 : memref<1x64xi32, #tpu.memory_space<hbm>>) dst(%arg8 : memref<1x64xi32, #tpu.memory_space<vmem>>)
      %run_scoped3A = arith.constant 0 : i32
      "tpu.region"() ({
        %run_scoped3A_145 = tpu.sem_alloc : memref<!tpu.dma_semaphore, #tpu.memory_space<semaphore_mem>>
        %dma_start3A_146 = arith.constant 0 : i32
        %dma_start3A_147 = tpu.memref_slice %arg8[%run_scoped3A, %dma_start3A_146] : memref<1x64xi32, #tpu.memory_space<vmem>> -> memref<1x64xi32, #tpu.memory_space<vmem>>
        %dma_start3A_148 = tpu.memref_squeeze %dma_start3A_147 : memref<1x64xi32, #tpu.memory_space<vmem>> -> memref<64xi32, #tpu.memory_space<vmem>>
        %dma_start3A_149 = arith.constant 0 : i32
        %dma_start3A_150 = arith.constant 0 : i32
        %dma_start3A_151 = tpu.memref_slice %arg14[%dma_start3A_149, %dma_start3A_150] : memref<10240x128xf32, #tpu.memory_space<vmem_shared>> -> memref<10240x128xf32, #tpu.memory_space<vmem_shared>>
        tpu.enqueue_indirect_dma source(%arg11 : memref<64x128xf32, #tpu.memory_space<vmem>>) target(%dma_start3A_151 : memref<10240x128xf32, #tpu.memory_space<vmem_shared>>) offsets(%dma_start3A_148 : memref<64xi32, #tpu.memory_space<vmem>>) semaphore(%run_scoped3A_145 : memref<!tpu.dma_semaphore, #tpu.memory_space<semaphore_mem>>) {add = true}
        %dma_wait3A_152 = arith.constant 0 : i32
        %dma_wait3A_153 = tpu.memref_slice %arg8[%run_scoped3A, %dma_wait3A_152] : memref<1x64xi32, #tpu.memory_space<vmem>> -> memref<1x64xi32, #tpu.memory_space<vmem>>
        %dma_wait3A_154 = tpu.memref_squeeze %dma_wait3A_153 : memref<1x64xi32, #tpu.memory_space<vmem>> -> memref<64xi32, #tpu.memory_space<vmem>>
        %dma_wait3A_155 = arith.constant 0 : i32
        %dma_wait3A_156 = arith.constant 0 : i32
        %dma_wait3A_157 = tpu.memref_slice %arg14[%dma_wait3A_155, %dma_wait3A_156] : memref<10240x128xf32, #tpu.memory_space<vmem_shared>> -> memref<10240x128xf32, #tpu.memory_space<vmem_shared>>
        tpu.wait_indirect_dma semaphore(%run_scoped3A_145 : memref<!tpu.dma_semaphore, #tpu.memory_space<semaphore_mem>>) src(%arg11 : memref<64x128xf32, #tpu.memory_space<vmem>>) dst(%dma_wait3A_157 : memref<10240x128xf32, #tpu.memory_space<vmem_shared>>)
        tpu.yield
      }) : () -> ()
      %add3A_96 = arith.constant 3 : i32
      %add3A_97 = arith.addi %add3A_82, %add3A_96 : i32
      %lt3A = arith.cmpi slt, %add3A_97, %select_n3A : i32
      %convert_element_type3A = arith.extui %lt3A : i1 to i32
      %cond3A = arith.constant 0 : i32
      %cond3A_98 = arith.cmpi ne, %convert_element_type3A, %cond3A : i32
      scf.if %cond3A_98 {
        %add3A_145 = arith.constant 3 : i32
        %add3A_146 = arith.addi %add3A_82, %add3A_145 : i32
        %dma_start3A_147 = arith.constant 0 : i32
        %dma_start3A_148 = arith.constant 0 : i32
        %dma_start3A_149 = tpu.memref_slice %arg3[%add3A, %add3A_146, %dma_start3A_147, %dma_start3A_148] : memref<32x252x1x64xi32, #tpu.memory_space<hbm>> -> memref<1x1x1x64xi32, #tpu.memory_space<hbm>>
        %dma_start3A_150 = tpu.memref_squeeze %dma_start3A_149 : memref<1x1x1x64xi32, #tpu.memory_space<hbm>> -> memref<1x64xi32, #tpu.memory_space<hbm>>
        %dma_start3A_151 = arith.constant 0 : i32
        %dma_start3A_152 = arith.constant 0 : i32
        %dma_start3A_153 = tpu.memref_slice %arg3[%add3A, %add3A_146, %dma_start3A_151, %dma_start3A_152] : memref<32x252x1x64xi32, #tpu.memory_space<hbm>> -> memref<1x1x1x64xi32, #tpu.memory_space<hbm>>
        %dma_start3A_154 = tpu.memref_squeeze %dma_start3A_153 : memref<1x1x1x64xi32, #tpu.memory_space<hbm>> -> memref<1x64xi32, #tpu.memory_space<hbm>>
        tpu.enqueue_dma source(%dma_start3A_154 : memref<1x64xi32, #tpu.memory_space<hbm>>) target(%arg8 : memref<1x64xi32, #tpu.memory_space<vmem>>) target_semaphore(%arg15 : memref<!tpu.dma_semaphore, #tpu.memory_space<semaphore_mem>>)
        %add3A_155 = arith.constant 3 : i32
        %add3A_156 = arith.addi %add3A_82, %add3A_155 : i32
        %mul3A_157 = arith.constant 64 : i32
        %mul3A_158 = arith.muli %add3A_156, %mul3A_157 : i32
        %dma_start3A_159 = tpu.memref_slice %arg7[%mul3A_158] : memref<16128xi32, #tpu.memory_space<vmem>> -> memref<64xi32, #tpu.memory_space<vmem>>
        %dma_start3A_160 = arith.constant 0 : i32
        %dma_start3A_161 = arith.constant 0 : i32
        %dma_start3A_162 = tpu.memref_slice %arg4[%dma_start3A_160, %dma_start3A_161] : memref<10000x128xf32, #tpu.memory_space<hbm>> -> memref<10000x128xf32, #tpu.memory_space<hbm>>
        tpu.enqueue_indirect_dma source(%dma_start3A_162 : memref<10000x128xf32, #tpu.memory_space<hbm>>) target(%arg11 : memref<64x128xf32, #tpu.memory_space<vmem>>) offsets(%dma_start3A_159 : memref<64xi32, #tpu.memory_space<vmem>>) semaphore(%arg18 : memref<!tpu.dma_semaphore, #tpu.memory_space<semaphore_mem>>)
      } else {
      }
      %add3A_99 = arith.constant 1 : i32
      %add3A_100 = arith.addi %add3A_80, %add3A_99 : i32
      %mul3A_101 = arith.constant 64 : i32
      %mul3A_102 = arith.muli %add3A_100, %mul3A_101 : i32
      %dma_wait3A_103 = tpu.memref_slice %arg7[%mul3A_102] : memref<16128xi32, #tpu.memory_space<vmem>> -> memref<64xi32, #tpu.memory_space<vmem>>
      %dma_wait3A_104 = arith.constant 0 : i32
      %dma_wait3A_105 = arith.constant 0 : i32
      %dma_wait3A_106 = tpu.memref_slice %arg4[%dma_wait3A_104, %dma_wait3A_105] : memref<10000x128xf32, #tpu.memory_space<hbm>> -> memref<10000x128xf32, #tpu.memory_space<hbm>>
      tpu.wait_indirect_dma semaphore(%arg19 : memref<!tpu.dma_semaphore, #tpu.memory_space<semaphore_mem>>) src(%dma_wait3A_106 : memref<10000x128xf32, #tpu.memory_space<hbm>>) dst(%arg12 : memref<64x128xf32, #tpu.memory_space<vmem>>)
      %dma_wait3A_107 = arith.constant 0 : i32
      %dma_wait3A_108 = arith.constant 0 : i32
      %dma_wait3A_109 = tpu.memref_slice %arg3[%add3A, %add3A_100, %dma_wait3A_107, %dma_wait3A_108] : memref<32x252x1x64xi32, #tpu.memory_space<hbm>> -> memref<1x1x1x64xi32, #tpu.memory_space<hbm>>
      %dma_wait3A_110 = tpu.memref_squeeze %dma_wait3A_109 : memref<1x1x1x64xi32, #tpu.memory_space<hbm>> -> memref<1x64xi32, #tpu.memory_space<hbm>>
      %dma_wait3A_111 = arith.constant 0 : i32
      %dma_wait3A_112 = arith.constant 0 : i32
      %dma_wait3A_113 = tpu.memref_slice %arg3[%add3A, %add3A_100, %dma_wait3A_111, %dma_wait3A_112] : memref<32x252x1x64xi32, #tpu.memory_space<hbm>> -> memref<1x1x1x64xi32, #tpu.memory_space<hbm>>
      %dma_wait3A_114 = tpu.memref_squeeze %dma_wait3A_113 : memref<1x1x1x64xi32, #tpu.memory_space<hbm>> -> memref<1x64xi32, #tpu.memory_space<hbm>>
      tpu.wait_dma2 semaphore(%arg16 : memref<!tpu.dma_semaphore, #tpu.memory_space<semaphore_mem>>) src(%dma_wait3A_114 : memref<1x64xi32, #tpu.memory_space<hbm>>) dst(%arg9 : memref<1x64xi32, #tpu.memory_space<vmem>>)
      %run_scoped3A_115 = arith.constant 0 : i32
      "tpu.region"() ({
        %run_scoped3A_145 = tpu.sem_alloc : memref<!tpu.dma_semaphore, #tpu.memory_space<semaphore_mem>>
        %dma_start3A_146 = arith.constant 0 : i32
        %dma_start3A_147 = tpu.memref_slice %arg9[%run_scoped3A_115, %dma_start3A_146] : memref<1x64xi32, #tpu.memory_space<vmem>> -> memref<1x64xi32, #tpu.memory_space<vmem>>
        %dma_start3A_148 = tpu.memref_squeeze %dma_start3A_147 : memref<1x64xi32, #tpu.memory_space<vmem>> -> memref<64xi32, #tpu.memory_space<vmem>>
        %dma_start3A_149 = arith.constant 0 : i32
        %dma_start3A_150 = arith.constant 0 : i32
        %dma_start3A_151 = tpu.memref_slice %arg14[%dma_start3A_149, %dma_start3A_150] : memref<10240x128xf32, #tpu.memory_space<vmem_shared>> -> memref<10240x128xf32, #tpu.memory_space<vmem_shared>>
        tpu.enqueue_indirect_dma source(%arg12 : memref<64x128xf32, #tpu.memory_space<vmem>>) target(%dma_start3A_151 : memref<10240x128xf32, #tpu.memory_space<vmem_shared>>) offsets(%dma_start3A_148 : memref<64xi32, #tpu.memory_space<vmem>>) semaphore(%run_scoped3A_145 : memref<!tpu.dma_semaphore, #tpu.memory_space<semaphore_mem>>) {add = true}
        %dma_wait3A_152 = arith.constant 0 : i32
        %dma_wait3A_153 = tpu.memref_slice %arg9[%run_scoped3A_115, %dma_wait3A_152] : memref<1x64xi32, #tpu.memory_space<vmem>> -> memref<1x64xi32, #tpu.memory_space<vmem>>
        %dma_wait3A_154 = tpu.memref_squeeze %dma_wait3A_153 : memref<1x64xi32, #tpu.memory_space<vmem>> -> memref<64xi32, #tpu.memory_space<vmem>>
        %dma_wait3A_155 = arith.constant 0 : i32
        %dma_wait3A_156 = arith.constant 0 : i32
        %dma_wait3A_157 = tpu.memref_slice %arg14[%dma_wait3A_155, %dma_wait3A_156] : memref<10240x128xf32, #tpu.memory_space<vmem_shared>> -> memref<10240x128xf32, #tpu.memory_space<vmem_shared>>
        tpu.wait_indirect_dma semaphore(%run_scoped3A_145 : memref<!tpu.dma_semaphore, #tpu.memory_space<semaphore_mem>>) src(%arg12 : memref<64x128xf32, #tpu.memory_space<vmem>>) dst(%dma_wait3A_157 : memref<10240x128xf32, #tpu.memory_space<vmem_shared>>)
        tpu.yield
      }) : () -> ()
      %add3A_116 = arith.constant 3 : i32
      %add3A_117 = arith.addi %add3A_100, %add3A_116 : i32
      %lt3A_118 = arith.cmpi slt, %add3A_117, %select_n3A : i32
      %convert_element_type3A_119 = arith.extui %lt3A_118 : i1 to i32
      %cond3A_120 = arith.constant 0 : i32
      %cond3A_121 = arith.cmpi ne, %convert_element_type3A_119, %cond3A_120 : i32
      scf.if %cond3A_121 {
        %add3A_145 = arith.constant 3 : i32
        %add3A_146 = arith.addi %add3A_100, %add3A_145 : i32
        %dma_start3A_147 = arith.constant 0 : i32
        %dma_start3A_148 = arith.constant 0 : i32
        %dma_start3A_149 = tpu.memref_slice %arg3[%add3A, %add3A_146, %dma_start3A_147, %dma_start3A_148] : memref<32x252x1x64xi32, #tpu.memory_space<hbm>> -> memref<1x1x1x64xi32, #tpu.memory_space<hbm>>
        %dma_start3A_150 = tpu.memref_squeeze %dma_start3A_149 : memref<1x1x1x64xi32, #tpu.memory_space<hbm>> -> memref<1x64xi32, #tpu.memory_space<hbm>>
        %dma_start3A_151 = arith.constant 0 : i32
        %dma_start3A_152 = arith.constant 0 : i32
        %dma_start3A_153 = tpu.memref_slice %arg3[%add3A, %add3A_146, %dma_start3A_151, %dma_start3A_152] : memref<32x252x1x64xi32, #tpu.memory_space<hbm>> -> memref<1x1x1x64xi32, #tpu.memory_space<hbm>>
        %dma_start3A_154 = tpu.memref_squeeze %dma_start3A_153 : memref<1x1x1x64xi32, #tpu.memory_space<hbm>> -> memref<1x64xi32, #tpu.memory_space<hbm>>
        tpu.enqueue_dma source(%dma_start3A_154 : memref<1x64xi32, #tpu.memory_space<hbm>>) target(%arg9 : memref<1x64xi32, #tpu.memory_space<vmem>>) target_semaphore(%arg16 : memref<!tpu.dma_semaphore, #tpu.memory_space<semaphore_mem>>)
        %add3A_155 = arith.constant 3 : i32
        %add3A_156 = arith.addi %add3A_100, %add3A_155 : i32
        %mul3A_157 = arith.constant 64 : i32
        %mul3A_158 = arith.muli %add3A_156, %mul3A_157 : i32
        %dma_start3A_159 = tpu.memref_slice %arg7[%mul3A_158] : memref<16128xi32, #tpu.memory_space<vmem>> -> memref<64xi32, #tpu.memory_space<vmem>>
        %dma_start3A_160 = arith.constant 0 : i32
        %dma_start3A_161 = arith.constant 0 : i32
        %dma_start3A_162 = tpu.memref_slice %arg4[%dma_start3A_160, %dma_start3A_161] : memref<10000x128xf32, #tpu.memory_space<hbm>> -> memref<10000x128xf32, #tpu.memory_space<hbm>>
        tpu.enqueue_indirect_dma source(%dma_start3A_162 : memref<10000x128xf32, #tpu.memory_space<hbm>>) target(%arg12 : memref<64x128xf32, #tpu.memory_space<vmem>>) offsets(%dma_start3A_159 : memref<64xi32, #tpu.memory_space<vmem>>) semaphore(%arg19 : memref<!tpu.dma_semaphore, #tpu.memory_space<semaphore_mem>>)
      } else {
      }
      %add3A_122 = arith.constant 2 : i32
      %add3A_123 = arith.addi %add3A_80, %add3A_122 : i32
      %mul3A_124 = arith.constant 64 : i32
      %mul3A_125 = arith.muli %add3A_123, %mul3A_124 : i32
      %dma_wait3A_126 = tpu.memref_slice %arg7[%mul3A_125] : memref<16128xi32, #tpu.memory_space<vmem>> -> memref<64xi32, #tpu.memory_space<vmem>>
      %dma_wait3A_127 = arith.constant 0 : i32
      %dma_wait3A_128 = arith.constant 0 : i32
      %dma_wait3A_129 = tpu.memref_slice %arg4[%dma_wait3A_127, %dma_wait3A_128] : memref<10000x128xf32, #tpu.memory_space<hbm>> -> memref<10000x128xf32, #tpu.memory_space<hbm>>
      tpu.wait_indirect_dma semaphore(%arg20 : memref<!tpu.dma_semaphore, #tpu.memory_space<semaphore_mem>>) src(%dma_wait3A_129 : memref<10000x128xf32, #tpu.memory_space<hbm>>) dst(%arg13 : memref<64x128xf32, #tpu.memory_space<vmem>>)
      %dma_wait3A_130 = arith.constant 0 : i32
      %dma_wait3A_131 = arith.constant 0 : i32
      %dma_wait3A_132 = tpu.memref_slice %arg3[%add3A, %add3A_123, %dma_wait3A_130, %dma_wait3A_131] : memref<32x252x1x64xi32, #tpu.memory_space<hbm>> -> memref<1x1x1x64xi32, #tpu.memory_space<hbm>>
      %dma_wait3A_133 = tpu.memref_squeeze %dma_wait3A_132 : memref<1x1x1x64xi32, #tpu.memory_space<hbm>> -> memref<1x64xi32, #tpu.memory_space<hbm>>
      %dma_wait3A_134 = arith.constant 0 : i32
      %dma_wait3A_135 = arith.constant 0 : i32
      %dma_wait3A_136 = tpu.memref_slice %arg3[%add3A, %add3A_123, %dma_wait3A_134, %dma_wait3A_135] : memref<32x252x1x64xi32, #tpu.memory_space<hbm>> -> memref<1x1x1x64xi32, #tpu.memory_space<hbm>>
      %dma_wait3A_137 = tpu.memref_squeeze %dma_wait3A_136 : memref<1x1x1x64xi32, #tpu.memory_space<hbm>> -> memref<1x64xi32, #tpu.memory_space<hbm>>
      tpu.wait_dma2 semaphore(%arg17 : memref<!tpu.dma_semaphore, #tpu.memory_space<semaphore_mem>>) src(%dma_wait3A_137 : memref<1x64xi32, #tpu.memory_space<hbm>>) dst(%arg10 : memref<1x64xi32, #tpu.memory_space<vmem>>)
      %run_scoped3A_138 = arith.constant 0 : i32
      "tpu.region"() ({
        %run_scoped3A_145 = tpu.sem_alloc : memref<!tpu.dma_semaphore, #tpu.memory_space<semaphore_mem>>
        %dma_start3A_146 = arith.constant 0 : i32
        %dma_start3A_147 = tpu.memref_slice %arg10[%run_scoped3A_138, %dma_start3A_146] : memref<1x64xi32, #tpu.memory_space<vmem>> -> memref<1x64xi32, #tpu.memory_space<vmem>>
        %dma_start3A_148 = tpu.memref_squeeze %dma_start3A_147 : memref<1x64xi32, #tpu.memory_space<vmem>> -> memref<64xi32, #tpu.memory_space<vmem>>
        %dma_start3A_149 = arith.constant 0 : i32
        %dma_start3A_150 = arith.constant 0 : i32
        %dma_start3A_151 = tpu.memref_slice %arg14[%dma_start3A_149, %dma_start3A_150] : memref<10240x128xf32, #tpu.memory_space<vmem_shared>> -> memref<10240x128xf32, #tpu.memory_space<vmem_shared>>
        tpu.enqueue_indirect_dma source(%arg13 : memref<64x128xf32, #tpu.memory_space<vmem>>) target(%dma_start3A_151 : memref<10240x128xf32, #tpu.memory_space<vmem_shared>>) offsets(%dma_start3A_148 : memref<64xi32, #tpu.memory_space<vmem>>) semaphore(%run_scoped3A_145 : memref<!tpu.dma_semaphore, #tpu.memory_space<semaphore_mem>>) {add = true}
        %dma_wait3A_152 = arith.constant 0 : i32
        %dma_wait3A_153 = tpu.memref_slice %arg10[%run_scoped3A_138, %dma_wait3A_152] : memref<1x64xi32, #tpu.memory_space<vmem>> -> memref<1x64xi32, #tpu.memory_space<vmem>>
        %dma_wait3A_154 = tpu.memref_squeeze %dma_wait3A_153 : memref<1x64xi32, #tpu.memory_space<vmem>> -> memref<64xi32, #tpu.memory_space<vmem>>
        %dma_wait3A_155 = arith.constant 0 : i32
        %dma_wait3A_156 = arith.constant 0 : i32
        %dma_wait3A_157 = tpu.memref_slice %arg14[%dma_wait3A_155, %dma_wait3A_156] : memref<10240x128xf32, #tpu.memory_space<vmem_shared>> -> memref<10240x128xf32, #tpu.memory_space<vmem_shared>>
        tpu.wait_indirect_dma semaphore(%run_scoped3A_145 : memref<!tpu.dma_semaphore, #tpu.memory_space<semaphore_mem>>) src(%arg13 : memref<64x128xf32, #tpu.memory_space<vmem>>) dst(%dma_wait3A_157 : memref<10240x128xf32, #tpu.memory_space<vmem_shared>>)
        tpu.yield
      }) : () -> ()
      %add3A_139 = arith.constant 3 : i32
      %add3A_140 = arith.addi %add3A_123, %add3A_139 : i32
      %lt3A_141 = arith.cmpi slt, %add3A_140, %select_n3A : i32
      %convert_element_type3A_142 = arith.extui %lt3A_141 : i1 to i32
      %cond3A_143 = arith.constant 0 : i32
      %cond3A_144 = arith.cmpi ne, %convert_element_type3A_142, %cond3A_143 : i32
      scf.if %cond3A_144 {
        %add3A_145 = arith.constant 3 : i32
        %add3A_146 = arith.addi %add3A_123, %add3A_145 : i32
        %dma_start3A_147 = arith.constant 0 : i32
        %dma_start3A_148 = arith.constant 0 : i32
        %dma_start3A_149 = tpu.memref_slice %arg3[%add3A, %add3A_146, %dma_start3A_147, %dma_start3A_148] : memref<32x252x1x64xi32, #tpu.memory_space<hbm>> -> memref<1x1x1x64xi32, #tpu.memory_space<hbm>>
        %dma_start3A_150 = tpu.memref_squeeze %dma_start3A_149 : memref<1x1x1x64xi32, #tpu.memory_space<hbm>> -> memref<1x64xi32, #tpu.memory_space<hbm>>
        %dma_start3A_151 = arith.constant 0 : i32
        %dma_start3A_152 = arith.constant 0 : i32
        %dma_start3A_153 = tpu.memref_slice %arg3[%add3A, %add3A_146, %dma_start3A_151, %dma_start3A_152] : memref<32x252x1x64xi32, #tpu.memory_space<hbm>> -> memref<1x1x1x64xi32, #tpu.memory_space<hbm>>
        %dma_start3A_154 = tpu.memref_squeeze %dma_start3A_153 : memref<1x1x1x64xi32, #tpu.memory_space<hbm>> -> memref<1x64xi32, #tpu.memory_space<hbm>>
        tpu.enqueue_dma source(%dma_start3A_154 : memref<1x64xi32, #tpu.memory_space<hbm>>) target(%arg10 : memref<1x64xi32, #tpu.memory_space<vmem>>) target_semaphore(%arg17 : memref<!tpu.dma_semaphore, #tpu.memory_space<semaphore_mem>>)
        %add3A_155 = arith.constant 3 : i32
        %add3A_156 = arith.addi %add3A_123, %add3A_155 : i32
        %mul3A_157 = arith.constant 64 : i32
        %mul3A_158 = arith.muli %add3A_156, %mul3A_157 : i32
        %dma_start3A_159 = tpu.memref_slice %arg7[%mul3A_158] : memref<16128xi32, #tpu.memory_space<vmem>> -> memref<64xi32, #tpu.memory_space<vmem>>
        %dma_start3A_160 = arith.constant 0 : i32
        %dma_start3A_161 = arith.constant 0 : i32
        %dma_start3A_162 = tpu.memref_slice %arg4[%dma_start3A_160, %dma_start3A_161] : memref<10000x128xf32, #tpu.memory_space<hbm>> -> memref<10000x128xf32, #tpu.memory_space<hbm>>
        tpu.enqueue_indirect_dma source(%dma_start3A_162 : memref<10000x128xf32, #tpu.memory_space<hbm>>) target(%arg13 : memref<64x128xf32, #tpu.memory_space<vmem>>) offsets(%dma_start3A_159 : memref<64xi32, #tpu.memory_space<vmem>>) semaphore(%arg20 : memref<!tpu.dma_semaphore, #tpu.memory_space<semaphore_mem>>)
      } else {
      }
    }
    %barrier3A_73 = arith.constant 0 : index
    tpu.barrier barrier_id(%barrier3A_73)
    %mul3A_74 = arith.constant 640 : i32
    %mul3A_75 = arith.muli %arg1, %mul3A_74 : i32
    %mul3A_76 = arith.constant 640 : i32
    %mul3A_77 = arith.muli %arg1, %mul3A_76 : i32
    "tpu.region"() ({
      %run_scoped3A = tpu.sem_alloc : memref<!tpu.dma_semaphore, #tpu.memory_space<semaphore_mem>>
      %dma_start3A_78 = arith.constant 0 : i32
      %dma_start3A_79 = tpu.memref_slice %arg6[%arg0, %mul3A_77, %dma_start3A_78] : memref<2x10240x128xf32, #tpu.memory_space<hbm>> -> memref<1x640x128xf32, #tpu.memory_space<hbm>>
      %dma_start3A_80 = tpu.memref_squeeze %dma_start3A_79 : memref<1x640x128xf32, #tpu.memory_space<hbm>> -> memref<640x128xf32, #tpu.memory_space<hbm>>
      %dma_start3A_81 = arith.constant 0 : i32
      %dma_start3A_82 = tpu.memref_slice %arg14[%mul3A_75, %dma_start3A_81] : memref<10240x128xf32, #tpu.memory_space<vmem_shared>> -> memref<640x128xf32, #tpu.memory_space<vmem_shared>>
      tpu.enqueue_dma source(%dma_start3A_82 : memref<640x128xf32, #tpu.memory_space<vmem_shared>>) target(%dma_start3A_80 : memref<640x128xf32, #tpu.memory_space<hbm>>) target_semaphore(%run_scoped3A : memref<!tpu.dma_semaphore, #tpu.memory_space<semaphore_mem>>)
      %dma_wait3A = arith.constant 0 : i32
      %dma_wait3A_83 = tpu.memref_slice %arg6[%arg0, %mul3A_77, %dma_wait3A] : memref<2x10240x128xf32, #tpu.memory_space<hbm>> -> memref<1x640x128xf32, #tpu.memory_space<hbm>>
      %dma_wait3A_84 = tpu.memref_squeeze %dma_wait3A_83 : memref<1x640x128xf32, #tpu.memory_space<hbm>> -> memref<640x128xf32, #tpu.memory_space<hbm>>
      %dma_wait3A_85 = arith.constant 0 : i32
      %dma_wait3A_86 = tpu.memref_slice %arg14[%mul3A_75, %dma_wait3A_85] : memref<10240x128xf32, #tpu.memory_space<vmem_shared>> -> memref<640x128xf32, #tpu.memory_space<vmem_shared>>
      tpu.wait_dma2 semaphore(%run_scoped3A : memref<!tpu.dma_semaphore, #tpu.memory_space<semaphore_mem>>) src(%dma_wait3A_86 : memref<640x128xf32, #tpu.memory_space<vmem_shared>>) dst(%dma_wait3A_84 : memref<640x128xf32, #tpu.memory_space<hbm>>)
      tpu.yield
    }) : () -> ()
    return
  }
}

#map = affine_map<(d0, d1) -> (0)>
#map1 = affine_map<(d0, d1) -> (0, 0, 0, 0)>
#map2 = affine_map<(d0, d1) -> (0, 0)>
#map3 = affine_map<(d0, d1) -> (0, 0, 0)>
module attributes {stable_mosaic.version = 14 : i64} {
  func.func @prop_kernel(%arg0: i32, %arg1: i32, %arg2: memref<334656xi32, #tpu.memory_space<hbm>>, %arg3: memref<32x252x1x64xi32, #tpu.memory_space<hbm>>, %arg4: memref<10000x128xf32, #tpu.memory_space<hbm>>, %arg5: memref<10240x128xf32, #tpu.memory_space<hbm>>, %arg6: memref<2x10240x128xf32, #tpu.memory_space<hbm>>, %arg7: memref<16128xi32, #tpu.memory_space<vmem>>, %arg8: memref<1x64xi32, #tpu.memory_space<vmem>>, %arg9: memref<1x64xi32, #tpu.memory_space<vmem>>, %arg10: memref<1x64xi32, #tpu.memory_space<vmem>>, %arg11: memref<64x128xf32, #tpu.memory_space<vmem>>, %arg12: memref<64x128xf32, #tpu.memory_space<vmem>>, %arg13: memref<64x128xf32, #tpu.memory_space<vmem>>, %arg14: memref<10240x128xf32, #tpu.memory_space<vmem_shared>>, %arg15: memref<!tpu.dma_semaphore, #tpu.memory_space<semaphore_mem>>, %arg16: memref<!tpu.dma_semaphore, #tpu.memory_space<semaphore_mem>>, %arg17: memref<!tpu.dma_semaphore, #tpu.memory_space<semaphore_mem>>, %arg18: memref<!tpu.dma_semaphore, #tpu.memory_space<semaphore_mem>>, %arg19: memref<!tpu.dma_semaphore, #tpu.memory_space<semaphore_mem>>, %arg20: memref<!tpu.dma_semaphore, #tpu.memory_space<semaphore_mem>>) attributes {dimension_semantics = [#tpu.dimension_semantics<core_parallel>, #tpu.dimension_semantics<subcore_parallel>], iteration_bounds = array<i64: 2, 16>, scalar_prefetch = 0 : i64, scratch_operands = 14 : i64, tpu.core_type = #tpu.core_type<sc_vector_subcore>, window_params = [{transform_indices = #map}, {transform_indices = #map1}, {transform_indices = #map2}, {transform_indices = #map2}, {transform_indices = #map3}]} {
    %mul3A = arith.constant 16 : i32
    %mul3A_0 = arith.muli %arg0, %mul3A : i32
    %add3A = arith.addi %mul3A_0, %arg1 : i32
    %eq3A = arith.constant 0 : i32
    %eq3A_1 = arith.cmpi eq, %arg0, %eq3A : i32
    %jit3A = arith.constant 252 : i32
    %jit3A_2 = arith.constant 63 : i32
    %select_n3A = arith.select %eq3A_1, %jit3A, %jit3A_2 : i32
    %eq3A_3 = arith.constant 0 : i32
    %eq3A_4 = arith.cmpi eq, %arg0, %eq3A_3 : i32
    %mul3A_5 = arith.constant 16128 : i32
    %mul3A_6 = arith.muli %arg1, %mul3A_5 : i32
    %mul3A_7 = arith.constant 4032 : i32
    %mul3A_8 = arith.muli %arg1, %mul3A_7 : i32
    %add3A_9 = arith.constant 258048 : i32
    %add3A_10 = arith.addi %add3A_9, %mul3A_8 : i32
    %select_n3A_11 = arith.select %eq3A_4, %mul3A_6, %add3A_10 : i32
    %mul3A_12 = arith.constant 640 : i32
    %mul3A_13 = arith.muli %arg1, %mul3A_12 : i32
    %mul3A_14 = arith.constant 640 : i32
    %mul3A_15 = arith.muli %arg1, %mul3A_14 : i32
    "tpu.region"() ({
      %run_scoped3A = tpu.sem_alloc : memref<!tpu.dma_semaphore, #tpu.memory_space<semaphore_mem>>
      %dma_start3A_78 = arith.constant 0 : i32
      %dma_start3A_79 = tpu.memref_slice %arg14[%mul3A_15, %dma_start3A_78] : memref<10240x128xf32, #tpu.memory_space<vmem_shared>> -> memref<640x128xf32, #tpu.memory_space<vmem_shared>>
      %dma_start3A_80 = arith.constant 0 : i32
      %dma_start3A_81 = tpu.memref_slice %arg5[%mul3A_13, %dma_start3A_80] : memref<10240x128xf32, #tpu.memory_space<hbm>> -> memref<640x128xf32, #tpu.memory_space<hbm>>
      tpu.enqueue_dma source(%dma_start3A_81 : memref<640x128xf32, #tpu.memory_space<hbm>>) target(%dma_start3A_79 : memref<640x128xf32, #tpu.memory_space<vmem_shared>>) target_semaphore(%run_scoped3A : memref<!tpu.dma_semaphore, #tpu.memory_space<semaphore_mem>>)
      %dma_wait3A = arith.constant 0 : i32
      %dma_wait3A_82 = tpu.memref_slice %arg14[%mul3A_15, %dma_wait3A] : memref<10240x128xf32, #tpu.memory_space<vmem_shared>> -> memref<640x128xf32, #tpu.memory_space<vmem_shared>>
      %dma_wait3A_83 = arith.constant 0 : i32
      %dma_wait3A_84 = tpu.memref_slice %arg5[%mul3A_13, %dma_wait3A_83] : memref<10240x128xf32, #tpu.memory_space<hbm>> -> memref<640x128xf32, #tpu.memory_space<hbm>>
      tpu.wait_dma2 semaphore(%run_scoped3A : memref<!tpu.dma_semaphore, #tpu.memory_space<semaphore_mem>>) src(%dma_wait3A_84 : memref<640x128xf32, #tpu.memory_space<hbm>>) dst(%dma_wait3A_82 : memref<640x128xf32, #tpu.memory_space<vmem_shared>>)
      tpu.yield
    }) : () -> ()
    "tpu.region"() ({
      %run_scoped3A = tpu.sem_alloc : memref<!tpu.dma_semaphore, #tpu.memory_space<semaphore_mem>>
      %dma_start3A_78 = tpu.memref_slice %arg2[%select_n3A_11] : memref<334656xi32, #tpu.memory_space<hbm>> -> memref<16128xi32, #tpu.memory_space<hbm>>
      %dma_start3A_79 = tpu.memref_slice %arg2[%select_n3A_11] : memref<334656xi32, #tpu.memory_space<hbm>> -> memref<16128xi32, #tpu.memory_space<hbm>>
      tpu.enqueue_dma source(%dma_start3A_79 : memref<16128xi32, #tpu.memory_space<hbm>>) target(%arg7 : memref<16128xi32, #tpu.memory_space<vmem>>) target_semaphore(%run_scoped3A : memref<!tpu.dma_semaphore, #tpu.memory_space<semaphore_mem>>)
      %dma_wait3A = tpu.memref_slice %arg2[%select_n3A_11] : memref<334656xi32, #tpu.memory_space<hbm>> -> memref<16128xi32, #tpu.memory_space<hbm>>
      %dma_wait3A_80 = tpu.memref_slice %arg2[%select_n3A_11] : memref<334656xi32, #tpu.memory_space<hbm>> -> memref<16128xi32, #tpu.memory_space<hbm>>
      tpu.wait_dma2 semaphore(%run_scoped3A : memref<!tpu.dma_semaphore, #tpu.memory_space<semaphore_mem>>) src(%dma_wait3A_80 : memref<16128xi32, #tpu.memory_space<hbm>>) dst(%arg7 : memref<16128xi32, #tpu.memory_space<vmem>>)
      tpu.yield
    }) : () -> ()
    %dma_start3A = arith.constant 0 : i32
    %dma_start3A_16 = arith.constant 0 : i32
    %dma_start3A_17 = arith.constant 0 : i32
    %dma_start3A_18 = tpu.memref_slice %arg3[%add3A, %dma_start3A, %dma_start3A_16, %dma_start3A_17] : memref<32x252x1x64xi32, #tpu.memory_space<hbm>> -> memref<1x1x1x64xi32, #tpu.memory_space<hbm>>
    %dma_start3A_19 = tpu.memref_squeeze %dma_start3A_18 : memref<1x1x1x64xi32, #tpu.memory_space<hbm>> -> memref<1x64xi32, #tpu.memory_space<hbm>>
    %dma_start3A_20 = arith.constant 0 : i32
    %dma_start3A_21 = arith.constant 0 : i32
    %dma_start3A_22 = tpu.memref_slice %arg3[%add3A, %dma_start3A, %dma_start3A_20, %dma_start3A_21] : memref<32x252x1x64xi32, #tpu.memory_space<hbm>> -> memref<1x1x1x64xi32, #tpu.memory_space<hbm>>
    %dma_start3A_23 = tpu.memref_squeeze %dma_start3A_22 : memref<1x1x1x64xi32, #tpu.memory_space<hbm>> -> memref<1x64xi32, #tpu.memory_space<hbm>>
    tpu.enqueue_dma source(%dma_start3A_23 : memref<1x64xi32, #tpu.memory_space<hbm>>) target(%arg8 : memref<1x64xi32, #tpu.memory_space<vmem>>) target_semaphore(%arg15 : memref<!tpu.dma_semaphore, #tpu.memory_space<semaphore_mem>>)
    %dma_start3A_24 = arith.constant 0 : i32
    %dma_start3A_25 = tpu.memref_slice %arg7[%dma_start3A_24] : memref<16128xi32, #tpu.memory_space<vmem>> -> memref<64xi32, #tpu.memory_space<vmem>>
    %dma_start3A_26 = arith.constant 0 : i32
    %dma_start3A_27 = arith.constant 0 : i32
    %dma_start3A_28 = tpu.memref_slice %arg4[%dma_start3A_26, %dma_start3A_27] : memref<10000x128xf32, #tpu.memory_space<hbm>> -> memref<10000x128xf32, #tpu.memory_space<hbm>>
    tpu.enqueue_indirect_dma source(%dma_start3A_28 : memref<10000x128xf32, #tpu.memory_space<hbm>>) target(%arg11 : memref<64x128xf32, #tpu.memory_space<vmem>>) offsets(%dma_start3A_25 : memref<64xi32, #tpu.memory_space<vmem>>) semaphore(%arg18 : memref<!tpu.dma_semaphore, #tpu.memory_space<semaphore_mem>>)
    %dma_start3A_29 = arith.constant 1 : i32
    %dma_start3A_30 = arith.constant 0 : i32
    %dma_start3A_31 = arith.constant 0 : i32
    %dma_start3A_32 = tpu.memref_slice %arg3[%add3A, %dma_start3A_29, %dma_start3A_30, %dma_start3A_31] : memref<32x252x1x64xi32, #tpu.memory_space<hbm>> -> memref<1x1x1x64xi32, #tpu.memory_space<hbm>>
    %dma_start3A_33 = tpu.memref_squeeze %dma_start3A_32 : memref<1x1x1x64xi32, #tpu.memory_space<hbm>> -> memref<1x64xi32, #tpu.memory_space<hbm>>
    %dma_start3A_34 = arith.constant 0 : i32
    %dma_start3A_35 = arith.constant 0 : i32
    %dma_start3A_36 = tpu.memref_slice %arg3[%add3A, %dma_start3A_29, %dma_start3A_34, %dma_start3A_35] : memref<32x252x1x64xi32, #tpu.memory_space<hbm>> -> memref<1x1x1x64xi32, #tpu.memory_space<hbm>>
    %dma_start3A_37 = tpu.memref_squeeze %dma_start3A_36 : memref<1x1x1x64xi32, #tpu.memory_space<hbm>> -> memref<1x64xi32, #tpu.memory_space<hbm>>
    tpu.enqueue_dma source(%dma_start3A_37 : memref<1x64xi32, #tpu.memory_space<hbm>>) target(%arg9 : memref<1x64xi32, #tpu.memory_space<vmem>>) target_semaphore(%arg16 : memref<!tpu.dma_semaphore, #tpu.memory_space<semaphore_mem>>)
    %dma_start3A_38 = arith.constant 64 : i32
    %dma_start3A_39 = tpu.memref_slice %arg7[%dma_start3A_38] : memref<16128xi32, #tpu.memory_space<vmem>> -> memref<64xi32, #tpu.memory_space<vmem>>
    %dma_start3A_40 = arith.constant 0 : i32
    %dma_start3A_41 = arith.constant 0 : i32
    %dma_start3A_42 = tpu.memref_slice %arg4[%dma_start3A_40, %dma_start3A_41] : memref<10000x128xf32, #tpu.memory_space<hbm>> -> memref<10000x128xf32, #tpu.memory_space<hbm>>
    tpu.enqueue_indirect_dma source(%dma_start3A_42 : memref<10000x128xf32, #tpu.memory_space<hbm>>) target(%arg12 : memref<64x128xf32, #tpu.memory_space<vmem>>) offsets(%dma_start3A_39 : memref<64xi32, #tpu.memory_space<vmem>>) semaphore(%arg19 : memref<!tpu.dma_semaphore, #tpu.memory_space<semaphore_mem>>)
    %dma_start3A_43 = arith.constant 2 : i32
    %dma_start3A_44 = arith.constant 0 : i32
    %dma_start3A_45 = arith.constant 0 : i32
    %dma_start3A_46 = tpu.memref_slice %arg3[%add3A, %dma_start3A_43, %dma_start3A_44, %dma_start3A_45] : memref<32x252x1x64xi32, #tpu.memory_space<hbm>> -> memref<1x1x1x64xi32, #tpu.memory_space<hbm>>
    %dma_start3A_47 = tpu.memref_squeeze %dma_start3A_46 : memref<1x1x1x64xi32, #tpu.memory_space<hbm>> -> memref<1x64xi32, #tpu.memory_space<hbm>>
    %dma_start3A_48 = arith.constant 0 : i32
    %dma_start3A_49 = arith.constant 0 : i32
    %dma_start3A_50 = tpu.memref_slice %arg3[%add3A, %dma_start3A_43, %dma_start3A_48, %dma_start3A_49] : memref<32x252x1x64xi32, #tpu.memory_space<hbm>> -> memref<1x1x1x64xi32, #tpu.memory_space<hbm>>
    %dma_start3A_51 = tpu.memref_squeeze %dma_start3A_50 : memref<1x1x1x64xi32, #tpu.memory_space<hbm>> -> memref<1x64xi32, #tpu.memory_space<hbm>>
    tpu.enqueue_dma source(%dma_start3A_51 : memref<1x64xi32, #tpu.memory_space<hbm>>) target(%arg10 : memref<1x64xi32, #tpu.memory_space<vmem>>) target_semaphore(%arg17 : memref<!tpu.dma_semaphore, #tpu.memory_space<semaphore_mem>>)
    %dma_start3A_52 = arith.constant 128 : i32
    %dma_start3A_53 = tpu.memref_slice %arg7[%dma_start3A_52] : memref<16128xi32, #tpu.memory_space<vmem>> -> memref<64xi32, #tpu.memory_space<vmem>>
    %dma_start3A_54 = arith.constant 0 : i32
    %dma_start3A_55 = arith.constant 0 : i32
    %dma_start3A_56 = tpu.memref_slice %arg4[%dma_start3A_54, %dma_start3A_55] : memref<10000x128xf32, #tpu.memory_space<hbm>> -> memref<10000x128xf32, #tpu.memory_space<hbm>>
    tpu.enqueue_indirect_dma source(%dma_start3A_56 : memref<10000x128xf32, #tpu.memory_space<hbm>>) target(%arg13 : memref<64x128xf32, #tpu.memory_space<vmem>>) offsets(%dma_start3A_53 : memref<64xi32, #tpu.memory_space<vmem>>) semaphore(%arg20 : memref<!tpu.dma_semaphore, #tpu.memory_space<semaphore_mem>>)
    %barrier3A = arith.constant 0 : index
    tpu.barrier barrier_id(%barrier3A)
    %sub3A = arith.constant 0 : i32
    %sub3A_57 = arith.subi %select_n3A, %sub3A : i32
    %sub3A_58 = arith.constant 3 : i32
    %sub3A_59 = arith.constant 1 : i32
    %sub3A_60 = arith.subi %sub3A_58, %sub3A_59 : i32
    %add3A_61 = arith.addi %sub3A_57, %sub3A_60 : i32
    %div3A = arith.constant 3 : i32
    %div3A_62 = arith.divsi %add3A_61, %div3A : i32
    %while3A = arith.constant 3 : i32
    %while3A_63 = arith.constant 0 : i32
    %while3A_64 = arith.constant 0 : i32
    %while3A_65 = arith.subi %div3A_62, %while3A_64 : i32
    %while3A_66 = arith.addi %while3A_64, %while3A_65 : i32
    %while3A_67 = arith.constant 1 : i32
    %while3A_68 = arith.divsi %while3A_65, %while3A_67 : i32
    %while3A_69 = arith.muli %while3A_68, %while3A_67 : i32
    %while3A_70 = arith.addi %while3A_64, %while3A_69 : i32
    %while3A_71 = arith.constant 1 : i32
    scf.for %while3A_78 = %while3A_64 to %while3A_70 step %while3A_71  : i32 {
      %mul3A_79 = arith.muli %while3A_78, %while3A : i32
      %add3A_80 = arith.addi %while3A_63, %mul3A_79 : i32
      %add3A_81 = arith.constant 0 : i32
      %add3A_82 = arith.addi %add3A_80, %add3A_81 : i32
      %mul3A_83 = arith.constant 64 : i32
      %mul3A_84 = arith.muli %add3A_82, %mul3A_83 : i32
      %dma_wait3A = tpu.memref_slice %arg7[%mul3A_84] : memref<16128xi32, #tpu.memory_space<vmem>> -> memref<64xi32, #tpu.memory_space<vmem>>
      %dma_wait3A_85 = arith.constant 0 : i32
      %dma_wait3A_86 = arith.constant 0 : i32
      %dma_wait3A_87 = tpu.memref_slice %arg4[%dma_wait3A_85, %dma_wait3A_86] : memref<10000x128xf32, #tpu.memory_space<hbm>> -> memref<10000x128xf32, #tpu.memory_space<hbm>>
      tpu.wait_indirect_dma semaphore(%arg18 : memref<!tpu.dma_semaphore, #tpu.memory_space<semaphore_mem>>) src(%dma_wait3A_87 : memref<10000x128xf32, #tpu.memory_space<hbm>>) dst(%arg11 : memref<64x128xf32, #tpu.memory_space<vmem>>)
      %dma_wait3A_88 = arith.constant 0 : i32
      %dma_wait3A_89 = arith.constant 0 : i32
      %dma_wait3A_90 = tpu.memref_slice %arg3[%add3A, %add3A_82, %dma_wait3A_88, %dma_wait3A_89] : memref<32x252x1x64xi32, #tpu.memory_space<hbm>> -> memref<1x1x1x64xi32, #tpu.memory_space<hbm>>
      %dma_wait3A_91 = tpu.memref_squeeze %dma_wait3A_90 : memref<1x1x1x64xi32, #tpu.memory_space<hbm>> -> memref<1x64xi32, #tpu.memory_space<hbm>>
      %dma_wait3A_92 = arith.constant 0 : i32
      %dma_wait3A_93 = arith.constant 0 : i32
      %dma_wait3A_94 = tpu.memref_slice %arg3[%add3A, %add3A_82, %dma_wait3A_92, %dma_wait3A_93] : memref<32x252x1x64xi32, #tpu.memory_space<hbm>> -> memref<1x1x1x64xi32, #tpu.memory_space<hbm>>
      %dma_wait3A_95 = tpu.memref_squeeze %dma_wait3A_94 : memref<1x1x1x64xi32, #tpu.memory_space<hbm>> -> memref<1x64xi32, #tpu.memory_space<hbm>>
      tpu.wait_dma2 semaphore(%arg15 : memref<!tpu.dma_semaphore, #tpu.memory_space<semaphore_mem>>) src(%dma_wait3A_95 : memref<1x64xi32, #tpu.memory_space<hbm>>) dst(%arg8 : memref<1x64xi32, #tpu.memory_space<vmem>>)
      %run_scoped3A = arith.constant 0 : i32
      "tpu.region"() ({
        %run_scoped3A_145 = tpu.sem_alloc : memref<!tpu.dma_semaphore, #tpu.memory_space<semaphore_mem>>
        %dma_start3A_146 = arith.constant 0 : i32
        %dma_start3A_147 = tpu.memref_slice %arg8[%run_scoped3A, %dma_start3A_146] : memref<1x64xi32, #tpu.memory_space<vmem>> -> memref<1x64xi32, #tpu.memory_space<vmem>>
        %dma_start3A_148 = tpu.memref_squeeze %dma_start3A_147 : memref<1x64xi32, #tpu.memory_space<vmem>> -> memref<64xi32, #tpu.memory_space<vmem>>
        %dma_start3A_149 = arith.constant 0 : i32
        %dma_start3A_150 = arith.constant 0 : i32
        %dma_start3A_151 = tpu.memref_slice %arg14[%dma_start3A_149, %dma_start3A_150] : memref<10240x128xf32, #tpu.memory_space<vmem_shared>> -> memref<10240x128xf32, #tpu.memory_space<vmem_shared>>
        tpu.enqueue_indirect_dma source(%arg11 : memref<64x128xf32, #tpu.memory_space<vmem>>) target(%dma_start3A_151 : memref<10240x128xf32, #tpu.memory_space<vmem_shared>>) offsets(%dma_start3A_148 : memref<64xi32, #tpu.memory_space<vmem>>) semaphore(%run_scoped3A_145 : memref<!tpu.dma_semaphore, #tpu.memory_space<semaphore_mem>>) {add = true}
        %dma_wait3A_152 = arith.constant 0 : i32
        %dma_wait3A_153 = tpu.memref_slice %arg8[%run_scoped3A, %dma_wait3A_152] : memref<1x64xi32, #tpu.memory_space<vmem>> -> memref<1x64xi32, #tpu.memory_space<vmem>>
        %dma_wait3A_154 = tpu.memref_squeeze %dma_wait3A_153 : memref<1x64xi32, #tpu.memory_space<vmem>> -> memref<64xi32, #tpu.memory_space<vmem>>
        %dma_wait3A_155 = arith.constant 0 : i32
        %dma_wait3A_156 = arith.constant 0 : i32
        %dma_wait3A_157 = tpu.memref_slice %arg14[%dma_wait3A_155, %dma_wait3A_156] : memref<10240x128xf32, #tpu.memory_space<vmem_shared>> -> memref<10240x128xf32, #tpu.memory_space<vmem_shared>>
        tpu.wait_indirect_dma semaphore(%run_scoped3A_145 : memref<!tpu.dma_semaphore, #tpu.memory_space<semaphore_mem>>) src(%arg11 : memref<64x128xf32, #tpu.memory_space<vmem>>) dst(%dma_wait3A_157 : memref<10240x128xf32, #tpu.memory_space<vmem_shared>>)
        tpu.yield
      }) : () -> ()
      %add3A_96 = arith.constant 3 : i32
      %add3A_97 = arith.addi %add3A_82, %add3A_96 : i32
      %lt3A = arith.cmpi slt, %add3A_97, %select_n3A : i32
      %convert_element_type3A = arith.extui %lt3A : i1 to i32
      %cond3A = arith.constant 0 : i32
      %cond3A_98 = arith.cmpi ne, %convert_element_type3A, %cond3A : i32
      scf.if %cond3A_98 {
        %add3A_145 = arith.constant 3 : i32
        %add3A_146 = arith.addi %add3A_82, %add3A_145 : i32
        %dma_start3A_147 = arith.constant 0 : i32
        %dma_start3A_148 = arith.constant 0 : i32
        %dma_start3A_149 = tpu.memref_slice %arg3[%add3A, %add3A_146, %dma_start3A_147, %dma_start3A_148] : memref<32x252x1x64xi32, #tpu.memory_space<hbm>> -> memref<1x1x1x64xi32, #tpu.memory_space<hbm>>
        %dma_start3A_150 = tpu.memref_squeeze %dma_start3A_149 : memref<1x1x1x64xi32, #tpu.memory_space<hbm>> -> memref<1x64xi32, #tpu.memory_space<hbm>>
        %dma_start3A_151 = arith.constant 0 : i32
        %dma_start3A_152 = arith.constant 0 : i32
        %dma_start3A_153 = tpu.memref_slice %arg3[%add3A, %add3A_146, %dma_start3A_151, %dma_start3A_152] : memref<32x252x1x64xi32, #tpu.memory_space<hbm>> -> memref<1x1x1x64xi32, #tpu.memory_space<hbm>>
        %dma_start3A_154 = tpu.memref_squeeze %dma_start3A_153 : memref<1x1x1x64xi32, #tpu.memory_space<hbm>> -> memref<1x64xi32, #tpu.memory_space<hbm>>
        tpu.enqueue_dma source(%dma_start3A_154 : memref<1x64xi32, #tpu.memory_space<hbm>>) target(%arg8 : memref<1x64xi32, #tpu.memory_space<vmem>>) target_semaphore(%arg15 : memref<!tpu.dma_semaphore, #tpu.memory_space<semaphore_mem>>)
        %add3A_155 = arith.constant 3 : i32
        %add3A_156 = arith.addi %add3A_82, %add3A_155 : i32
        %mul3A_157 = arith.constant 64 : i32
        %mul3A_158 = arith.muli %add3A_156, %mul3A_157 : i32
        %dma_start3A_159 = tpu.memref_slice %arg7[%mul3A_158] : memref<16128xi32, #tpu.memory_space<vmem>> -> memref<64xi32, #tpu.memory_space<vmem>>
        %dma_start3A_160 = arith.constant 0 : i32
        %dma_start3A_161 = arith.constant 0 : i32
        %dma_start3A_162 = tpu.memref_slice %arg4[%dma_start3A_160, %dma_start3A_161] : memref<10000x128xf32, #tpu.memory_space<hbm>> -> memref<10000x128xf32, #tpu.memory_space<hbm>>
        tpu.enqueue_indirect_dma source(%dma_start3A_162 : memref<10000x128xf32, #tpu.memory_space<hbm>>) target(%arg11 : memref<64x128xf32, #tpu.memory_space<vmem>>) offsets(%dma_start3A_159 : memref<64xi32, #tpu.memory_space<vmem>>) semaphore(%arg18 : memref<!tpu.dma_semaphore, #tpu.memory_space<semaphore_mem>>)
      } else {
      }
      %add3A_99 = arith.constant 1 : i32
      %add3A_100 = arith.addi %add3A_80, %add3A_99 : i32
      %mul3A_101 = arith.constant 64 : i32
      %mul3A_102 = arith.muli %add3A_100, %mul3A_101 : i32
      %dma_wait3A_103 = tpu.memref_slice %arg7[%mul3A_102] : memref<16128xi32, #tpu.memory_space<vmem>> -> memref<64xi32, #tpu.memory_space<vmem>>
      %dma_wait3A_104 = arith.constant 0 : i32
      %dma_wait3A_105 = arith.constant 0 : i32
      %dma_wait3A_106 = tpu.memref_slice %arg4[%dma_wait3A_104, %dma_wait3A_105] : memref<10000x128xf32, #tpu.memory_space<hbm>> -> memref<10000x128xf32, #tpu.memory_space<hbm>>
      tpu.wait_indirect_dma semaphore(%arg19 : memref<!tpu.dma_semaphore, #tpu.memory_space<semaphore_mem>>) src(%dma_wait3A_106 : memref<10000x128xf32, #tpu.memory_space<hbm>>) dst(%arg12 : memref<64x128xf32, #tpu.memory_space<vmem>>)
      %dma_wait3A_107 = arith.constant 0 : i32
      %dma_wait3A_108 = arith.constant 0 : i32
      %dma_wait3A_109 = tpu.memref_slice %arg3[%add3A, %add3A_100, %dma_wait3A_107, %dma_wait3A_108] : memref<32x252x1x64xi32, #tpu.memory_space<hbm>> -> memref<1x1x1x64xi32, #tpu.memory_space<hbm>>
      %dma_wait3A_110 = tpu.memref_squeeze %dma_wait3A_109 : memref<1x1x1x64xi32, #tpu.memory_space<hbm>> -> memref<1x64xi32, #tpu.memory_space<hbm>>
      %dma_wait3A_111 = arith.constant 0 : i32
      %dma_wait3A_112 = arith.constant 0 : i32
      %dma_wait3A_113 = tpu.memref_slice %arg3[%add3A, %add3A_100, %dma_wait3A_111, %dma_wait3A_112] : memref<32x252x1x64xi32, #tpu.memory_space<hbm>> -> memref<1x1x1x64xi32, #tpu.memory_space<hbm>>
      %dma_wait3A_114 = tpu.memref_squeeze %dma_wait3A_113 : memref<1x1x1x64xi32, #tpu.memory_space<hbm>> -> memref<1x64xi32, #tpu.memory_space<hbm>>
      tpu.wait_dma2 semaphore(%arg16 : memref<!tpu.dma_semaphore, #tpu.memory_space<semaphore_mem>>) src(%dma_wait3A_114 : memref<1x64xi32, #tpu.memory_space<hbm>>) dst(%arg9 : memref<1x64xi32, #tpu.memory_space<vmem>>)
      %run_scoped3A_115 = arith.constant 0 : i32
      "tpu.region"() ({
        %run_scoped3A_145 = tpu.sem_alloc : memref<!tpu.dma_semaphore, #tpu.memory_space<semaphore_mem>>
        %dma_start3A_146 = arith.constant 0 : i32
        %dma_start3A_147 = tpu.memref_slice %arg9[%run_scoped3A_115, %dma_start3A_146] : memref<1x64xi32, #tpu.memory_space<vmem>> -> memref<1x64xi32, #tpu.memory_space<vmem>>
        %dma_start3A_148 = tpu.memref_squeeze %dma_start3A_147 : memref<1x64xi32, #tpu.memory_space<vmem>> -> memref<64xi32, #tpu.memory_space<vmem>>
        %dma_start3A_149 = arith.constant 0 : i32
        %dma_start3A_150 = arith.constant 0 : i32
        %dma_start3A_151 = tpu.memref_slice %arg14[%dma_start3A_149, %dma_start3A_150] : memref<10240x128xf32, #tpu.memory_space<vmem_shared>> -> memref<10240x128xf32, #tpu.memory_space<vmem_shared>>
        tpu.enqueue_indirect_dma source(%arg12 : memref<64x128xf32, #tpu.memory_space<vmem>>) target(%dma_start3A_151 : memref<10240x128xf32, #tpu.memory_space<vmem_shared>>) offsets(%dma_start3A_148 : memref<64xi32, #tpu.memory_space<vmem>>) semaphore(%run_scoped3A_145 : memref<!tpu.dma_semaphore, #tpu.memory_space<semaphore_mem>>) {add = true}
        %dma_wait3A_152 = arith.constant 0 : i32
        %dma_wait3A_153 = tpu.memref_slice %arg9[%run_scoped3A_115, %dma_wait3A_152] : memref<1x64xi32, #tpu.memory_space<vmem>> -> memref<1x64xi32, #tpu.memory_space<vmem>>
        %dma_wait3A_154 = tpu.memref_squeeze %dma_wait3A_153 : memref<1x64xi32, #tpu.memory_space<vmem>> -> memref<64xi32, #tpu.memory_space<vmem>>
        %dma_wait3A_155 = arith.constant 0 : i32
        %dma_wait3A_156 = arith.constant 0 : i32
        %dma_wait3A_157 = tpu.memref_slice %arg14[%dma_wait3A_155, %dma_wait3A_156] : memref<10240x128xf32, #tpu.memory_space<vmem_shared>> -> memref<10240x128xf32, #tpu.memory_space<vmem_shared>>
        tpu.wait_indirect_dma semaphore(%run_scoped3A_145 : memref<!tpu.dma_semaphore, #tpu.memory_space<semaphore_mem>>) src(%arg12 : memref<64x128xf32, #tpu.memory_space<vmem>>) dst(%dma_wait3A_157 : memref<10240x128xf32, #tpu.memory_space<vmem_shared>>)
        tpu.yield
      }) : () -> ()
      %add3A_116 = arith.constant 3 : i32
      %add3A_117 = arith.addi %add3A_100, %add3A_116 : i32
      %lt3A_118 = arith.cmpi slt, %add3A_117, %select_n3A : i32
      %convert_element_type3A_119 = arith.extui %lt3A_118 : i1 to i32
      %cond3A_120 = arith.constant 0 : i32
      %cond3A_121 = arith.cmpi ne, %convert_element_type3A_119, %cond3A_120 : i32
      scf.if %cond3A_121 {
        %add3A_145 = arith.constant 3 : i32
        %add3A_146 = arith.addi %add3A_100, %add3A_145 : i32
        %dma_start3A_147 = arith.constant 0 : i32
        %dma_start3A_148 = arith.constant 0 : i32
        %dma_start3A_149 = tpu.memref_slice %arg3[%add3A, %add3A_146, %dma_start3A_147, %dma_start3A_148] : memref<32x252x1x64xi32, #tpu.memory_space<hbm>> -> memref<1x1x1x64xi32, #tpu.memory_space<hbm>>
        %dma_start3A_150 = tpu.memref_squeeze %dma_start3A_149 : memref<1x1x1x64xi32, #tpu.memory_space<hbm>> -> memref<1x64xi32, #tpu.memory_space<hbm>>
        %dma_start3A_151 = arith.constant 0 : i32
        %dma_start3A_152 = arith.constant 0 : i32
        %dma_start3A_153 = tpu.memref_slice %arg3[%add3A, %add3A_146, %dma_start3A_151, %dma_start3A_152] : memref<32x252x1x64xi32, #tpu.memory_space<hbm>> -> memref<1x1x1x64xi32, #tpu.memory_space<hbm>>
        %dma_start3A_154 = tpu.memref_squeeze %dma_start3A_153 : memref<1x1x1x64xi32, #tpu.memory_space<hbm>> -> memref<1x64xi32, #tpu.memory_space<hbm>>
        tpu.enqueue_dma source(%dma_start3A_154 : memref<1x64xi32, #tpu.memory_space<hbm>>) target(%arg9 : memref<1x64xi32, #tpu.memory_space<vmem>>) target_semaphore(%arg16 : memref<!tpu.dma_semaphore, #tpu.memory_space<semaphore_mem>>)
        %add3A_155 = arith.constant 3 : i32
        %add3A_156 = arith.addi %add3A_100, %add3A_155 : i32
        %mul3A_157 = arith.constant 64 : i32
        %mul3A_158 = arith.muli %add3A_156, %mul3A_157 : i32
        %dma_start3A_159 = tpu.memref_slice %arg7[%mul3A_158] : memref<16128xi32, #tpu.memory_space<vmem>> -> memref<64xi32, #tpu.memory_space<vmem>>
        %dma_start3A_160 = arith.constant 0 : i32
        %dma_start3A_161 = arith.constant 0 : i32
        %dma_start3A_162 = tpu.memref_slice %arg4[%dma_start3A_160, %dma_start3A_161] : memref<10000x128xf32, #tpu.memory_space<hbm>> -> memref<10000x128xf32, #tpu.memory_space<hbm>>
        tpu.enqueue_indirect_dma source(%dma_start3A_162 : memref<10000x128xf32, #tpu.memory_space<hbm>>) target(%arg12 : memref<64x128xf32, #tpu.memory_space<vmem>>) offsets(%dma_start3A_159 : memref<64xi32, #tpu.memory_space<vmem>>) semaphore(%arg19 : memref<!tpu.dma_semaphore, #tpu.memory_space<semaphore_mem>>)
      } else {
      }
      %add3A_122 = arith.constant 2 : i32
      %add3A_123 = arith.addi %add3A_80, %add3A_122 : i32
      %mul3A_124 = arith.constant 64 : i32
      %mul3A_125 = arith.muli %add3A_123, %mul3A_124 : i32
      %dma_wait3A_126 = tpu.memref_slice %arg7[%mul3A_125] : memref<16128xi32, #tpu.memory_space<vmem>> -> memref<64xi32, #tpu.memory_space<vmem>>
      %dma_wait3A_127 = arith.constant 0 : i32
      %dma_wait3A_128 = arith.constant 0 : i32
      %dma_wait3A_129 = tpu.memref_slice %arg4[%dma_wait3A_127, %dma_wait3A_128] : memref<10000x128xf32, #tpu.memory_space<hbm>> -> memref<10000x128xf32, #tpu.memory_space<hbm>>
      tpu.wait_indirect_dma semaphore(%arg20 : memref<!tpu.dma_semaphore, #tpu.memory_space<semaphore_mem>>) src(%dma_wait3A_129 : memref<10000x128xf32, #tpu.memory_space<hbm>>) dst(%arg13 : memref<64x128xf32, #tpu.memory_space<vmem>>)
      %dma_wait3A_130 = arith.constant 0 : i32
      %dma_wait3A_131 = arith.constant 0 : i32
      %dma_wait3A_132 = tpu.memref_slice %arg3[%add3A, %add3A_123, %dma_wait3A_130, %dma_wait3A_131] : memref<32x252x1x64xi32, #tpu.memory_space<hbm>> -> memref<1x1x1x64xi32, #tpu.memory_space<hbm>>
      %dma_wait3A_133 = tpu.memref_squeeze %dma_wait3A_132 : memref<1x1x1x64xi32, #tpu.memory_space<hbm>> -> memref<1x64xi32, #tpu.memory_space<hbm>>
      %dma_wait3A_134 = arith.constant 0 : i32
      %dma_wait3A_135 = arith.constant 0 : i32
      %dma_wait3A_136 = tpu.memref_slice %arg3[%add3A, %add3A_123, %dma_wait3A_134, %dma_wait3A_135] : memref<32x252x1x64xi32, #tpu.memory_space<hbm>> -> memref<1x1x1x64xi32, #tpu.memory_space<hbm>>
      %dma_wait3A_137 = tpu.memref_squeeze %dma_wait3A_136 : memref<1x1x1x64xi32, #tpu.memory_space<hbm>> -> memref<1x64xi32, #tpu.memory_space<hbm>>
      tpu.wait_dma2 semaphore(%arg17 : memref<!tpu.dma_semaphore, #tpu.memory_space<semaphore_mem>>) src(%dma_wait3A_137 : memref<1x64xi32, #tpu.memory_space<hbm>>) dst(%arg10 : memref<1x64xi32, #tpu.memory_space<vmem>>)
      %run_scoped3A_138 = arith.constant 0 : i32
      "tpu.region"() ({
        %run_scoped3A_145 = tpu.sem_alloc : memref<!tpu.dma_semaphore, #tpu.memory_space<semaphore_mem>>
        %dma_start3A_146 = arith.constant 0 : i32
        %dma_start3A_147 = tpu.memref_slice %arg10[%run_scoped3A_138, %dma_start3A_146] : memref<1x64xi32, #tpu.memory_space<vmem>> -> memref<1x64xi32, #tpu.memory_space<vmem>>
        %dma_start3A_148 = tpu.memref_squeeze %dma_start3A_147 : memref<1x64xi32, #tpu.memory_space<vmem>> -> memref<64xi32, #tpu.memory_space<vmem>>
        %dma_start3A_149 = arith.constant 0 : i32
        %dma_start3A_150 = arith.constant 0 : i32
        %dma_start3A_151 = tpu.memref_slice %arg14[%dma_start3A_149, %dma_start3A_150] : memref<10240x128xf32, #tpu.memory_space<vmem_shared>> -> memref<10240x128xf32, #tpu.memory_space<vmem_shared>>
        tpu.enqueue_indirect_dma source(%arg13 : memref<64x128xf32, #tpu.memory_space<vmem>>) target(%dma_start3A_151 : memref<10240x128xf32, #tpu.memory_space<vmem_shared>>) offsets(%dma_start3A_148 : memref<64xi32, #tpu.memory_space<vmem>>) semaphore(%run_scoped3A_145 : memref<!tpu.dma_semaphore, #tpu.memory_space<semaphore_mem>>) {add = true}
        %dma_wait3A_152 = arith.constant 0 : i32
        %dma_wait3A_153 = tpu.memref_slice %arg10[%run_scoped3A_138, %dma_wait3A_152] : memref<1x64xi32, #tpu.memory_space<vmem>> -> memref<1x64xi32, #tpu.memory_space<vmem>>
        %dma_wait3A_154 = tpu.memref_squeeze %dma_wait3A_153 : memref<1x64xi32, #tpu.memory_space<vmem>> -> memref<64xi32, #tpu.memory_space<vmem>>
        %dma_wait3A_155 = arith.constant 0 : i32
        %dma_wait3A_156 = arith.constant 0 : i32
        %dma_wait3A_157 = tpu.memref_slice %arg14[%dma_wait3A_155, %dma_wait3A_156] : memref<10240x128xf32, #tpu.memory_space<vmem_shared>> -> memref<10240x128xf32, #tpu.memory_space<vmem_shared>>
        tpu.wait_indirect_dma semaphore(%run_scoped3A_145 : memref<!tpu.dma_semaphore, #tpu.memory_space<semaphore_mem>>) src(%arg13 : memref<64x128xf32, #tpu.memory_space<vmem>>) dst(%dma_wait3A_157 : memref<10240x128xf32, #tpu.memory_space<vmem_shared>>)
        tpu.yield
      }) : () -> ()
      %add3A_139 = arith.constant 3 : i32
      %add3A_140 = arith.addi %add3A_123, %add3A_139 : i32
      %lt3A_141 = arith.cmpi slt, %add3A_140, %select_n3A : i32
      %convert_element_type3A_142 = arith.extui %lt3A_141 : i1 to i32
      %cond3A_143 = arith.constant 0 : i32
      %cond3A_144 = arith.cmpi ne, %convert_element_type3A_142, %cond3A_143 : i32
      scf.if %cond3A_144 {
        %add3A_145 = arith.constant 3 : i32
        %add3A_146 = arith.addi %add3A_123, %add3A_145 : i32
        %dma_start3A_147 = arith.constant 0 : i32
        %dma_start3A_148 = arith.constant 0 : i32
        %dma_start3A_149 = tpu.memref_slice %arg3[%add3A, %add3A_146, %dma_start3A_147, %dma_start3A_148] : memref<32x252x1x64xi32, #tpu.memory_space<hbm>> -> memref<1x1x1x64xi32, #tpu.memory_space<hbm>>
        %dma_start3A_150 = tpu.memref_squeeze %dma_start3A_149 : memref<1x1x1x64xi32, #tpu.memory_space<hbm>> -> memref<1x64xi32, #tpu.memory_space<hbm>>
        %dma_start3A_151 = arith.constant 0 : i32
        %dma_start3A_152 = arith.constant 0 : i32
        %dma_start3A_153 = tpu.memref_slice %arg3[%add3A, %add3A_146, %dma_start3A_151, %dma_start3A_152] : memref<32x252x1x64xi32, #tpu.memory_space<hbm>> -> memref<1x1x1x64xi32, #tpu.memory_space<hbm>>
        %dma_start3A_154 = tpu.memref_squeeze %dma_start3A_153 : memref<1x1x1x64xi32, #tpu.memory_space<hbm>> -> memref<1x64xi32, #tpu.memory_space<hbm>>
        tpu.enqueue_dma source(%dma_start3A_154 : memref<1x64xi32, #tpu.memory_space<hbm>>) target(%arg10 : memref<1x64xi32, #tpu.memory_space<vmem>>) target_semaphore(%arg17 : memref<!tpu.dma_semaphore, #tpu.memory_space<semaphore_mem>>)
        %add3A_155 = arith.constant 3 : i32
        %add3A_156 = arith.addi %add3A_123, %add3A_155 : i32
        %mul3A_157 = arith.constant 64 : i32
        %mul3A_158 = arith.muli %add3A_156, %mul3A_157 : i32
        %dma_start3A_159 = tpu.memref_slice %arg7[%mul3A_158] : memref<16128xi32, #tpu.memory_space<vmem>> -> memref<64xi32, #tpu.memory_space<vmem>>
        %dma_start3A_160 = arith.constant 0 : i32
        %dma_start3A_161 = arith.constant 0 : i32
        %dma_start3A_162 = tpu.memref_slice %arg4[%dma_start3A_160, %dma_start3A_161] : memref<10000x128xf32, #tpu.memory_space<hbm>> -> memref<10000x128xf32, #tpu.memory_space<hbm>>
        tpu.enqueue_indirect_dma source(%dma_start3A_162 : memref<10000x128xf32, #tpu.memory_space<hbm>>) target(%arg13 : memref<64x128xf32, #tpu.memory_space<vmem>>) offsets(%dma_start3A_159 : memref<64xi32, #tpu.memory_space<vmem>>) semaphore(%arg20 : memref<!tpu.dma_semaphore, #tpu.memory_space<semaphore_mem>>)
      } else {
      }
    }
    %while3A_72 = arith.constant 1 : i32
    scf.for %while3A_78 = %while3A_70 to %while3A_66 step %while3A_72  : i32 {
      %mul3A_79 = arith.muli %while3A_78, %while3A : i32
      %add3A_80 = arith.addi %while3A_63, %mul3A_79 : i32
      %add3A_81 = arith.constant 0 : i32
      %add3A_82 = arith.addi %add3A_80, %add3A_81 : i32
      %mul3A_83 = arith.constant 64 : i32
      %mul3A_84 = arith.muli %add3A_82, %mul3A_83 : i32
      %dma_wait3A = tpu.memref_slice %arg7[%mul3A_84] : memref<16128xi32, #tpu.memory_space<vmem>> -> memref<64xi32, #tpu.memory_space<vmem>>
      %dma_wait3A_85 = arith.constant 0 : i32
      %dma_wait3A_86 = arith.constant 0 : i32
      %dma_wait3A_87 = tpu.memref_slice %arg4[%dma_wait3A_85, %dma_wait3A_86] : memref<10000x128xf32, #tpu.memory_space<hbm>> -> memref<10000x128xf32, #tpu.memory_space<hbm>>
      tpu.wait_indirect_dma semaphore(%arg18 : memref<!tpu.dma_semaphore, #tpu.memory_space<semaphore_mem>>) src(%dma_wait3A_87 : memref<10000x128xf32, #tpu.memory_space<hbm>>) dst(%arg11 : memref<64x128xf32, #tpu.memory_space<vmem>>)
      %dma_wait3A_88 = arith.constant 0 : i32
      %dma_wait3A_89 = arith.constant 0 : i32
      %dma_wait3A_90 = tpu.memref_slice %arg3[%add3A, %add3A_82, %dma_wait3A_88, %dma_wait3A_89] : memref<32x252x1x64xi32, #tpu.memory_space<hbm>> -> memref<1x1x1x64xi32, #tpu.memory_space<hbm>>
      %dma_wait3A_91 = tpu.memref_squeeze %dma_wait3A_90 : memref<1x1x1x64xi32, #tpu.memory_space<hbm>> -> memref<1x64xi32, #tpu.memory_space<hbm>>
      %dma_wait3A_92 = arith.constant 0 : i32
      %dma_wait3A_93 = arith.constant 0 : i32
      %dma_wait3A_94 = tpu.memref_slice %arg3[%add3A, %add3A_82, %dma_wait3A_92, %dma_wait3A_93] : memref<32x252x1x64xi32, #tpu.memory_space<hbm>> -> memref<1x1x1x64xi32, #tpu.memory_space<hbm>>
      %dma_wait3A_95 = tpu.memref_squeeze %dma_wait3A_94 : memref<1x1x1x64xi32, #tpu.memory_space<hbm>> -> memref<1x64xi32, #tpu.memory_space<hbm>>
      tpu.wait_dma2 semaphore(%arg15 : memref<!tpu.dma_semaphore, #tpu.memory_space<semaphore_mem>>) src(%dma_wait3A_95 : memref<1x64xi32, #tpu.memory_space<hbm>>) dst(%arg8 : memref<1x64xi32, #tpu.memory_space<vmem>>)
      %run_scoped3A = arith.constant 0 : i32
      "tpu.region"() ({
        %run_scoped3A_145 = tpu.sem_alloc : memref<!tpu.dma_semaphore, #tpu.memory_space<semaphore_mem>>
        %dma_start3A_146 = arith.constant 0 : i32
        %dma_start3A_147 = tpu.memref_slice %arg8[%run_scoped3A, %dma_start3A_146] : memref<1x64xi32, #tpu.memory_space<vmem>> -> memref<1x64xi32, #tpu.memory_space<vmem>>
        %dma_start3A_148 = tpu.memref_squeeze %dma_start3A_147 : memref<1x64xi32, #tpu.memory_space<vmem>> -> memref<64xi32, #tpu.memory_space<vmem>>
        %dma_start3A_149 = arith.constant 0 : i32
        %dma_start3A_150 = arith.constant 0 : i32
        %dma_start3A_151 = tpu.memref_slice %arg14[%dma_start3A_149, %dma_start3A_150] : memref<10240x128xf32, #tpu.memory_space<vmem_shared>> -> memref<10240x128xf32, #tpu.memory_space<vmem_shared>>
        tpu.enqueue_indirect_dma source(%arg11 : memref<64x128xf32, #tpu.memory_space<vmem>>) target(%dma_start3A_151 : memref<10240x128xf32, #tpu.memory_space<vmem_shared>>) offsets(%dma_start3A_148 : memref<64xi32, #tpu.memory_space<vmem>>) semaphore(%run_scoped3A_145 : memref<!tpu.dma_semaphore, #tpu.memory_space<semaphore_mem>>) {add = true}
        %dma_wait3A_152 = arith.constant 0 : i32
        %dma_wait3A_153 = tpu.memref_slice %arg8[%run_scoped3A, %dma_wait3A_152] : memref<1x64xi32, #tpu.memory_space<vmem>> -> memref<1x64xi32, #tpu.memory_space<vmem>>
        %dma_wait3A_154 = tpu.memref_squeeze %dma_wait3A_153 : memref<1x64xi32, #tpu.memory_space<vmem>> -> memref<64xi32, #tpu.memory_space<vmem>>
        %dma_wait3A_155 = arith.constant 0 : i32
        %dma_wait3A_156 = arith.constant 0 : i32
        %dma_wait3A_157 = tpu.memref_slice %arg14[%dma_wait3A_155, %dma_wait3A_156] : memref<10240x128xf32, #tpu.memory_space<vmem_shared>> -> memref<10240x128xf32, #tpu.memory_space<vmem_shared>>
        tpu.wait_indirect_dma semaphore(%run_scoped3A_145 : memref<!tpu.dma_semaphore, #tpu.memory_space<semaphore_mem>>) src(%arg11 : memref<64x128xf32, #tpu.memory_space<vmem>>) dst(%dma_wait3A_157 : memref<10240x128xf32, #tpu.memory_space<vmem_shared>>)
        tpu.yield
      }) : () -> ()
      %add3A_96 = arith.constant 3 : i32
      %add3A_97 = arith.addi %add3A_82, %add3A_96 : i32
      %lt3A = arith.cmpi slt, %add3A_97, %select_n3A : i32
      %convert_element_type3A = arith.extui %lt3A : i1 to i32
      %cond3A = arith.constant 0 : i32
      %cond3A_98 = arith.cmpi ne, %convert_element_type3A, %cond3A : i32
      scf.if %cond3A_98 {
        %add3A_145 = arith.constant 3 : i32
        %add3A_146 = arith.addi %add3A_82, %add3A_145 : i32
        %dma_start3A_147 = arith.constant 0 : i32
        %dma_start3A_148 = arith.constant 0 : i32
        %dma_start3A_149 = tpu.memref_slice %arg3[%add3A, %add3A_146, %dma_start3A_147, %dma_start3A_148] : memref<32x252x1x64xi32, #tpu.memory_space<hbm>> -> memref<1x1x1x64xi32, #tpu.memory_space<hbm>>
        %dma_start3A_150 = tpu.memref_squeeze %dma_start3A_149 : memref<1x1x1x64xi32, #tpu.memory_space<hbm>> -> memref<1x64xi32, #tpu.memory_space<hbm>>
        %dma_start3A_151 = arith.constant 0 : i32
        %dma_start3A_152 = arith.constant 0 : i32
        %dma_start3A_153 = tpu.memref_slice %arg3[%add3A, %add3A_146, %dma_start3A_151, %dma_start3A_152] : memref<32x252x1x64xi32, #tpu.memory_space<hbm>> -> memref<1x1x1x64xi32, #tpu.memory_space<hbm>>
        %dma_start3A_154 = tpu.memref_squeeze %dma_start3A_153 : memref<1x1x1x64xi32, #tpu.memory_space<hbm>> -> memref<1x64xi32, #tpu.memory_space<hbm>>
        tpu.enqueue_dma source(%dma_start3A_154 : memref<1x64xi32, #tpu.memory_space<hbm>>) target(%arg8 : memref<1x64xi32, #tpu.memory_space<vmem>>) target_semaphore(%arg15 : memref<!tpu.dma_semaphore, #tpu.memory_space<semaphore_mem>>)
        %add3A_155 = arith.constant 3 : i32
        %add3A_156 = arith.addi %add3A_82, %add3A_155 : i32
        %mul3A_157 = arith.constant 64 : i32
        %mul3A_158 = arith.muli %add3A_156, %mul3A_157 : i32
        %dma_start3A_159 = tpu.memref_slice %arg7[%mul3A_158] : memref<16128xi32, #tpu.memory_space<vmem>> -> memref<64xi32, #tpu.memory_space<vmem>>
        %dma_start3A_160 = arith.constant 0 : i32
        %dma_start3A_161 = arith.constant 0 : i32
        %dma_start3A_162 = tpu.memref_slice %arg4[%dma_start3A_160, %dma_start3A_161] : memref<10000x128xf32, #tpu.memory_space<hbm>> -> memref<10000x128xf32, #tpu.memory_space<hbm>>
        tpu.enqueue_indirect_dma source(%dma_start3A_162 : memref<10000x128xf32, #tpu.memory_space<hbm>>) target(%arg11 : memref<64x128xf32, #tpu.memory_space<vmem>>) offsets(%dma_start3A_159 : memref<64xi32, #tpu.memory_space<vmem>>) semaphore(%arg18 : memref<!tpu.dma_semaphore, #tpu.memory_space<semaphore_mem>>)
      } else {
      }
      %add3A_99 = arith.constant 1 : i32
      %add3A_100 = arith.addi %add3A_80, %add3A_99 : i32
      %mul3A_101 = arith.constant 64 : i32
      %mul3A_102 = arith.muli %add3A_100, %mul3A_101 : i32
      %dma_wait3A_103 = tpu.memref_slice %arg7[%mul3A_102] : memref<16128xi32, #tpu.memory_space<vmem>> -> memref<64xi32, #tpu.memory_space<vmem>>
      %dma_wait3A_104 = arith.constant 0 : i32
      %dma_wait3A_105 = arith.constant 0 : i32
      %dma_wait3A_106 = tpu.memref_slice %arg4[%dma_wait3A_104, %dma_wait3A_105] : memref<10000x128xf32, #tpu.memory_space<hbm>> -> memref<10000x128xf32, #tpu.memory_space<hbm>>
      tpu.wait_indirect_dma semaphore(%arg19 : memref<!tpu.dma_semaphore, #tpu.memory_space<semaphore_mem>>) src(%dma_wait3A_106 : memref<10000x128xf32, #tpu.memory_space<hbm>>) dst(%arg12 : memref<64x128xf32, #tpu.memory_space<vmem>>)
      %dma_wait3A_107 = arith.constant 0 : i32
      %dma_wait3A_108 = arith.constant 0 : i32
      %dma_wait3A_109 = tpu.memref_slice %arg3[%add3A, %add3A_100, %dma_wait3A_107, %dma_wait3A_108] : memref<32x252x1x64xi32, #tpu.memory_space<hbm>> -> memref<1x1x1x64xi32, #tpu.memory_space<hbm>>
      %dma_wait3A_110 = tpu.memref_squeeze %dma_wait3A_109 : memref<1x1x1x64xi32, #tpu.memory_space<hbm>> -> memref<1x64xi32, #tpu.memory_space<hbm>>
      %dma_wait3A_111 = arith.constant 0 : i32
      %dma_wait3A_112 = arith.constant 0 : i32
      %dma_wait3A_113 = tpu.memref_slice %arg3[%add3A, %add3A_100, %dma_wait3A_111, %dma_wait3A_112] : memref<32x252x1x64xi32, #tpu.memory_space<hbm>> -> memref<1x1x1x64xi32, #tpu.memory_space<hbm>>
      %dma_wait3A_114 = tpu.memref_squeeze %dma_wait3A_113 : memref<1x1x1x64xi32, #tpu.memory_space<hbm>> -> memref<1x64xi32, #tpu.memory_space<hbm>>
      tpu.wait_dma2 semaphore(%arg16 : memref<!tpu.dma_semaphore, #tpu.memory_space<semaphore_mem>>) src(%dma_wait3A_114 : memref<1x64xi32, #tpu.memory_space<hbm>>) dst(%arg9 : memref<1x64xi32, #tpu.memory_space<vmem>>)
      %run_scoped3A_115 = arith.constant 0 : i32
      "tpu.region"() ({
        %run_scoped3A_145 = tpu.sem_alloc : memref<!tpu.dma_semaphore, #tpu.memory_space<semaphore_mem>>
        %dma_start3A_146 = arith.constant 0 : i32
        %dma_start3A_147 = tpu.memref_slice %arg9[%run_scoped3A_115, %dma_start3A_146] : memref<1x64xi32, #tpu.memory_space<vmem>> -> memref<1x64xi32, #tpu.memory_space<vmem>>
        %dma_start3A_148 = tpu.memref_squeeze %dma_start3A_147 : memref<1x64xi32, #tpu.memory_space<vmem>> -> memref<64xi32, #tpu.memory_space<vmem>>
        %dma_start3A_149 = arith.constant 0 : i32
        %dma_start3A_150 = arith.constant 0 : i32
        %dma_start3A_151 = tpu.memref_slice %arg14[%dma_start3A_149, %dma_start3A_150] : memref<10240x128xf32, #tpu.memory_space<vmem_shared>> -> memref<10240x128xf32, #tpu.memory_space<vmem_shared>>
        tpu.enqueue_indirect_dma source(%arg12 : memref<64x128xf32, #tpu.memory_space<vmem>>) target(%dma_start3A_151 : memref<10240x128xf32, #tpu.memory_space<vmem_shared>>) offsets(%dma_start3A_148 : memref<64xi32, #tpu.memory_space<vmem>>) semaphore(%run_scoped3A_145 : memref<!tpu.dma_semaphore, #tpu.memory_space<semaphore_mem>>) {add = true}
        %dma_wait3A_152 = arith.constant 0 : i32
        %dma_wait3A_153 = tpu.memref_slice %arg9[%run_scoped3A_115, %dma_wait3A_152] : memref<1x64xi32, #tpu.memory_space<vmem>> -> memref<1x64xi32, #tpu.memory_space<vmem>>
        %dma_wait3A_154 = tpu.memref_squeeze %dma_wait3A_153 : memref<1x64xi32, #tpu.memory_space<vmem>> -> memref<64xi32, #tpu.memory_space<vmem>>
        %dma_wait3A_155 = arith.constant 0 : i32
        %dma_wait3A_156 = arith.constant 0 : i32
        %dma_wait3A_157 = tpu.memref_slice %arg14[%dma_wait3A_155, %dma_wait3A_156] : memref<10240x128xf32, #tpu.memory_space<vmem_shared>> -> memref<10240x128xf32, #tpu.memory_space<vmem_shared>>
        tpu.wait_indirect_dma semaphore(%run_scoped3A_145 : memref<!tpu.dma_semaphore, #tpu.memory_space<semaphore_mem>>) src(%arg12 : memref<64x128xf32, #tpu.memory_space<vmem>>) dst(%dma_wait3A_157 : memref<10240x128xf32, #tpu.memory_space<vmem_shared>>)
        tpu.yield
      }) : () -> ()
      %add3A_116 = arith.constant 3 : i32
      %add3A_117 = arith.addi %add3A_100, %add3A_116 : i32
      %lt3A_118 = arith.cmpi slt, %add3A_117, %select_n3A : i32
      %convert_element_type3A_119 = arith.extui %lt3A_118 : i1 to i32
      %cond3A_120 = arith.constant 0 : i32
      %cond3A_121 = arith.cmpi ne, %convert_element_type3A_119, %cond3A_120 : i32
      scf.if %cond3A_121 {
        %add3A_145 = arith.constant 3 : i32
        %add3A_146 = arith.addi %add3A_100, %add3A_145 : i32
        %dma_start3A_147 = arith.constant 0 : i32
        %dma_start3A_148 = arith.constant 0 : i32
        %dma_start3A_149 = tpu.memref_slice %arg3[%add3A, %add3A_146, %dma_start3A_147, %dma_start3A_148] : memref<32x252x1x64xi32, #tpu.memory_space<hbm>> -> memref<1x1x1x64xi32, #tpu.memory_space<hbm>>
        %dma_start3A_150 = tpu.memref_squeeze %dma_start3A_149 : memref<1x1x1x64xi32, #tpu.memory_space<hbm>> -> memref<1x64xi32, #tpu.memory_space<hbm>>
        %dma_start3A_151 = arith.constant 0 : i32
        %dma_start3A_152 = arith.constant 0 : i32
        %dma_start3A_153 = tpu.memref_slice %arg3[%add3A, %add3A_146, %dma_start3A_151, %dma_start3A_152] : memref<32x252x1x64xi32, #tpu.memory_space<hbm>> -> memref<1x1x1x64xi32, #tpu.memory_space<hbm>>
        %dma_start3A_154 = tpu.memref_squeeze %dma_start3A_153 : memref<1x1x1x64xi32, #tpu.memory_space<hbm>> -> memref<1x64xi32, #tpu.memory_space<hbm>>
        tpu.enqueue_dma source(%dma_start3A_154 : memref<1x64xi32, #tpu.memory_space<hbm>>) target(%arg9 : memref<1x64xi32, #tpu.memory_space<vmem>>) target_semaphore(%arg16 : memref<!tpu.dma_semaphore, #tpu.memory_space<semaphore_mem>>)
        %add3A_155 = arith.constant 3 : i32
        %add3A_156 = arith.addi %add3A_100, %add3A_155 : i32
        %mul3A_157 = arith.constant 64 : i32
        %mul3A_158 = arith.muli %add3A_156, %mul3A_157 : i32
        %dma_start3A_159 = tpu.memref_slice %arg7[%mul3A_158] : memref<16128xi32, #tpu.memory_space<vmem>> -> memref<64xi32, #tpu.memory_space<vmem>>
        %dma_start3A_160 = arith.constant 0 : i32
        %dma_start3A_161 = arith.constant 0 : i32
        %dma_start3A_162 = tpu.memref_slice %arg4[%dma_start3A_160, %dma_start3A_161] : memref<10000x128xf32, #tpu.memory_space<hbm>> -> memref<10000x128xf32, #tpu.memory_space<hbm>>
        tpu.enqueue_indirect_dma source(%dma_start3A_162 : memref<10000x128xf32, #tpu.memory_space<hbm>>) target(%arg12 : memref<64x128xf32, #tpu.memory_space<vmem>>) offsets(%dma_start3A_159 : memref<64xi32, #tpu.memory_space<vmem>>) semaphore(%arg19 : memref<!tpu.dma_semaphore, #tpu.memory_space<semaphore_mem>>)
      } else {
      }
      %add3A_122 = arith.constant 2 : i32
      %add3A_123 = arith.addi %add3A_80, %add3A_122 : i32
      %mul3A_124 = arith.constant 64 : i32
      %mul3A_125 = arith.muli %add3A_123, %mul3A_124 : i32
      %dma_wait3A_126 = tpu.memref_slice %arg7[%mul3A_125] : memref<16128xi32, #tpu.memory_space<vmem>> -> memref<64xi32, #tpu.memory_space<vmem>>
      %dma_wait3A_127 = arith.constant 0 : i32
      %dma_wait3A_128 = arith.constant 0 : i32
      %dma_wait3A_129 = tpu.memref_slice %arg4[%dma_wait3A_127, %dma_wait3A_128] : memref<10000x128xf32, #tpu.memory_space<hbm>> -> memref<10000x128xf32, #tpu.memory_space<hbm>>
      tpu.wait_indirect_dma semaphore(%arg20 : memref<!tpu.dma_semaphore, #tpu.memory_space<semaphore_mem>>) src(%dma_wait3A_129 : memref<10000x128xf32, #tpu.memory_space<hbm>>) dst(%arg13 : memref<64x128xf32, #tpu.memory_space<vmem>>)
      %dma_wait3A_130 = arith.constant 0 : i32
      %dma_wait3A_131 = arith.constant 0 : i32
      %dma_wait3A_132 = tpu.memref_slice %arg3[%add3A, %add3A_123, %dma_wait3A_130, %dma_wait3A_131] : memref<32x252x1x64xi32, #tpu.memory_space<hbm>> -> memref<1x1x1x64xi32, #tpu.memory_space<hbm>>
      %dma_wait3A_133 = tpu.memref_squeeze %dma_wait3A_132 : memref<1x1x1x64xi32, #tpu.memory_space<hbm>> -> memref<1x64xi32, #tpu.memory_space<hbm>>
      %dma_wait3A_134 = arith.constant 0 : i32
      %dma_wait3A_135 = arith.constant 0 : i32
      %dma_wait3A_136 = tpu.memref_slice %arg3[%add3A, %add3A_123, %dma_wait3A_134, %dma_wait3A_135] : memref<32x252x1x64xi32, #tpu.memory_space<hbm>> -> memref<1x1x1x64xi32, #tpu.memory_space<hbm>>
      %dma_wait3A_137 = tpu.memref_squeeze %dma_wait3A_136 : memref<1x1x1x64xi32, #tpu.memory_space<hbm>> -> memref<1x64xi32, #tpu.memory_space<hbm>>
      tpu.wait_dma2 semaphore(%arg17 : memref<!tpu.dma_semaphore, #tpu.memory_space<semaphore_mem>>) src(%dma_wait3A_137 : memref<1x64xi32, #tpu.memory_space<hbm>>) dst(%arg10 : memref<1x64xi32, #tpu.memory_space<vmem>>)
      %run_scoped3A_138 = arith.constant 0 : i32
      "tpu.region"() ({
        %run_scoped3A_145 = tpu.sem_alloc : memref<!tpu.dma_semaphore, #tpu.memory_space<semaphore_mem>>
        %dma_start3A_146 = arith.constant 0 : i32
        %dma_start3A_147 = tpu.memref_slice %arg10[%run_scoped3A_138, %dma_start3A_146] : memref<1x64xi32, #tpu.memory_space<vmem>> -> memref<1x64xi32, #tpu.memory_space<vmem>>
        %dma_start3A_148 = tpu.memref_squeeze %dma_start3A_147 : memref<1x64xi32, #tpu.memory_space<vmem>> -> memref<64xi32, #tpu.memory_space<vmem>>
        %dma_start3A_149 = arith.constant 0 : i32
        %dma_start3A_150 = arith.constant 0 : i32
        %dma_start3A_151 = tpu.memref_slice %arg14[%dma_start3A_149, %dma_start3A_150] : memref<10240x128xf32, #tpu.memory_space<vmem_shared>> -> memref<10240x128xf32, #tpu.memory_space<vmem_shared>>
        tpu.enqueue_indirect_dma source(%arg13 : memref<64x128xf32, #tpu.memory_space<vmem>>) target(%dma_start3A_151 : memref<10240x128xf32, #tpu.memory_space<vmem_shared>>) offsets(%dma_start3A_148 : memref<64xi32, #tpu.memory_space<vmem>>) semaphore(%run_scoped3A_145 : memref<!tpu.dma_semaphore, #tpu.memory_space<semaphore_mem>>) {add = true}
        %dma_wait3A_152 = arith.constant 0 : i32
        %dma_wait3A_153 = tpu.memref_slice %arg10[%run_scoped3A_138, %dma_wait3A_152] : memref<1x64xi32, #tpu.memory_space<vmem>> -> memref<1x64xi32, #tpu.memory_space<vmem>>
        %dma_wait3A_154 = tpu.memref_squeeze %dma_wait3A_153 : memref<1x64xi32, #tpu.memory_space<vmem>> -> memref<64xi32, #tpu.memory_space<vmem>>
        %dma_wait3A_155 = arith.constant 0 : i32
        %dma_wait3A_156 = arith.constant 0 : i32
        %dma_wait3A_157 = tpu.memref_slice %arg14[%dma_wait3A_155, %dma_wait3A_156] : memref<10240x128xf32, #tpu.memory_space<vmem_shared>> -> memref<10240x128xf32, #tpu.memory_space<vmem_shared>>
        tpu.wait_indirect_dma semaphore(%run_scoped3A_145 : memref<!tpu.dma_semaphore, #tpu.memory_space<semaphore_mem>>) src(%arg13 : memref<64x128xf32, #tpu.memory_space<vmem>>) dst(%dma_wait3A_157 : memref<10240x128xf32, #tpu.memory_space<vmem_shared>>)
        tpu.yield
      }) : () -> ()
      %add3A_139 = arith.constant 3 : i32
      %add3A_140 = arith.addi %add3A_123, %add3A_139 : i32
      %lt3A_141 = arith.cmpi slt, %add3A_140, %select_n3A : i32
      %convert_element_type3A_142 = arith.extui %lt3A_141 : i1 to i32
      %cond3A_143 = arith.constant 0 : i32
      %cond3A_144 = arith.cmpi ne, %convert_element_type3A_142, %cond3A_143 : i32
      scf.if %cond3A_144 {
        %add3A_145 = arith.constant 3 : i32
        %add3A_146 = arith.addi %add3A_123, %add3A_145 : i32
        %dma_start3A_147 = arith.constant 0 : i32
        %dma_start3A_148 = arith.constant 0 : i32
        %dma_start3A_149 = tpu.memref_slice %arg3[%add3A, %add3A_146, %dma_start3A_147, %dma_start3A_148] : memref<32x252x1x64xi32, #tpu.memory_space<hbm>> -> memref<1x1x1x64xi32, #tpu.memory_space<hbm>>
        %dma_start3A_150 = tpu.memref_squeeze %dma_start3A_149 : memref<1x1x1x64xi32, #tpu.memory_space<hbm>> -> memref<1x64xi32, #tpu.memory_space<hbm>>
        %dma_start3A_151 = arith.constant 0 : i32
        %dma_start3A_152 = arith.constant 0 : i32
        %dma_start3A_153 = tpu.memref_slice %arg3[%add3A, %add3A_146, %dma_start3A_151, %dma_start3A_152] : memref<32x252x1x64xi32, #tpu.memory_space<hbm>> -> memref<1x1x1x64xi32, #tpu.memory_space<hbm>>
        %dma_start3A_154 = tpu.memref_squeeze %dma_start3A_153 : memref<1x1x1x64xi32, #tpu.memory_space<hbm>> -> memref<1x64xi32, #tpu.memory_space<hbm>>
        tpu.enqueue_dma source(%dma_start3A_154 : memref<1x64xi32, #tpu.memory_space<hbm>>) target(%arg10 : memref<1x64xi32, #tpu.memory_space<vmem>>) target_semaphore(%arg17 : memref<!tpu.dma_semaphore, #tpu.memory_space<semaphore_mem>>)
        %add3A_155 = arith.constant 3 : i32
        %add3A_156 = arith.addi %add3A_123, %add3A_155 : i32
        %mul3A_157 = arith.constant 64 : i32
        %mul3A_158 = arith.muli %add3A_156, %mul3A_157 : i32
        %dma_start3A_159 = tpu.memref_slice %arg7[%mul3A_158] : memref<16128xi32, #tpu.memory_space<vmem>> -> memref<64xi32, #tpu.memory_space<vmem>>
        %dma_start3A_160 = arith.constant 0 : i32
        %dma_start3A_161 = arith.constant 0 : i32
        %dma_start3A_162 = tpu.memref_slice %arg4[%dma_start3A_160, %dma_start3A_161] : memref<10000x128xf32, #tpu.memory_space<hbm>> -> memref<10000x128xf32, #tpu.memory_space<hbm>>
        tpu.enqueue_indirect_dma source(%dma_start3A_162 : memref<10000x128xf32, #tpu.memory_space<hbm>>) target(%arg13 : memref<64x128xf32, #tpu.memory_space<vmem>>) offsets(%dma_start3A_159 : memref<64xi32, #tpu.memory_space<vmem>>) semaphore(%arg20 : memref<!tpu.dma_semaphore, #tpu.memory_space<semaphore_mem>>)
      } else {
      }
    }
    %barrier3A_73 = arith.constant 0 : index
    tpu.barrier barrier_id(%barrier3A_73)
    %mul3A_74 = arith.constant 640 : i32
    %mul3A_75 = arith.muli %arg1, %mul3A_74 : i32
    %mul3A_76 = arith.constant 640 : i32
    %mul3A_77 = arith.muli %arg1, %mul3A_76 : i32
    "tpu.region"() ({
      %run_scoped3A = tpu.sem_alloc : memref<!tpu.dma_semaphore, #tpu.memory_space<semaphore_mem>>
      %dma_start3A_78 = arith.constant 0 : i32
      %dma_start3A_79 = tpu.memref_slice %arg6[%arg0, %mul3A_77, %dma_start3A_78] : memref<2x10240x128xf32, #tpu.memory_space<hbm>> -> memref<1x640x128xf32, #tpu.memory_space<hbm>>
      %dma_start3A_80 = tpu.memref_squeeze %dma_start3A_79 : memref<1x640x128xf32, #tpu.memory_space<hbm>> -> memref<640x128xf32, #tpu.memory_space<hbm>>
      %dma_start3A_81 = arith.constant 0 : i32
      %dma_start3A_82 = tpu.memref_slice %arg14[%mul3A_75, %dma_start3A_81] : memref<10240x128xf32, #tpu.memory_space<vmem_shared>> -> memref<640x128xf32, #tpu.memory_space<vmem_shared>>
      tpu.enqueue_dma source(%dma_start3A_82 : memref<640x128xf32, #tpu.memory_space<vmem_shared>>) target(%dma_start3A_80 : memref<640x128xf32, #tpu.memory_space<hbm>>) target_semaphore(%run_scoped3A : memref<!tpu.dma_semaphore, #tpu.memory_space<semaphore_mem>>)
      %dma_wait3A = arith.constant 0 : i32
      %dma_wait3A_83 = tpu.memref_slice %arg6[%arg0, %mul3A_77, %dma_wait3A] : memref<2x10240x128xf32, #tpu.memory_space<hbm>> -> memref<1x640x128xf32, #tpu.memory_space<hbm>>
      %dma_wait3A_84 = tpu.memref_squeeze %dma_wait3A_83 : memref<1x640x128xf32, #tpu.memory_space<hbm>> -> memref<640x128xf32, #tpu.memory_space<hbm>>
      %dma_wait3A_85 = arith.constant 0 : i32
      %dma_wait3A_86 = tpu.memref_slice %arg14[%mul3A_75, %dma_wait3A_85] : memref<10240x128xf32, #tpu.memory_space<vmem_shared>> -> memref<640x128xf32, #tpu.memory_space<vmem_shared>>
      tpu.wait_dma2 semaphore(%run_scoped3A : memref<!tpu.dma_semaphore, #tpu.memory_space<semaphore_mem>>) src(%dma_wait3A_86 : memref<640x128xf32, #tpu.memory_space<vmem_shared>>) dst(%dma_wait3A_84 : memref<640x128xf32, #tpu.memory_space<hbm>>)
      tpu.yield
    }) : () -> ()
    return
  }
}

module attributes {stable_mosaic.version = 14 : i64} {
  func.func @body(%arg0: i32, %arg1: memref<512x128xf32, #tpu.memory_space<vmem>>, %arg2: memref<128x128xf32, #tpu.memory_space<vmem>>, %arg3: memref<512x128xf32, #tpu.memory_space<vmem>>, %arg4: memref<512x128xf32, #tpu.memory_space<vmem>>, %arg5: memref<512x128xf32, #tpu.memory_space<vmem>>, %arg6: memref<512x1xf32, #tpu.memory_space<vmem>>) attributes {dimension_semantics = [#tpu.dimension_semantics<arbitrary>], iteration_bounds = array<i64: 20>, scalar_prefetch = 0 : i64, scratch_operands = 0 : i64, tpu.core_type = #tpu.core_type<tc>, window_params = [{transform_indices = @transform_0, window_bounds = array<i64: 512, 128>}, {pipeline_mode = #tpu.pipeline_mode<synchronous>, transform_indices = @transform_1, window_bounds = array<i64: 128, 128>}, {transform_indices = @transform_2, window_bounds = array<i64: 512, 128>}, {transform_indices = @transform_3, window_bounds = array<i64: 512, 128>}, {transform_indices = @transform_4, window_bounds = array<i64: 512, 128>}, {transform_indices = @transform_5, window_bounds = array<i64: 512, 1>}]} {
    %get3A = arith.constant 0 : index
    %get3A_0 = arith.constant 0 : index
    %get3A_1 = vector.load %arg3[%get3A, %get3A_0] : memref<512x128xf32, #tpu.memory_space<vmem>>, vector<512x1xf32>
    %get3A_2 = arith.constant 0 : index
    %get3A_3 = arith.constant 0 : index
    %get3A_4 = vector.load %arg4[%get3A_2, %get3A_3] : memref<512x128xf32, #tpu.memory_space<vmem>>, vector<512x1xf32>
    %add3A = arith.addf %get3A_1, %get3A_4 : vector<512x1xf32>
    %add3A_5 = arith.constant 1.000000e+00 : f32
    %add3A_6 = vector.broadcast %add3A_5 : f32 to vector<512x1xf32>
    %add3A_7 = arith.addf %add3A, %add3A_6 : vector<512x1xf32>
    %rsqrt3A = math.rsqrt %add3A_7 : vector<512x1xf32>
    %get3A_8 = arith.constant 0 : index
    %get3A_9 = arith.constant 0 : index
    %get3A_10 = vector.load %arg1[%get3A_8, %get3A_9] : memref<512x128xf32, #tpu.memory_space<vmem>>, vector<512x128xf32>
    %get3A_11 = arith.constant 0 : index
    %get3A_12 = arith.constant 0 : index
    %get3A_13 = vector.load %arg2[%get3A_11, %get3A_12] : memref<128x128xf32, #tpu.memory_space<vmem>>, vector<128x128xf32>
    %dot_general3A = arith.constant dense<0.000000e+00> : vector<512x128xf32>
    %dot_general3A_14 = tpu.matmul %get3A_10, %get3A_13, %dot_general3A {dimension_numbers = #tpu.dot_dimension_numbers<[1], [0], [0], [1], [0, 0, 1, 1], [], []>, transpose_lhs_hint = false} : vector<512x128xf32>, vector<128x128xf32>, vector<512x128xf32> -> vector<512x128xf32>
    %mul3A = vector.broadcast %rsqrt3A : vector<512x1xf32> to vector<512x128xf32>
    %mul3A_15 = arith.mulf %dot_general3A_14, %mul3A : vector<512x128xf32>
    %swap3A = arith.constant 0 : index
    %swap3A_16 = arith.constant 0 : index
    %swap3A_17 = vector.load %arg5[%swap3A, %swap3A_16] : memref<512x128xf32, #tpu.memory_space<vmem>>, vector<512x128xf32>
    tpu.vector_store %arg5[%swap3A, %swap3A_16], %mul3A_15 {strides = array<i32>} : memref<512x128xf32, #tpu.memory_space<vmem>>, vector<512x128xf32>,
    %swap3A_18 = arith.constant 0 : index
    %swap3A_19 = arith.constant 0 : index
    %swap3A_20 = vector.load %arg6[%swap3A_18, %swap3A_19] : memref<512x1xf32, #tpu.memory_space<vmem>>, vector<512x1xf32>
    tpu.vector_store %arg6[%swap3A_18, %swap3A_19], %rsqrt3A {strides = array<i32>} : memref<512x1xf32, #tpu.memory_space<vmem>>, vector<512x1xf32>,
    return
  }
  func.func @transform_0(%arg0: i32) -> (i32, i32) {
    %c0_i32 = arith.constant 0 : i32
    %c0_i32_0 = arith.constant 0 : i32
    return %arg0, %c0_i32 : i32, i32
  }
  func.func @transform_1(%arg0: i32) -> (i32, i32) {
    %c0_i32 = arith.constant 0 : i32
    %c0_i32_0 = arith.constant 0 : i32
    %c0_i32_1 = arith.constant 0 : i32
    return %c0_i32, %c0_i32_0 : i32, i32
  }
  func.func @transform_2(%arg0: i32) -> (i32, i32) {
    %c0_i32 = arith.constant 0 : i32
    %c0_i32_0 = arith.constant 0 : i32
    return %arg0, %c0_i32 : i32, i32
  }
  func.func @transform_3(%arg0: i32) -> (i32, i32) {
    %c0_i32 = arith.constant 0 : i32
    %c0_i32_0 = arith.constant 0 : i32
    return %arg0, %c0_i32 : i32, i32
  }
  func.func @transform_4(%arg0: i32) -> (i32, i32) {
    %c0_i32 = arith.constant 0 : i32
    %c0_i32_0 = arith.constant 0 : i32
    return %arg0, %c0_i32 : i32, i32
  }
  func.func @transform_5(%arg0: i32) -> (i32, i32) {
    %c0_i32 = arith.constant 0 : i32
    %c0_i32_0 = arith.constant 0 : i32
    return %arg0, %c0_i32 : i32, i32
  }
}

module attributes {stable_mosaic.version = 14 : i64} {
  func.func @body(%arg0: i32, %arg1: memref<512x128xf32, #tpu.memory_space<vmem>>, %arg2: memref<512x128xf32, #tpu.memory_space<vmem>>, %arg3: memref<512x128xf32, #tpu.memory_space<vmem>>, %arg4: memref<512x1xf32, #tpu.memory_space<vmem>>, %arg5: memref<1x128xf32, #tpu.memory_space<vmem>>, %arg6: memref<128x128xf32, #tpu.memory_space<vmem>>, %arg7: memref<512x128xf32, #tpu.memory_space<vmem>>) attributes {dimension_semantics = [#tpu.dimension_semantics<arbitrary>], iteration_bounds = array<i64: 20>, scalar_prefetch = 0 : i64, scratch_operands = 0 : i64, tpu.core_type = #tpu.core_type<tc>, window_params = [{transform_indices = @transform_0, window_bounds = array<i64: 512, 128>}, {transform_indices = @transform_1, window_bounds = array<i64: 512, 128>}, {transform_indices = @transform_2, window_bounds = array<i64: 512, 128>}, {transform_indices = @transform_3, window_bounds = array<i64: 512, 1>}, {pipeline_mode = #tpu.pipeline_mode<synchronous>, transform_indices = @transform_4, window_bounds = array<i64: 1, 128>}, {pipeline_mode = #tpu.pipeline_mode<synchronous>, transform_indices = @transform_5, window_bounds = array<i64: 128, 128>}, {transform_indices = @transform_6, window_bounds = array<i64: 512, 128>}]} {
    %get3A = arith.constant 0 : index
    %get3A_0 = arith.constant 0 : index
    %get3A_1 = vector.load %arg4[%get3A, %get3A_0] : memref<512x1xf32, #tpu.memory_space<vmem>>, vector<512x1xf32>
    %get3A_2 = arith.constant 0 : index
    %get3A_3 = arith.constant 0 : index
    %get3A_4 = vector.load %arg1[%get3A_2, %get3A_3] : memref<512x128xf32, #tpu.memory_space<vmem>>, vector<512x128xf32>
    %get3A_5 = arith.constant 0 : index
    %get3A_6 = arith.constant 0 : index
    %get3A_7 = vector.load %arg2[%get3A_5, %get3A_6] : memref<512x128xf32, #tpu.memory_space<vmem>>, vector<512x128xf32>
    %add3A = arith.addf %get3A_4, %get3A_7 : vector<512x128xf32>
    %get3A_8 = arith.constant 0 : index
    %get3A_9 = arith.constant 0 : index
    %get3A_10 = vector.load %arg3[%get3A_8, %get3A_9] : memref<512x128xf32, #tpu.memory_space<vmem>>, vector<512x128xf32>
    %add3A_11 = arith.addf %add3A, %get3A_10 : vector<512x128xf32>
    %mul3A = vector.broadcast %get3A_1 : vector<512x1xf32> to vector<512x128xf32>
    %mul3A_12 = arith.mulf %add3A_11, %mul3A : vector<512x128xf32>
    %get3A_13 = arith.constant 0 : index
    %get3A_14 = arith.constant 0 : index
    %get3A_15 = vector.load %arg5[%get3A_13, %get3A_14] : memref<1x128xf32, #tpu.memory_space<vmem>>, vector<1x128xf32>
    %add3A_16 = vector.broadcast %get3A_15 : vector<1x128xf32> to vector<512x128xf32>
    %add3A_17 = arith.addf %mul3A_12, %add3A_16 : vector<512x128xf32>
    %max3A = arith.constant 0.000000e+00 : f32
    %max3A_18 = vector.broadcast %max3A : f32 to vector<512x128xf32>
    %max3A_19 = arith.maximumf %add3A_17, %max3A_18 : vector<512x128xf32>
    %get3A_20 = arith.constant 0 : index
    %get3A_21 = arith.constant 0 : index
    %get3A_22 = vector.load %arg6[%get3A_20, %get3A_21] : memref<128x128xf32, #tpu.memory_space<vmem>>, vector<128x128xf32>
    %dot_general3A = arith.constant dense<0.000000e+00> : vector<512x128xf32>
    %dot_general3A_23 = tpu.matmul %max3A_19, %get3A_22, %dot_general3A {dimension_numbers = #tpu.dot_dimension_numbers<[1], [0], [0], [1], [0, 0, 1, 1], [], []>, transpose_lhs_hint = false} : vector<512x128xf32>, vector<128x128xf32>, vector<512x128xf32> -> vector<512x128xf32>
    %mul3A_24 = vector.broadcast %get3A_1 : vector<512x1xf32> to vector<512x128xf32>
    %mul3A_25 = arith.mulf %dot_general3A_23, %mul3A_24 : vector<512x128xf32>
    %swap3A = arith.constant 0 : index
    %swap3A_26 = arith.constant 0 : index
    %swap3A_27 = vector.load %arg7[%swap3A, %swap3A_26] : memref<512x128xf32, #tpu.memory_space<vmem>>, vector<512x128xf32>
    tpu.vector_store %arg7[%swap3A, %swap3A_26], %mul3A_25 {strides = array<i32>} : memref<512x128xf32, #tpu.memory_space<vmem>>, vector<512x128xf32>,
    return
  }
  func.func @transform_0(%arg0: i32) -> (i32, i32) {
    %c0_i32 = arith.constant 0 : i32
    %c0_i32_0 = arith.constant 0 : i32
    return %arg0, %c0_i32 : i32, i32
  }
  func.func @transform_1(%arg0: i32) -> (i32, i32) {
    %c0_i32 = arith.constant 0 : i32
    %c0_i32_0 = arith.constant 0 : i32
    return %arg0, %c0_i32 : i32, i32
  }
  func.func @transform_2(%arg0: i32) -> (i32, i32) {
    %c0_i32 = arith.constant 0 : i32
    %c0_i32_0 = arith.constant 0 : i32
    return %arg0, %c0_i32 : i32, i32
  }
  func.func @transform_3(%arg0: i32) -> (i32, i32) {
    %c0_i32 = arith.constant 0 : i32
    %c0_i32_0 = arith.constant 0 : i32
    return %arg0, %c0_i32 : i32, i32
  }
  func.func @transform_4(%arg0: i32) -> (i32, i32) {
    %c0_i32 = arith.constant 0 : i32
    %c0_i32_0 = arith.constant 0 : i32
    %c0_i32_1 = arith.constant 0 : i32
    return %c0_i32, %c0_i32_0 : i32, i32
  }
  func.func @transform_5(%arg0: i32) -> (i32, i32) {
    %c0_i32 = arith.constant 0 : i32
    %c0_i32_0 = arith.constant 0 : i32
    %c0_i32_1 = arith.constant 0 : i32
    return %c0_i32, %c0_i32_0 : i32, i32
  }
  func.func @transform_6(%arg0: i32) -> (i32, i32) {
    %c0_i32 = arith.constant 0 : i32
    %c0_i32_0 = arith.constant 0 : i32
    return %arg0, %c0_i32 : i32, i32
  }
}

module attributes {stable_mosaic.version = 14 : i64} {
  func.func @body(%arg0: i32, %arg1: memref<512x128xf32, #tpu.memory_space<vmem>>, %arg2: memref<512x128xf32, #tpu.memory_space<vmem>>, %arg3: memref<512x128xf32, #tpu.memory_space<vmem>>, %arg4: memref<512x1xf32, #tpu.memory_space<vmem>>, %arg5: memref<1x128xf32, #tpu.memory_space<vmem>>, %arg6: memref<128x40xf32, #tpu.memory_space<vmem>>, %arg7: memref<1x40xf32, #tpu.memory_space<vmem>>, %arg8: memref<512x40xf32, #tpu.memory_space<vmem>>) attributes {dimension_semantics = [#tpu.dimension_semantics<arbitrary>], iteration_bounds = array<i64: 20>, scalar_prefetch = 0 : i64, scratch_operands = 0 : i64, tpu.core_type = #tpu.core_type<tc>, window_params = [{transform_indices = @transform_0, window_bounds = array<i64: 512, 128>}, {transform_indices = @transform_1, window_bounds = array<i64: 512, 128>}, {transform_indices = @transform_2, window_bounds = array<i64: 512, 128>}, {transform_indices = @transform_3, window_bounds = array<i64: 512, 1>}, {pipeline_mode = #tpu.pipeline_mode<synchronous>, transform_indices = @transform_4, window_bounds = array<i64: 1, 128>}, {pipeline_mode = #tpu.pipeline_mode<synchronous>, transform_indices = @transform_5, window_bounds = array<i64: 128, 40>}, {pipeline_mode = #tpu.pipeline_mode<synchronous>, transform_indices = @transform_6, window_bounds = array<i64: 1, 40>}, {transform_indices = @transform_7, window_bounds = array<i64: 512, 40>}]} {
    %get3A = arith.constant 0 : index
    %get3A_0 = arith.constant 0 : index
    %get3A_1 = vector.load %arg4[%get3A, %get3A_0] : memref<512x1xf32, #tpu.memory_space<vmem>>, vector<512x1xf32>
    %get3A_2 = arith.constant 0 : index
    %get3A_3 = arith.constant 0 : index
    %get3A_4 = vector.load %arg1[%get3A_2, %get3A_3] : memref<512x128xf32, #tpu.memory_space<vmem>>, vector<512x128xf32>
    %get3A_5 = arith.constant 0 : index
    %get3A_6 = arith.constant 0 : index
    %get3A_7 = vector.load %arg2[%get3A_5, %get3A_6] : memref<512x128xf32, #tpu.memory_space<vmem>>, vector<512x128xf32>
    %add3A = arith.addf %get3A_4, %get3A_7 : vector<512x128xf32>
    %get3A_8 = arith.constant 0 : index
    %get3A_9 = arith.constant 0 : index
    %get3A_10 = vector.load %arg3[%get3A_8, %get3A_9] : memref<512x128xf32, #tpu.memory_space<vmem>>, vector<512x128xf32>
    %add3A_11 = arith.addf %add3A, %get3A_10 : vector<512x128xf32>
    %mul3A = vector.broadcast %get3A_1 : vector<512x1xf32> to vector<512x128xf32>
    %mul3A_12 = arith.mulf %add3A_11, %mul3A : vector<512x128xf32>
    %get3A_13 = arith.constant 0 : index
    %get3A_14 = arith.constant 0 : index
    %get3A_15 = vector.load %arg5[%get3A_13, %get3A_14] : memref<1x128xf32, #tpu.memory_space<vmem>>, vector<1x128xf32>
    %add3A_16 = vector.broadcast %get3A_15 : vector<1x128xf32> to vector<512x128xf32>
    %add3A_17 = arith.addf %mul3A_12, %add3A_16 : vector<512x128xf32>
    %max3A = arith.constant 0.000000e+00 : f32
    %max3A_18 = vector.broadcast %max3A : f32 to vector<512x128xf32>
    %max3A_19 = arith.maximumf %add3A_17, %max3A_18 : vector<512x128xf32>
    %get3A_20 = arith.constant 0 : index
    %get3A_21 = arith.constant 0 : index
    %get3A_22 = vector.load %arg6[%get3A_20, %get3A_21] : memref<128x40xf32, #tpu.memory_space<vmem>>, vector<128x40xf32>
    %dot_general3A = arith.constant dense<0.000000e+00> : vector<512x40xf32>
    %dot_general3A_23 = tpu.matmul %max3A_19, %get3A_22, %dot_general3A {dimension_numbers = #tpu.dot_dimension_numbers<[1], [0], [0], [1], [0, 0, 1, 1], [], []>, transpose_lhs_hint = false} : vector<512x128xf32>, vector<128x40xf32>, vector<512x40xf32> -> vector<512x40xf32>
    %get3A_24 = arith.constant 0 : index
    %get3A_25 = arith.constant 0 : index
    %get3A_26 = vector.load %arg7[%get3A_24, %get3A_25] : memref<1x40xf32, #tpu.memory_space<vmem>>, vector<1x40xf32>
    %add3A_27 = vector.broadcast %get3A_26 : vector<1x40xf32> to vector<512x40xf32>
    %add3A_28 = arith.addf %dot_general3A_23, %add3A_27 : vector<512x40xf32>
    %swap3A = arith.constant 0 : index
    %swap3A_29 = arith.constant 0 : index
    %swap3A_30 = vector.load %arg8[%swap3A, %swap3A_29] : memref<512x40xf32, #tpu.memory_space<vmem>>, vector<512x40xf32>
    tpu.vector_store %arg8[%swap3A, %swap3A_29], %add3A_28 {strides = array<i32>} : memref<512x40xf32, #tpu.memory_space<vmem>>, vector<512x40xf32>,
    return
  }
  func.func @transform_0(%arg0: i32) -> (i32, i32) {
    %c0_i32 = arith.constant 0 : i32
    %c0_i32_0 = arith.constant 0 : i32
    return %arg0, %c0_i32 : i32, i32
  }
  func.func @transform_1(%arg0: i32) -> (i32, i32) {
    %c0_i32 = arith.constant 0 : i32
    %c0_i32_0 = arith.constant 0 : i32
    return %arg0, %c0_i32 : i32, i32
  }
  func.func @transform_2(%arg0: i32) -> (i32, i32) {
    %c0_i32 = arith.constant 0 : i32
    %c0_i32_0 = arith.constant 0 : i32
    return %arg0, %c0_i32 : i32, i32
  }
  func.func @transform_3(%arg0: i32) -> (i32, i32) {
    %c0_i32 = arith.constant 0 : i32
    %c0_i32_0 = arith.constant 0 : i32
    return %arg0, %c0_i32 : i32, i32
  }
  func.func @transform_4(%arg0: i32) -> (i32, i32) {
    %c0_i32 = arith.constant 0 : i32
    %c0_i32_0 = arith.constant 0 : i32
    %c0_i32_1 = arith.constant 0 : i32
    return %c0_i32, %c0_i32_0 : i32, i32
  }
  func.func @transform_5(%arg0: i32) -> (i32, i32) {
    %c0_i32 = arith.constant 0 : i32
    %c0_i32_0 = arith.constant 0 : i32
    %c0_i32_1 = arith.constant 0 : i32
    return %c0_i32, %c0_i32_0 : i32, i32
  }
  func.func @transform_6(%arg0: i32) -> (i32, i32) {
    %c0_i32 = arith.constant 0 : i32
    %c0_i32_0 = arith.constant 0 : i32
    %c0_i32_1 = arith.constant 0 : i32
    return %c0_i32, %c0_i32_0 : i32, i32
  }
  func.func @transform_7(%arg0: i32) -> (i32, i32) {
    %c0_i32 = arith.constant 0 : i32
    %c0_i32_0 = arith.constant 0 : i32
    return %arg0, %c0_i32 : i32, i32
  }
}

</mosaic_0001>

<sc_bundles>
// kernel: kernel.11.cloned.1.call-start
scs
__scs_entry_jumppad:
0x0: {  	(pc) =	sbr.rel $0x88, $3  }
0x1: {  	(tag) =	ssettag $0x0;
	lr =	simm.s32 $0x1  }
0x2: {  	[smem:$0x3F99] =	sst lr;
	_ =	strace $0xD0000000  }
0x3: {  	_ = 	snop  }
0x4: {  	_ = 	snop  }
0x5: {  	_ = 	snop  }
0x6: {  	_ = 	snop  }
0x7: {  	_ = 	snop  }
__scs_overlays_trampoline_lowered:
0x8: {  	[smem:$0x3FA8] =	sst s0  }
0x9: {  	[smem:$0x3FA9] =	sst s1  }
0xa: {  	[smem:$0x3FAA] =	sst s2  }
0xb: {  	[smem:$0x3FAB] =	sst s3  }
0xc: {  	[smem:$0x3FAC] =	sst s4  }
0xd: {  	[smem:$0x3FAD] =	sst s5  }
0xe: {  	[smem:$0x3FAE] =	sst s6  }
0xf: {  	[smem:$0x3FAF] =	sst s7  }
0x10: {  	[smem:$0x3FB0] =	sst s8  }
0x11: {  	[smem:$0x3FB1] =	sst s9;
	s0 =	simm.s32 @!p0 $0x0  }
0x12: {  	s1 =	sld [smem:$0x3F97];
	s0 =	simm.s32 @p0 $0x1  }
0x13: {  	[smem:$0x3FB2] =	sst s0;
	s0 =	simm.s32 @!p1 $0x0  }
0x14: {  	s2 =	sld [smem:$0x3F96];
	s0 =	simm.s32 @p1 $0x1  }
0x15: {  	[smem:$0x3FB3] =	sst s0;
	s0 =	simm.s32 @!p2 $0x0  }
0x16: {  	s3 =	sld [smem:$0x3FDB];
	s0 =	simm.s32 @p2 $0x1  }
0x17: {  	s4 =	simm.s32 $0x1BF5;
	[smem:$0x3FB5] =	sst s0  }
0x18: {  	s0 =	sld [smem:$0x3F98];
	_ =	swait.ge [sflag:s4], $0x0  }
0x19: {  	s7 =	sld [smem:$0x3F99]  }
0x1a: {  	s8 =	sadd.s32 $0xFFFFE003, lr  }
0x1b: {  	s9 =	sadd.s32 $0xFFFFFEF7, lr;
	s5 =	simm.s32 $0xFFFFFFFF;
	p2 =	slt.u32 s8, $0xFFFFF086  }
0x1c: {  	p1 =	slt.u32 s9, $0xF7A;
	s5 =	simm.s32 @!p2 $0x0  }
0x1d: {  	s5 =	simm.s32 @p1 $0x1;
	p0 =	seq.s32 s7, s2  }
0x1e: {  	s7 =	smul.u32 @!p0 $0xF7A, s2;
	p2 =	seq.s32 @!p0 s5, $0x0  }
0x1f: {  	s9 =	smul.u32 $0xF7A, s1;
	s8 =	simm.s32 @!p0 $0x1BF5;
	p2 =	por !p2, p0  }
0x20: {  	[sflag:s8] =	ssyncset.s32 @!p0 $0xFFFFF086;
	s6 =	sadd.s32 @!p0 s3, s7;
	s7 =	simm.s32 @!p0 $0x108  }
0x21: {  	s3 =	sadd.s32 s3, s9;
	s6 =	sadd.s32 @!p0 $0x88, s6;
	s7 =	simm.s32 @p2 $0x1082  }
0x22: {  	[simem:s7], [sflag:s8] =	dma.local @!p0 [hbm:s6], $0xF7A  }
0x23: {  	s9 =	sor.u32 $0xD0000000, s2;
	s6 =	simm.s32 $0x108;
	_ =	swait.ge @!p0 [sflag:s8], $0x0  }
0x24: {  	s3 =	sadd.s32 $0x88, s3;
	s6 =	simm.s32 @!p1 $0x1082;
	[sflag:s4] =	ssyncset.s32 $0xFFFFF086  }
0x25: {  	[simem:s6], [sflag:s4] =	dma.local [hbm:s3], $0xF7A  }
0x26: {  	[smem:$0x3F99] =	sst s1;
	(tag) =	ssettag s2;
	_ =	strace s9  }
0x27: {  	s1 =	sld [smem:$0x3FA9]  }
0x28: {  	s2 =	sld [smem:$0x3FAA]  }
0x29: {  	s4 =	sld [smem:$0x3FAC]  }
0x2a: {  	p0 =	seq.s32 s5, $0x0;
	s5 =	sld [smem:$0x3FAD]  }
0x2b: {  	s6 =	sld [smem:$0x3FAE]  }
0x2c: {  	s7 =	sld [smem:$0x3FAF]  }
0x2d: {  	s3 =	simm.s32 $0x108;
	s8 =	sld [smem:$0x3FB0]  }
0x2e: {  	s3 =	simm.s32 @!p0 $0x1082;
	s9 =	sld [smem:$0x3FB1]  }
0x2f: {  	lr =	sadd.s32 s0, s3;
	s0 =	sld [smem:$0x3FA8]  }
0x30: {  	s3 =	sld [smem:$0x3FAB]  }
0x31: {  	[smem:$0x3FB4] =	sst s10  }
0x32: {  	s10 =	sld [smem:$0x3FB2];
	_ =	sdelay $0x3  }
0x33: {  	p0 =	seq.s32 s10, $0x1;
	s10 =	sld [smem:$0x3FB4];
	_ =	sdelay $0x3  }
0x34: {  	[smem:$0x3FB4] =	sst s10  }
0x35: {  	s10 =	sld [smem:$0x3FB3];
	_ =	sdelay $0x3  }
0x36: {  	p1 =	seq.s32 s10, $0x1;
	s10 =	sld [smem:$0x3FB4];
	_ =	sdelay $0x3  }
0x37: {  	[smem:$0x3FB4] =	sst s10  }
0x38: {  	s10 =	sld [smem:$0x3FB5]  }
0x39: {  	_ = 	snop;
	(pc) =	sbr.ind lr, $3  }
0x3a: {  	_ = 	snop  }
0x3b: {  	_ = 	snop  }
0x3c: {  	p2 =	seq.s32 s10, $0x1;
	s10 =	sld [smem:$0x3FB4]  }
0x3d: {  	_ =	shalt  }
0x3e: {  	_ =	shalt  }
0x3f: {  	_ =	shalt  }
0x40: {  	_ =	shalt  }
0x41: {  	_ =	shalt  }
0x42: {  	_ =	shalt  }
0x43: {  	_ =	shalt  }
0x44: {  	_ =	shalt  }
0x45: {  	_ =	shalt  }
0x46: {  	_ =	shalt  }
0x47: {  	_ =	shalt  }
0x48: {  	_ =	shalt  }
0x49: {  	_ =	shalt  }
0x4a: {  	_ =	shalt  }
0x4b: {  	_ =	shalt  }
0x4c: {  	_ =	shalt  }
0x4d: {  	_ =	shalt  }
0x4e: {  	_ =	shalt  }
0x4f: {  	_ =	shalt  }
0x50: {  	_ =	shalt  }
0x51: {  	_ =	shalt  }
0x52: {  	_ =	shalt  }
0x53: {  	_ =	shalt  }
0x54: {  	_ =	shalt  }
0x55: {  	_ =	shalt  }
0x56: {  	_ =	shalt  }
0x57: {  	_ =	shalt  }
0x58: {  	_ =	shalt  }
0x59: {  	_ =	shalt  }
0x5a: {  	_ =	shalt  }
0x5b: {  	_ =	shalt  }
0x5c: {  	_ =	shalt  }
0x5d: {  	_ =	shalt  }
0x5e: {  	_ =	shalt  }
0x5f: {  	_ =	shalt  }
0x60: {  	_ =	shalt  }
0x61: {  	_ =	shalt  }
0x62: {  	_ =	shalt  }
0x63: {  	_ =	shalt  }
0x64: {  	_ =	shalt  }
0x65: {  	_ =	shalt  }
0x66: {  	_ =	shalt  }
0x67: {  	_ =	shalt  }
0x68: {  	_ =	shalt  }
0x69: {  	_ =	shalt  }
0x6a: {  	_ =	shalt  }
0x6b: {  	_ =	shalt  }
0x6c: {  	_ =	shalt  }
0x6d: {  	_ =	shalt  }
0x6e: {  	_ =	shalt  }
0x6f: {  	_ =	shalt  }
0x70: {  	_ =	shalt  }
0x71: {  	_ =	shalt  }
0x72: {  	_ =	shalt  }
0x73: {  	_ =	shalt  }
0x74: {  	_ =	shalt  }
0x75: {  	_ =	shalt  }
0x76: {  	_ =	shalt  }
0x77: {  	_ =	shalt  }
0x78: {  	_ =	shalt  }
0x79: {  	_ =	shalt  }
0x7a: {  	_ =	shalt  }
0x7b: {  	_ =	shalt  }
0x7c: {  	_ =	shalt  }
0x7d: {  	_ =	shalt  }
0x7e: {  	_ =	shalt  }
0x7f: {  	_ =	shalt  }
0x80: {  	_ =	shalt  }
0x81: {  	_ =	shalt  }
0x82: {  	_ =	shalt  }
0x83: {  	_ =	shalt  }
0x84: {  	_ =	shalt  }
0x85: {  	_ =	shalt  }
0x86: {  	_ =	shalt  }
0x87: {  	_ =	shalt  }
.Lfunc_end0:
.L_simem_size_0:
called_computation.1_lowered:
.L_overlay_start_0:
0x88: {  	s2 =	sld [smem:$0x3FD9]  }
0x89: {  	s3 =	sld [smem:$0x3FFE];
	_ =	sdelay $0x1  }
0x8a: {  	s1 =	srdreg.scid  }
0x8b: {  	s0 =	sand.u32 $0x1, s1  }
0x8c: {  	s17 =	sshll.u32 s0, $0xA;
	s2 =	sadd.s32 s3, s2  }
0x8d: {  	s2 =	sadd.s32 s2, s17  }
0x8e: {  	[smem:$0x3FC0] =	sst s2  }
0x8f: {  	_ = 	snop  }
0x90: {  	s2 =	sld [smem:$0x3FD0];
	(tm) =	ssettm $0x1  }
0x91: {  	s18 =	sld [smem:$0x3FFB];
	_ =	sdelay $0x3  }
0x92: {  	_ =	strace s18  }
0x93: {  	s3 =	sld [smem:$0x3FFC];
	_ =	sdelay $0x3  }
0x94: {  	_ =	strace s3  }
0x95: {  	s3 =	sld [smem:$0x3FFD];
	_ =	sdelay $0x3  }
0x96: {  	_ =	strace s3  }
0x97: {  	_ =	strace $0x8FFFFFFF  }
0x98: {  	s19 =	sld [smem:$0x3FDB];
	_ =	sdelay $0x1  }
0x99: {  	s4 =	simm.s32 $_scs_section_size  }
0x9a: {  	s5 =	simm.s32 $_size__tile_overlayer_lowered;
	s6 =	simm.s32 $_tile_overlayer_lowered  }
0x9b: {  	s22 =	simm.s32 $0x1BFF;
	s21 =	sshll.u32 s6, $0x1;
	s3 =	sadd.s32 s4, s19  }
0x9c: {  	s7 =	simm.s32 $0x0;
	s20 =	sshll.u32 s5, $0x1;
	s5 =	sadd.s32 s21, s3  }
0x9d: {  	[timem:s7], [sflag:s22] =	dma.local [hbm:s5], s20  }
0x9e: {  	_ =	swait.ge [sflag:s22], s20  }
0x9f: {  	s4 =	ssub.s32 $0x0, s20;
	[sflag:s22] =	ssyncset.done $0x0  }
0xa0: {  	[sflag:s22] =	ssyncadd.s32 s4;
	_ =	sdelay $0x1  }
0xa1: {  	s23 =	simm.s32 $0x1B8B  }
0xa2: {  	_ =	swait.ge [sflag:s23], $0x1  }
0xa3: {  	[sflag:s23] =	ssyncset.done $0x0  }
0xa4: {  	s25 =	simm.s32 $0x1B8E;
	s24 =	sld [smem:$0x3FFE];
	[sflag:s23] =	ssyncadd.s32 $0xFFFFFFFF  }
0xa5: {  	s26 =	simm.s32 $execute0_lowered;
	[smem:$0x3FD2] =	sst s25  }
0xa6: {  	s5 =	sshll.u32 s26, $0x1;
	_ =	strace $0x80000049;
	[dreg:$0x1] =	wrdreg $0xFFFFFFFF  }
0xa7: {  	s28 =	simm.s32 $_size_execute0_lowered;
	s3 =	sadd.s32 s3, s5;
	[dreg:$0x0] =	wrdreg $0x0  }
0xa8: {  	s5 =	sshll.u32 s28, $0x1;
	[dreg:$0x2] =	wrdreg s3  }
0xa9: {  	[dreg:$0x3] =	wrdreg s5  }
0xaa: {  	[dreg:$0x4] =	wrdreg $0xC0  }
0xab: {  	_ =	task [dreg:s7], $0x5FFFF  }
0xac: {  	[dreg:$0x1] =	wrdreg $0xFFFFFFFF  }
0xad: {  	[dreg:$0x0] =	wrdreg $0x60  }
0xae: {  	[dreg:$0x2] =	wrdreg s2  }
0xaf: {  	[dreg:$0x3] =	wrdreg s24  }
0xb0: {  	[dreg:$0x4] =	wrdreg $0xA0800  }
0xb1: {  	[dreg:$0x5] =	wrdreg $0x9  }
0xb2: {  	_ =	task.clear_ibuf [dreg:s7], $0x6FFFF;
	_ =	strace $0x90000049  }
0xb3: {  	s29 =	simm.s32 $0x9;
	_ =	strace $0x8000004B  }
0xb4: {  	_ =	swait.ge [sflag:s29], $0x1  }
0xb5: {  	[sflag:s29] =	ssyncadd.s32 $0xFFFFFFFF  }
0xb6: {  	_ =	strace $0x9000004B  }
0xb7: {  	_ =	sfence  }
0xb8: {  	s30 =	sld [smem:$0x0];
	_ =	sdelay $0x2  }
0xb9: {  	s31 =	sshll.u32 s1, $0xD;
	s1 =	sshrl.u32 s1, $0x2  }
0xba: {  	s3 =	sand.u32 $0x4000, s31;
	s1 =	sadd.s32 s1, s30  }
0xbb: {  	s0 =	sor.u32 s3, s0;
	s1 =	sshll.u32 s1, $0x11  }
0xbc: {  	s0 =	sor.u32 s1, s0  }
0xbd: {  	s0 =	sadd.s32 $0x8F2B, s0  }
0xbe: {  	[sflag:s0] =	ssyncadd.remote.s32 $0x1  }
0xbf: {  	_ =	sfence.sel $0xFFFF  }
0xc0: {  	[dreg:$0x0] =	wrdreg $0xFFFFFFFF;
	(pc) =	sbr.abs _section_cstart, $3  }
0xc1: {  	[dreg:$0x1] =	wrdreg $0xFFFFFFFF  }
0xc2: {  	_ =	task.clear_ibuf [dreg:s7], $0x2FFFF;
	_ =	strace $0x9FFFFFFF  }
0xc3: {  	(tm) =	ssettm $0x7FFFFFFF  }
tec
execute0_lowered:
.L_overlay_start_1:
0x0: {  	(tag) =	ssettag $0x1  }
0x1: {  	s0 =	rddreg [dreg:$0x0]  }
0x2: {  	s1 =	rddreg [dreg:$0x1];
	s15 =	stileid.u32  }
0x3: {  	s3 =	srdreg.scid;
	s6 =	smul.u32 $0x14000, s15  }
0x4: {  	s2 =	rddreg [dreg:$0x2];
	s17 =	simm.s32 $0x0;
	s11 =	smul.u32 $0xFC0, s15  }
0x5: {  	s28 =	simm.s32 $0x4;
	s29 =	simm.s32 $0x1;
	s12 =	smul.u32 $0x50000, s15  }
0x6: {  	s30 =	simm.s32 $0x5;
	s31 =	simm.s32 $0x2;
	s13 =	smul.u32 $0x3F00, s15  }
0x7: {  	s7 =	sand.u32 $0x1, s3;
	[smem:$0x7FF] =	sst s17;
	s24 =	smul.u32 $0x7E00, s15  }
0x8: {  	s4 =	sadd.s32 $0x85800, s1;
	s14 =	sshll.u32 s15, $0x6;
	s5 =	smul.u32 $0x140000, s7  }
0x9: {  	_ =	strace $0x8000004A;
	s18 =	ssub.s32 $0x2, s7;
	s10 =	sshll.u32 s7, $0x4  }
0xa: {  	p0 =	seq.s32 s7, $0x0;
	s14 =	sor.u32 $0x1C07, s14;
	s7 =	smul.u32 $0x7E000, s7  }
0xb: {  	s19 =	sshrl.u32 s18, $0x1;
	s10 =	sor.u32 s15, s10;
	s11 =	sadd.s32 $0x3F000, s11  }
0xc: {  	s12 =	sshrl.u32 s12, $0x2;
	[dreg:$0x5] =	wrdreg s14;
	s8 =	sadd.s32 s6, s5  }
0xd: {  	s5 =	sadd.s32 $0x35000, s1;
	s6 =	sshrl.u32 s6, $0x3;
	s11 =	smov.u32 @p0 s13  }
0xe: {  	s12 =	sadd.s32 s12, s2;
	s10 =	smul.u32 $0x7E00, s10;
	s8 =	sshrl.u32 s8, $0x3  }
0xf: {  	s9 =	sadd.s32 s6, s1;
	s6 =	simm.s32 $0xFC;
	s11 =	sshrl.u32 s11, $0x3  }
0x10: {  	s1 =	sadd.s32 s8, s1;
	s8 =	ssub.s32 s18, s19;
	s6 =	simm.s32 @!p0 $0x3F  }
0x11: {  	s21 =	sadd.s32 $0xD000, s9;
	s10 =	sshrl.u32 s10, $0x3;
	s0 =	sadd.s32 s0, s11  }
0x12: {  	s18 =	simm.s32 $0x7;
	s19 =	simm.s32 $0x3F00;
	[dreg:$0x4] =	wrdreg s21  }
0x13: {  	s20 =	sadd.s32 $0x2, s6;
	[dreg:$0x6] =	wrdreg s0;
	s23 =	sadd.s32 s4, s10  }
0x14: {  	s1 =	sadd.s32 $0xA5000, s1;
	s26 =	smax.u32 s8, $0x1;
	s0 =	sadd.s32 s24, s7  }
0x15: {  	s7 =	sshrl.u32 s12, $0x3;
	s21 =	simm.s32 $0x4080;
	[dreg:$0x7] =	wrdreg s23  }
0x16: {  	s24 =	simm.s32 $0x4000;
	s8 =	simm.s32 $0x0;
	[dreg:$0xb] =	wrdreg s1  }
0x17: {  	s13 =	sand.u32 $0xFF, s20;
	s10 =	sadd.s32 $0x10, s23;
	[dreg:$0xc] =	wrdreg s26  }
0x18: {  	s3 =	sadd.s32 $0x20, s23;
	s0 =	sadd.s32 $0x280, s0;
	[dreg:$0xe] =	wrdreg s7  }
0x19: {  	s20 =	simm.s32 $0x40;
	s22 =	smul.u32 $0xAB, s13;
	[dreg:$0x8] =	wrdreg s10  }
0x1a: {  	s23 =	simm.s32 $0x6080;
	s26 =	simm.s32 $0x8080;
	[dreg:$0x9] =	wrdreg s3  }
0x1b: {  	s1 =	simm.s32 $0x6;
	[dreg:$0xd] =	wrdreg s0;
	s25 =	sshrl.u32 s22, $0x9  }
0x1c: {  	s0 =	simm.s32 $0x3;
	s22 =	simm.s32 $0x3F80;
	[dreg:$0xa] =	wrdreg s25  }
.LBB2_1:
0x1d: {  	[dreg:$0xf] =	wrdreg s8  }
0x1e: {  	s3 =	rddreg [dreg:$0x4]  }
0x1f: {  	[spmem:s7], [sflag:s14] =	dma.local [hbm:s3], $0x2800  }
0x20: {  	_ =	swait.ge [sflag:s18], $0x2800  }
0x21: {  	[sflag:s18] =	ssyncset.done $0x0  }
0x22: {  	s12 =	simm.s32 $0x0;
	s13 =	rddreg [dreg:$0x6];
	[sflag:s18] =	ssyncadd.s32 $0xFFFFD800  }
0x23: {  	[tilespmem:s12], [sflag:$0x7] =	stream.linear.gather [hbm4b:s13+s12], $0x3F00, $0x38;
	[tilespmem:$0x1E080] =	vst v63  }
0x24: {  	_ =	swait.ge [sflag:s18], $0x3F00  }
0x25: {  	[sflag:s18] =	ssyncset.done $0x0  }
0x26: {  	s14 =	rddreg [dreg:$0x7];
	[sflag:s18] =	ssyncadd.s32 $0xFFFFC100  }
0x27: {  	[tilespmem:s19], [sflag:$0x1] =	stream.linear.gather [hbm4b:s14+s12], $0x80, $0x38;
	[tilespmem:$0x1E080] =	vst v63  }
0x28: {  	_ = 	snop  }
0x29: {  	[tilespmem:s21], [sflag:$0x4] =	stream.indirect.gather [hbm4b:s5+s20], $0x80, s12, s20, $0xb8;
	[tilespmem:$0x1E080] =	vst v63  }
0x2a: {  	s15 =	rddreg [dreg:$0x8]  }
0x2b: {  	[tilespmem:s22], [sflag:$0x2] =	stream.linear.gather [hbm4b:s15+s12], $0x80, $0x38;
	[tilespmem:$0x1E080] =	vst v63  }
0x2c: {  	_ = 	snop  }
0x2d: {  	[tilespmem:s23], [sflag:$0x5] =	stream.indirect.gather [hbm4b:s5+s20], $0x80, s20, s20, $0xb8;
	[tilespmem:$0x1E080] =	vst v63  }
0x2e: {  	s16 =	rddreg [dreg:$0x9]  }
0x2f: {  	[tilespmem:s24], [sflag:$0x3] =	stream.linear.gather [hbm4b:s16+s12], $0x80, $0x38;
	[tilespmem:$0x1E080] =	vst v63  }
0x30: {  	s17 =	simm.s32 $0x80  }
0x31: {  	[tilespmem:s26], [sflag:$0x6] =	stream.indirect.gather [hbm4b:s5+s20], $0x80, s17, s20, $0xb8;
	[tilespmem:$0x1E080] =	vst v63  }
0x32: {  	[bflag:$0x0] =	sbarrier.arrive $0xFFFF  }
0x33: {  	_ =	swait.ge [sflag:s28], $0x2000  }
0x34: {  	[sflag:s28] =	ssyncset.done $0x0  }
0x35: {  	[sflag:s28] =	ssyncadd.s32 $0xFFFFE000  }
0x36: {  	_ =	swait.ge [sflag:s29], $0x80  }
0x37: {  	[sflag:s29] =	ssyncset.done $0x0  }
0x38: {  	[sflag:s29] =	ssyncadd.s32 $0xFFFFFF80  }
0x39: {  	[spmem:s2] =	stream.indirect.scatter.add.f32 [tilespmem:s21], [sflag:$0x7], $0x80, s19, s20, $0xb8;
	[tilespmem:$0x1E080] =	vst v63  }
0x3a: {  	_ =	swait.ge [sflag:s18], $0x2000  }
0x3b: {  	p0 =	sle.u32 s6, $0x3;
	s10 =	rddreg [dreg:$0xd]  }
0x3c: {  	s7 =	sadd.s32 @!p0 $0xFFFFFF00, s10  }
0x3d: {  	s8 =	simm.s32 @!p0 $0x0;
	[sflag:s18] =	ssyncset.done $0x0;
	s7 =	sshrl.u32 @!p0 s7, $0x3  }
0x3e: {  	s9 =	simm.s32 @!p0 $0x3F00;
	[sflag:s18] =	ssyncadd.s32 $0xFFFFE000;
	s7 =	sadd.s32 @!p0 s4, s7  }
0x3f: {  	[tilespmem:s9], [sflag:$0x1] =	stream.linear.gather @!p0 [hbm4b:s7+s8], $0x80, $0x38;
	[tilespmem:$0x1E080] =	vst v63  }
0x40: {  	s7 =	simm.s32 @!p0 $0xC0;
	s8 =	simm.s32 @!p0 $0x40;
	s9 =	simm.s32 @!p0 $0x4080  }
0x41: {  	[tilespmem:s9], [sflag:$0x4] =	stream.indirect.gather @!p0 [hbm4b:s5+s8], $0x80, s7, s8, $0xb8;
	[tilespmem:$0x1E080] =	vst v63  }
0x42: {  	_ =	swait.ge [sflag:s30], $0x2000  }
0x43: {  	[sflag:s30] =	ssyncset.done $0x0  }
0x44: {  	[sflag:s30] =	ssyncadd.s32 $0xFFFFE000  }
0x45: {  	_ =	swait.ge [sflag:s31], $0x80  }
0x46: {  	[sflag:s31] =	ssyncset.done $0x0  }
0x47: {  	p0 =	sle.u32 s6, $0x4;
	[sflag:s31] =	ssyncadd.s32 $0xFFFFFF80  }
0x48: {  	[spmem:s2] =	stream.indirect.scatter.add.f32 [tilespmem:s23], [sflag:$0x7], $0x80, s22, s20, $0xb8;
	[tilespmem:$0x1E080] =	vst v63  }
0x49: {  	s7 =	sadd.s32 @!p0 $0xFFFFFF80, s10;
	_ =	swait.ge [sflag:s18], $0x2000  }
0x4a: {  	s8 =	simm.s32 @!p0 $0x3F80;
	s7 =	sshrl.u32 @!p0 s7, $0x3;
	[sflag:s18] =	ssyncset.done $0x0  }
0x4b: {  	s9 =	simm.s32 @!p0 $0x0;
	s7 =	sadd.s32 @!p0 s4, s7;
	[sflag:s18] =	ssyncadd.s32 $0xFFFFE000  }
0x4c: {  	[tilespmem:s8], [sflag:$0x2] =	stream.linear.gather @!p0 [hbm4b:s7+s9], $0x80, $0x38;
	[tilespmem:$0x1E080] =	vst v63  }
0x4d: {  	s7 =	simm.s32 @!p0 $0x40;
	s8 =	simm.s32 @!p0 $0x100;
	s9 =	simm.s32 @!p0 $0x6080  }
0x4e: {  	[tilespmem:s9], [sflag:$0x5] =	stream.indirect.gather @!p0 [hbm4b:s5+s7], $0x80, s8, s7, $0xb8;
	[tilespmem:$0x1E080] =	vst v63  }
0x4f: {  	_ =	swait.ge [sflag:s1], $0x2000  }
0x50: {  	s11 =	simm.s32 $0x200;
	[sflag:s1] =	ssyncset.done $0x0  }
0x51: {  	p1 =	sle.u32 s6, $0x5;
	s25 =	rddreg [dreg:$0xa];
	[sflag:s1] =	ssyncadd.s32 $0xFFFFE000  }
0x52: {  	s14 =	simm.s32 @!p1 $0x4000;
	s7 =	sadd.s32 $0xFFFFFFFF, s25;
	_ =	swait.ge [sflag:s0], $0x80  }
0x53: {  	s12 =	simm.s32 $0x8;
	p0 =	sne.s32 s7, $0x0;
	[sflag:s0] =	ssyncset.done $0x0  }
.Ltmp0:
0x54: {  	s17 =	simm.s32 @!p1 $0x8080;
	[sflag:s0] =	ssyncadd.s32 $0xFFFFFF80;
	(pc) =	sbr.rel @!p0 .LBB2_3-.Ltmp0, $4  }
0x55: {  	[spmem:s2] =	stream.indirect.scatter.add.f32 [tilespmem:s26], [sflag:$0x7], $0x80, s24, s20, $0xb8;
	[tilespmem:$0x1E080] =	vst v63  }
0x56: {  	s13 =	sadd.s32 $0x180, s10;
	s9 =	simm.s32 $0x140;
	_ =	swait.ge [sflag:s18], $0x2000  }
0x57: {  	s8 =	sshrl.u32 @!p1 s10, $0x3;
	s10 =	simm.s32 @!p1 $0x40;
	[sflag:s18] =	ssyncset.done $0x0  }
0x58: {  	s15 =	sadd.s32 @!p1 s4, s8;
	s8 =	simm.s32 @!p1 $0x0;
	[sflag:s18] =	ssyncadd.s32 $0xFFFFE000  }
.LBB2_2:
0x59: {  	[tilespmem:s14], [sflag:$0x3] =	stream.linear.gather @!p1 [hbm4b:s15+s8], $0x80, $0x38;
	[tilespmem:$0x1E080] =	vst v63  }
0x5a: {  	s7 =	sadd.s32 $0xFFFFFFFF, s7;
	s15 =	smov.u32 s12;
	s14 =	smov.u32 s13  }
0x5b: {  	[tilespmem:s17], [sflag:$0x6] =	stream.indirect.gather @!p1 [hbm4b:s5+s10], $0x80, s9, s10, $0xb8;
	[tilespmem:$0x1E080] =	vst v63  }
0x5c: {  	p0 =	sne.s32 s7, $0x0;
	s9 =	smov.u32 s11;
	_ =	swait.ge [sflag:s28], $0x2000  }
0x5d: {  	[sflag:s28] =	ssyncset.done $0x0  }
0x5e: {  	[sflag:s28] =	ssyncadd.s32 $0xFFFFE000  }
0x5f: {  	_ =	swait.ge [sflag:s29], $0x80  }
0x60: {  	s8 =	sadd.s32 $0xFFFFFFFE, s12;
	[sflag:s29] =	ssyncset.done $0x0  }
0x61: {  	p1 =	sge.u32 s8, s6;
	[sflag:s29] =	ssyncadd.s32 $0xFFFFFF80  }
0x62: {  	[spmem:s2] =	stream.indirect.scatter.add.f32 [tilespmem:s21], [sflag:$0x7], $0x80, s19, s20, $0xb8;
	[tilespmem:$0x1E080] =	vst v63  }
0x63: {  	s8 =	sadd.s32 @!p1 $0xFFFFFF00, s13;
	s10 =	simm.s32 @!p1 $0x0;
	_ =	swait.ge [sflag:s18], $0x2000  }
0x64: {  	s17 =	simm.s32 @!p1 $0x3F00;
	s8 =	sshrl.u32 @!p1 s8, $0x3;
	[sflag:s18] =	ssyncset.done $0x0  }
0x65: {  	s3 =	sadd.s32 @!p1 $0xFFFFFF80, s11;
	s8 =	sadd.s32 @!p1 s4, s8;
	[sflag:s18] =	ssyncadd.s32 $0xFFFFE000  }
0x66: {  	[tilespmem:s17], [sflag:$0x1] =	stream.linear.gather @!p1 [hbm4b:s8+s10], $0x80, $0x38;
	[tilespmem:$0x1E080] =	vst v63  }
0x67: {  	s8 =	simm.s32 @!p1 $0x40;
	s10 =	simm.s32 @!p1 $0x4080  }
0x68: {  	[tilespmem:s10], [sflag:$0x4] =	stream.indirect.gather @!p1 [hbm4b:s5+s8], $0x80, s3, s8, $0xb8;
	[tilespmem:$0x1E080] =	vst v63  }
0x69: {  	_ =	swait.ge [sflag:s30], $0x2000  }
0x6a: {  	[sflag:s30] =	ssyncset.done $0x0  }
0x6b: {  	[sflag:s30] =	ssyncadd.s32 $0xFFFFE000  }
0x6c: {  	_ =	swait.ge [sflag:s31], $0x80  }
0x6d: {  	s3 =	sadd.s32 $0xFFFFFFFF, s12;
	[sflag:s31] =	ssyncset.done $0x0  }
0x6e: {  	p1 =	sge.u32 s3, s6;
	[sflag:s31] =	ssyncadd.s32 $0xFFFFFF80  }
0x6f: {  	s3 =	sadd.s32 @!p1 $0xFFFFFF80, s13;
	s8 =	simm.s32 @!p1 $0x3F80;
	s10 =	simm.s32 @!p1 $0x40  }
0x70: {  	[spmem:s2] =	stream.indirect.scatter.add.f32 [tilespmem:s23], [sflag:$0x7], $0x80, s22, s20, $0xb8;
	[tilespmem:$0x1E080] =	vst v63  }
0x71: {  	s17 =	simm.s32 @!p1 $0x0;
	s3 =	sshrl.u32 @!p1 s3, $0x3;
	_ =	swait.ge [sflag:s18], $0x2000  }
0x72: {  	s16 =	sadd.s32 @!p1 $0xFFFFFFC0, s11;
	s3 =	sadd.s32 @!p1 s4, s3;
	[sflag:s18] =	ssyncset.done $0x0  }
0x73: {  	s25 =	simm.s32 @!p1 $0x6080;
	[sflag:s18] =	ssyncadd.s32 $0xFFFFE000  }
0x74: {  	[tilespmem:s8], [sflag:$0x2] =	stream.linear.gather @!p1 [hbm4b:s3+s17], $0x80, $0x38;
	[tilespmem:$0x1E080] =	vst v63  }
0x75: {  	_ = 	snop  }
0x76: {  	[tilespmem:s25], [sflag:$0x5] =	stream.indirect.gather @!p1 [hbm4b:s5+s10], $0x80, s16, s10, $0xb8;
	[tilespmem:$0x1E080] =	vst v63  }
0x77: {  	_ =	swait.ge [sflag:s1], $0x2000  }
0x78: {  	[sflag:s1] =	ssyncset.done $0x0  }
0x79: {  	[sflag:s1] =	ssyncadd.s32 $0xFFFFE000  }
0x7a: {  	s12 =	sadd.s32 $0x3, s12;
	_ =	swait.ge [sflag:s0], $0x80  }
0x7b: {  	s11 =	sadd.s32 $0xC0, s11;
	s13 =	sadd.s32 $0x180, s13;
	[sflag:s0] =	ssyncset.done $0x0  }
.Ltmp1:
0x7c: {  	p1 =	sge.u32 s15, s6;
	[sflag:s0] =	ssyncadd.s32 $0xFFFFFF80;
	(pc) =	sbr.rel @p0 .LBB2_2-.Ltmp1, $4  }
0x7d: {  	[spmem:s2] =	stream.indirect.scatter.add.f32 [tilespmem:s26], [sflag:$0x7], $0x80, s24, s20, $0xb8;
	[tilespmem:$0x1E080] =	vst v63  }
0x7e: {  	s3 =	sshrl.u32 @!p1 s14, $0x3;
	s14 =	simm.s32 @!p1 $0x4000;
	_ =	swait.ge [sflag:s18], $0x2000  }
0x7f: {  	s8 =	simm.s32 @!p1 $0x0;
	s15 =	sadd.s32 @!p1 s4, s3;
	[sflag:s18] =	ssyncset.done $0x0  }
0x80: {  	s10 =	simm.s32 @!p1 $0x40;
	s17 =	simm.s32 @!p1 $0x8080;
	[sflag:s18] =	ssyncadd.s32 $0xFFFFE000  }
.LBB2_3:
0x81: {  	[tilespmem:s14], [sflag:$0x3] =	stream.linear.gather @!p1 [hbm4b:s15+s8], $0x80, $0x38;
	[tilespmem:$0x1E080] =	vst v63  }
0x82: {  	_ = 	snop  }
0x83: {  	[tilespmem:s17], [sflag:$0x6] =	stream.indirect.gather @!p1 [hbm4b:s5+s10], $0x80, s9, s10, $0xb8;
	[tilespmem:$0x1E080] =	vst v63  }
0x84: {  	[bflag:$0x0] =	sbarrier.arrive $0xFFFF  }
0x85: {  	s14 =	rddreg [dreg:$0x5]  }
0x86: {  	s3 =	rddreg [dreg:$0xb]  }
0x87: {  	s7 =	rddreg [dreg:$0xe]  }
0x88: {  	[hbm:s3], [sflag:s14] =	dma.local [spmem:s7], $0x2800  }
0x89: {  	_ =	swait.ge [sflag:s18], $0x2800  }
0x8a: {  	s17 =	rddreg [dreg:$0xf]  }
0x8b: {  	s25 =	rddreg [dreg:$0xc];
	s8 =	sadd.s32 $0x1, s17  }
0x8c: {  	p0 =	sne.s32 s8, s25  }
.Ltmp2:
0x8d: {  	_ = 	snop;
	(pc) =	sbr.rel @p0 .LBB2_1-.Ltmp2, $3  }
0x8e: {  	_ =	sdelay $0x1  }
0x8f: {  	[sflag:s18] =	ssyncset.done $0x0  }
0x90: {  	[sflag:s18] =	ssyncadd.s32 $0xFFFFD800  }
0x91: {  	_ =	sfence.sel $0x180000  }
0x92: {  	[bflag:$0x0] =	sbarrier.arrive $0xFFFF  }
0x93: {  	_ =	strace $0x9000004A  }
0x94: {  	s0 =	stileid.u32;
	[bflag:$0x2] =	sbarrier.arrive $0xFFFF  }
0x95: {  	p0 =	sne.s32 s0, $0x0;
	s0 =	rddreg [dreg:$0x3]  }
0x96: {  	s0 =	sadd.s32 @!p0 $0x100000, s0  }
0x97: {  	[sflag:s0] =	ssyncadd.tile.s32 @!p0 $0x1;
	_ =	shalt  }
.Lfunc_end2:
_tile_overlayer_lowered:
.L_overlay_start_2:
0x98: {  	(tag) =	ssettag $0x2  }
0x99: {  	s0 =	rddreg [dreg:$0x0];
	s2 =	stileid.u32  }
0x9a: {  	s1 =	rddreg [dreg:$0x1];
	p0 =	sne.s32 s2, $0x0  }
0x9b: {  	s3 =	rddreg [dreg:$0x2];
	[bflag:$0x3] =	sbarrier.arrive $0xFFFF;
	s2 =	simm.s32 @!p0 $0x1C07  }
0x9c: {  	[timem:s3], [sflag:s2] =	dma.local @!p0 [hbm:s0], s1  }
0x9d: {  	s0 =	simm.s32 @!p0 $0x7  }
0x9e: {  	_ =	swait.ge @!p0 [sflag:s0], s1  }
0x9f: {  	s1 =	ssub.s32 @!p0 $0x0, s1;
	[sflag:s0] =	ssyncset.done @!p0 $0x0  }
0xa0: {  	[sflag:s0] =	ssyncadd.s32 @!p0 s1  }
0xa1: {  	[bflag:$0x3] =	sbarrier.arrive $0xFFFF  }
0xa2: {  	_ =	shalt  }

// kernel: kernel.14.cloned.1.call-start
scs
__scs_entry_jumppad:
0x0: {  	(pc) =	sbr.rel $0x88, $3  }
0x1: {  	(tag) =	ssettag $0x0;
	lr =	simm.s32 $0x1  }
0x2: {  	[smem:$0x3F99] =	sst lr;
	_ =	strace $0xD0000000  }
0x3: {  	_ = 	snop  }
0x4: {  	_ = 	snop  }
0x5: {  	_ = 	snop  }
0x6: {  	_ = 	snop  }
0x7: {  	_ = 	snop  }
__scs_overlays_trampoline_lowered:
0x8: {  	[smem:$0x3FA8] =	sst s0  }
0x9: {  	[smem:$0x3FA9] =	sst s1  }
0xa: {  	[smem:$0x3FAA] =	sst s2  }
0xb: {  	[smem:$0x3FAB] =	sst s3  }
0xc: {  	[smem:$0x3FAC] =	sst s4  }
0xd: {  	[smem:$0x3FAD] =	sst s5  }
0xe: {  	[smem:$0x3FAE] =	sst s6  }
0xf: {  	[smem:$0x3FAF] =	sst s7  }
0x10: {  	[smem:$0x3FB0] =	sst s8  }
0x11: {  	[smem:$0x3FB1] =	sst s9;
	s0 =	simm.s32 @!p0 $0x0  }
0x12: {  	s1 =	sld [smem:$0x3F97];
	s0 =	simm.s32 @p0 $0x1  }
0x13: {  	[smem:$0x3FB2] =	sst s0;
	s0 =	simm.s32 @!p1 $0x0  }
0x14: {  	s2 =	sld [smem:$0x3F96];
	s0 =	simm.s32 @p1 $0x1  }
0x15: {  	[smem:$0x3FB3] =	sst s0;
	s0 =	simm.s32 @!p2 $0x0  }
0x16: {  	s3 =	sld [smem:$0x3FDB];
	s0 =	simm.s32 @p2 $0x1  }
0x17: {  	s4 =	simm.s32 $0x1BF5;
	[smem:$0x3FB5] =	sst s0  }
0x18: {  	s0 =	sld [smem:$0x3F98];
	_ =	swait.ge [sflag:s4], $0x0  }
0x19: {  	s7 =	sld [smem:$0x3F99]  }
0x1a: {  	s8 =	sadd.s32 $0xFFFFE003, lr  }
0x1b: {  	s9 =	sadd.s32 $0xFFFFFEF7, lr;
	s5 =	simm.s32 $0xFFFFFFFF;
	p2 =	slt.u32 s8, $0xFFFFF086  }
0x1c: {  	p1 =	slt.u32 s9, $0xF7A;
	s5 =	simm.s32 @!p2 $0x0  }
0x1d: {  	s5 =	simm.s32 @p1 $0x1;
	p0 =	seq.s32 s7, s2  }
0x1e: {  	s7 =	smul.u32 @!p0 $0xF7A, s2;
	p2 =	seq.s32 @!p0 s5, $0x0  }
0x1f: {  	s9 =	smul.u32 $0xF7A, s1;
	s8 =	simm.s32 @!p0 $0x1BF5;
	p2 =	por !p2, p0  }
0x20: {  	[sflag:s8] =	ssyncset.s32 @!p0 $0xFFFFF086;
	s6 =	sadd.s32 @!p0 s3, s7;
	s7 =	simm.s32 @!p0 $0x108  }
0x21: {  	s3 =	sadd.s32 s3, s9;
	s6 =	sadd.s32 @!p0 $0x88, s6;
	s7 =	simm.s32 @p2 $0x1082  }
0x22: {  	[simem:s7], [sflag:s8] =	dma.local @!p0 [hbm:s6], $0xF7A  }
0x23: {  	s9 =	sor.u32 $0xD0000000, s2;
	s6 =	simm.s32 $0x108;
	_ =	swait.ge @!p0 [sflag:s8], $0x0  }
0x24: {  	s3 =	sadd.s32 $0x88, s3;
	s6 =	simm.s32 @!p1 $0x1082;
	[sflag:s4] =	ssyncset.s32 $0xFFFFF086  }
0x25: {  	[simem:s6], [sflag:s4] =	dma.local [hbm:s3], $0xF7A  }
0x26: {  	[smem:$0x3F99] =	sst s1;
	(tag) =	ssettag s2;
	_ =	strace s9  }
0x27: {  	s1 =	sld [smem:$0x3FA9]  }
0x28: {  	s2 =	sld [smem:$0x3FAA]  }
0x29: {  	s4 =	sld [smem:$0x3FAC]  }
0x2a: {  	p0 =	seq.s32 s5, $0x0;
	s5 =	sld [smem:$0x3FAD]  }
0x2b: {  	s6 =	sld [smem:$0x3FAE]  }
0x2c: {  	s7 =	sld [smem:$0x3FAF]  }
0x2d: {  	s3 =	simm.s32 $0x108;
	s8 =	sld [smem:$0x3FB0]  }
0x2e: {  	s3 =	simm.s32 @!p0 $0x1082;
	s9 =	sld [smem:$0x3FB1]  }
0x2f: {  	lr =	sadd.s32 s0, s3;
	s0 =	sld [smem:$0x3FA8]  }
0x30: {  	s3 =	sld [smem:$0x3FAB]  }
0x31: {  	[smem:$0x3FB4] =	sst s10  }
0x32: {  	s10 =	sld [smem:$0x3FB2];
	_ =	sdelay $0x3  }
0x33: {  	p0 =	seq.s32 s10, $0x1;
	s10 =	sld [smem:$0x3FB4];
	_ =	sdelay $0x3  }
0x34: {  	[smem:$0x3FB4] =	sst s10  }
0x35: {  	s10 =	sld [smem:$0x3FB3];
	_ =	sdelay $0x3  }
0x36: {  	p1 =	seq.s32 s10, $0x1;
	s10 =	sld [smem:$0x3FB4];
	_ =	sdelay $0x3  }
0x37: {  	[smem:$0x3FB4] =	sst s10  }
0x38: {  	s10 =	sld [smem:$0x3FB5]  }
0x39: {  	_ = 	snop;
	(pc) =	sbr.ind lr, $3  }
0x3a: {  	_ = 	snop  }
0x3b: {  	_ = 	snop  }
0x3c: {  	p2 =	seq.s32 s10, $0x1;
	s10 =	sld [smem:$0x3FB4]  }
0x3d: {  	_ =	shalt  }
0x3e: {  	_ =	shalt  }
0x3f: {  	_ =	shalt  }
0x40: {  	_ =	shalt  }
0x41: {  	_ =	shalt  }
0x42: {  	_ =	shalt  }
0x43: {  	_ =	shalt  }
0x44: {  	_ =	shalt  }
0x45: {  	_ =	shalt  }
0x46: {  	_ =	shalt  }
0x47: {  	_ =	shalt  }
0x48: {  	_ =	shalt  }
0x49: {  	_ =	shalt  }
0x4a: {  	_ =	shalt  }
0x4b: {  	_ =	shalt  }
0x4c: {  	_ =	shalt  }
0x4d: {  	_ =	shalt  }
0x4e: {  	_ =	shalt  }
0x4f: {  	_ =	shalt  }
0x50: {  	_ =	shalt  }
0x51: {  	_ =	shalt  }
0x52: {  	_ =	shalt  }
0x53: {  	_ =	shalt  }
0x54: {  	_ =	shalt  }
0x55: {  	_ =	shalt  }
0x56: {  	_ =	shalt  }
0x57: {  	_ =	shalt  }
0x58: {  	_ =	shalt  }
0x59: {  	_ =	shalt  }
0x5a: {  	_ =	shalt  }
0x5b: {  	_ =	shalt  }
0x5c: {  	_ =	shalt  }
0x5d: {  	_ =	shalt  }
0x5e: {  	_ =	shalt  }
0x5f: {  	_ =	shalt  }
0x60: {  	_ =	shalt  }
0x61: {  	_ =	shalt  }
0x62: {  	_ =	shalt  }
0x63: {  	_ =	shalt  }
0x64: {  	_ =	shalt  }
0x65: {  	_ =	shalt  }
0x66: {  	_ =	shalt  }
0x67: {  	_ =	shalt  }
0x68: {  	_ =	shalt  }
0x69: {  	_ =	shalt  }
0x6a: {  	_ =	shalt  }
0x6b: {  	_ =	shalt  }
0x6c: {  	_ =	shalt  }
0x6d: {  	_ =	shalt  }
0x6e: {  	_ =	shalt  }
0x6f: {  	_ =	shalt  }
0x70: {  	_ =	shalt  }
0x71: {  	_ =	shalt  }
0x72: {  	_ =	shalt  }
0x73: {  	_ =	shalt  }
0x74: {  	_ =	shalt  }
0x75: {  	_ =	shalt  }
0x76: {  	_ =	shalt  }
0x77: {  	_ =	shalt  }
0x78: {  	_ =	shalt  }
0x79: {  	_ =	shalt  }
0x7a: {  	_ =	shalt  }
0x7b: {  	_ =	shalt  }
0x7c: {  	_ =	shalt  }
0x7d: {  	_ =	shalt  }
0x7e: {  	_ =	shalt  }
0x7f: {  	_ =	shalt  }
0x80: {  	_ =	shalt  }
0x81: {  	_ =	shalt  }
0x82: {  	_ =	shalt  }
0x83: {  	_ =	shalt  }
0x84: {  	_ =	shalt  }
0x85: {  	_ =	shalt  }
0x86: {  	_ =	shalt  }
0x87: {  	_ =	shalt  }
.Lfunc_end0:
.L_simem_size_0:
called_computation.2_lowered:
.L_overlay_start_0:
0x88: {  	s2 =	sld [smem:$0x3FD9]  }
0x89: {  	s3 =	sld [smem:$0x3FFE];
	_ =	sdelay $0x1  }
0x8a: {  	s1 =	srdreg.scid  }
0x8b: {  	s0 =	sand.u32 $0x1, s1  }
0x8c: {  	s17 =	sshll.u32 s0, $0xA;
	s2 =	sadd.s32 s3, s2  }
0x8d: {  	s2 =	sadd.s32 s2, s17  }
0x8e: {  	[smem:$0x3FC0] =	sst s2  }
0x8f: {  	_ = 	snop  }
0x90: {  	s2 =	sld [smem:$0x3FD0];
	(tm) =	ssettm $0x1  }
0x91: {  	s18 =	sld [smem:$0x3FFB];
	_ =	sdelay $0x3  }
0x92: {  	_ =	strace s18  }
0x93: {  	s3 =	sld [smem:$0x3FFC];
	_ =	sdelay $0x3  }
0x94: {  	_ =	strace s3  }
0x95: {  	s3 =	sld [smem:$0x3FFD];
	_ =	sdelay $0x3  }
0x96: {  	_ =	strace s3  }
0x97: {  	_ =	strace $0x8FFFFFFF  }
0x98: {  	s19 =	sld [smem:$0x3FDB];
	_ =	sdelay $0x1  }
0x99: {  	s4 =	simm.s32 $_scs_section_size  }
0x9a: {  	s5 =	simm.s32 $_size__tile_overlayer_lowered;
	s6 =	simm.s32 $_tile_overlayer_lowered  }
0x9b: {  	s22 =	simm.s32 $0x1BFF;
	s21 =	sshll.u32 s6, $0x1;
	s3 =	sadd.s32 s4, s19  }
0x9c: {  	s7 =	simm.s32 $0x0;
	s20 =	sshll.u32 s5, $0x1;
	s5 =	sadd.s32 s21, s3  }
0x9d: {  	[timem:s7], [sflag:s22] =	dma.local [hbm:s5], s20  }
0x9e: {  	_ =	swait.ge [sflag:s22], s20  }
0x9f: {  	s4 =	ssub.s32 $0x0, s20;
	[sflag:s22] =	ssyncset.done $0x0  }
0xa0: {  	[sflag:s22] =	ssyncadd.s32 s4;
	_ =	sdelay $0x1  }
0xa1: {  	s23 =	simm.s32 $0x1B8B  }
0xa2: {  	_ =	swait.ge [sflag:s23], $0x1  }
0xa3: {  	[sflag:s23] =	ssyncset.done $0x0  }
0xa4: {  	s25 =	simm.s32 $0x1B8E;
	s24 =	sld [smem:$0x3FFE];
	[sflag:s23] =	ssyncadd.s32 $0xFFFFFFFF  }
0xa5: {  	s26 =	simm.s32 $execute0_lowered;
	[smem:$0x3FD2] =	sst s25  }
0xa6: {  	s5 =	sshll.u32 s26, $0x1;
	_ =	strace $0x8000004C;
	[dreg:$0x1] =	wrdreg $0xFFFFFFFF  }
0xa7: {  	s28 =	simm.s32 $_size_execute0_lowered;
	s3 =	sadd.s32 s3, s5;
	[dreg:$0x0] =	wrdreg $0x0  }
0xa8: {  	s5 =	sshll.u32 s28, $0x1;
	[dreg:$0x2] =	wrdreg s3  }
0xa9: {  	[dreg:$0x3] =	wrdreg s5  }
0xaa: {  	[dreg:$0x4] =	wrdreg $0xC0  }
0xab: {  	_ =	task [dreg:s7], $0x5FFFF  }
0xac: {  	[dreg:$0x1] =	wrdreg $0xFFFFFFFF  }
0xad: {  	[dreg:$0x0] =	wrdreg $0x60  }
0xae: {  	[dreg:$0x2] =	wrdreg s2  }
0xaf: {  	[dreg:$0x3] =	wrdreg s24  }
0xb0: {  	[dreg:$0x4] =	wrdreg $0xA0800  }
0xb1: {  	[dreg:$0x5] =	wrdreg $0x9  }
0xb2: {  	_ =	task.clear_ibuf [dreg:s7], $0x6FFFF;
	_ =	strace $0x9000004C  }
0xb3: {  	s29 =	simm.s32 $0x9;
	_ =	strace $0x8000004E  }
0xb4: {  	_ =	swait.ge [sflag:s29], $0x1  }
0xb5: {  	[sflag:s29] =	ssyncadd.s32 $0xFFFFFFFF  }
0xb6: {  	_ =	strace $0x9000004E  }
0xb7: {  	_ =	sfence  }
0xb8: {  	s30 =	sld [smem:$0x0];
	_ =	sdelay $0x2  }
0xb9: {  	s31 =	sshll.u32 s1, $0xD;
	s1 =	sshrl.u32 s1, $0x2  }
0xba: {  	s3 =	sand.u32 $0x4000, s31;
	s1 =	sadd.s32 s1, s30  }
0xbb: {  	s0 =	sor.u32 s3, s0;
	s1 =	sshll.u32 s1, $0x11  }
0xbc: {  	s0 =	sor.u32 s1, s0  }
0xbd: {  	s0 =	sadd.s32 $0x8F2B, s0  }
0xbe: {  	[sflag:s0] =	ssyncadd.remote.s32 $0x1  }
0xbf: {  	_ =	sfence.sel $0xFFFF  }
0xc0: {  	[dreg:$0x0] =	wrdreg $0xFFFFFFFF;
	(pc) =	sbr.abs _section_cstart, $3  }
0xc1: {  	[dreg:$0x1] =	wrdreg $0xFFFFFFFF  }
0xc2: {  	_ =	task.clear_ibuf [dreg:s7], $0x2FFFF;
	_ =	strace $0x9FFFFFFF  }
0xc3: {  	(tm) =	ssettm $0x7FFFFFFF  }
tec
execute0_lowered:
.L_overlay_start_1:
0x0: {  	(tag) =	ssettag $0x1  }
0x1: {  	s0 =	rddreg [dreg:$0x0]  }
0x2: {  	s1 =	rddreg [dreg:$0x1];
	s15 =	stileid.u32  }
0x3: {  	s3 =	srdreg.scid;
	s6 =	smul.u32 $0x14000, s15  }
0x4: {  	s2 =	rddreg [dreg:$0x2];
	s17 =	simm.s32 $0x0;
	s11 =	smul.u32 $0xFC0, s15  }
0x5: {  	s28 =	simm.s32 $0x4;
	s29 =	simm.s32 $0x1;
	s12 =	smul.u32 $0x50000, s15  }
0x6: {  	s30 =	simm.s32 $0x5;
	s31 =	simm.s32 $0x2;
	s13 =	smul.u32 $0x3F00, s15  }
0x7: {  	s7 =	sand.u32 $0x1, s3;
	[smem:$0x7FF] =	sst s17;
	s24 =	smul.u32 $0x7E00, s15  }
0x8: {  	s4 =	sadd.s32 $0x85800, s1;
	s14 =	sshll.u32 s15, $0x6;
	s5 =	smul.u32 $0x140000, s7  }
0x9: {  	_ =	strace $0x8000004D;
	s18 =	ssub.s32 $0x2, s7;
	s10 =	sshll.u32 s7, $0x4  }
0xa: {  	p0 =	seq.s32 s7, $0x0;
	s14 =	sor.u32 $0x1C07, s14;
	s7 =	smul.u32 $0x7E000, s7  }
0xb: {  	s19 =	sshrl.u32 s18, $0x1;
	s10 =	sor.u32 s15, s10;
	s11 =	sadd.s32 $0x3F000, s11  }
0xc: {  	s12 =	sshrl.u32 s12, $0x2;
	[dreg:$0x5] =	wrdreg s14;
	s8 =	sadd.s32 s6, s5  }
0xd: {  	s5 =	sadd.s32 $0x35000, s1;
	s6 =	sshrl.u32 s6, $0x3;
	s11 =	smov.u32 @p0 s13  }
0xe: {  	s12 =	sadd.s32 s12, s2;
	s10 =	smul.u32 $0x7E00, s10;
	s8 =	sshrl.u32 s8, $0x3  }
0xf: {  	s9 =	sadd.s32 s6, s1;
	s6 =	simm.s32 $0xFC;
	s11 =	sshrl.u32 s11, $0x3  }
0x10: {  	s1 =	sadd.s32 s8, s1;
	s8 =	ssub.s32 s18, s19;
	s6 =	simm.s32 @!p0 $0x3F  }
0x11: {  	s21 =	sadd.s32 $0xD000, s9;
	s10 =	sshrl.u32 s10, $0x3;
	s0 =	sadd.s32 s0, s11  }
0x12: {  	s18 =	simm.s32 $0x7;
	s19 =	simm.s32 $0x3F00;
	[dreg:$0x4] =	wrdreg s21  }
0x13: {  	s20 =	sadd.s32 $0x2, s6;
	[dreg:$0x6] =	wrdreg s0;
	s23 =	sadd.s32 s4, s10  }
0x14: {  	s1 =	sadd.s32 $0xA5000, s1;
	s26 =	smax.u32 s8, $0x1;
	s0 =	sadd.s32 s24, s7  }
0x15: {  	s7 =	sshrl.u32 s12, $0x3;
	s21 =	simm.s32 $0x4080;
	[dreg:$0x7] =	wrdreg s23  }
0x16: {  	s24 =	simm.s32 $0x4000;
	s8 =	simm.s32 $0x0;
	[dreg:$0xb] =	wrdreg s1  }
0x17: {  	s13 =	sand.u32 $0xFF, s20;
	s10 =	sadd.s32 $0x10, s23;
	[dreg:$0xc] =	wrdreg s26  }
0x18: {  	s3 =	sadd.s32 $0x20, s23;
	s0 =	sadd.s32 $0x280, s0;
	[dreg:$0xe] =	wrdreg s7  }
0x19: {  	s20 =	simm.s32 $0x40;
	s22 =	smul.u32 $0xAB, s13;
	[dreg:$0x8] =	wrdreg s10  }
0x1a: {  	s23 =	simm.s32 $0x6080;
	s26 =	simm.s32 $0x8080;
	[dreg:$0x9] =	wrdreg s3  }
0x1b: {  	s1 =	simm.s32 $0x6;
	[dreg:$0xd] =	wrdreg s0;
	s25 =	sshrl.u32 s22, $0x9  }
0x1c: {  	s0 =	simm.s32 $0x3;
	s22 =	simm.s32 $0x3F80;
	[dreg:$0xa] =	wrdreg s25  }
.LBB2_1:
0x1d: {  	[dreg:$0xf] =	wrdreg s8  }
0x1e: {  	s3 =	rddreg [dreg:$0x4]  }
0x1f: {  	[spmem:s7], [sflag:s14] =	dma.local [hbm:s3], $0x2800  }
0x20: {  	_ =	swait.ge [sflag:s18], $0x2800  }
0x21: {  	[sflag:s18] =	ssyncset.done $0x0  }
0x22: {  	s12 =	simm.s32 $0x0;
	s13 =	rddreg [dreg:$0x6];
	[sflag:s18] =	ssyncadd.s32 $0xFFFFD800  }
0x23: {  	[tilespmem:s12], [sflag:$0x7] =	stream.linear.gather [hbm4b:s13+s12], $0x3F00, $0x38;
	[tilespmem:$0x1E080] =	vst v63  }
0x24: {  	_ =	swait.ge [sflag:s18], $0x3F00  }
0x25: {  	[sflag:s18] =	ssyncset.done $0x0  }
0x26: {  	s14 =	rddreg [dreg:$0x7];
	[sflag:s18] =	ssyncadd.s32 $0xFFFFC100  }
0x27: {  	[tilespmem:s19], [sflag:$0x1] =	stream.linear.gather [hbm4b:s14+s12], $0x80, $0x38;
	[tilespmem:$0x1E080] =	vst v63  }
0x28: {  	_ = 	snop  }
0x29: {  	[tilespmem:s21], [sflag:$0x4] =	stream.indirect.gather [hbm4b:s5+s20], $0x80, s12, s20, $0xb8;
	[tilespmem:$0x1E080] =	vst v63  }
0x2a: {  	s15 =	rddreg [dreg:$0x8]  }
0x2b: {  	[tilespmem:s22], [sflag:$0x2] =	stream.linear.gather [hbm4b:s15+s12], $0x80, $0x38;
	[tilespmem:$0x1E080] =	vst v63  }
0x2c: {  	_ = 	snop  }
0x2d: {  	[tilespmem:s23], [sflag:$0x5] =	stream.indirect.gather [hbm4b:s5+s20], $0x80, s20, s20, $0xb8;
	[tilespmem:$0x1E080] =	vst v63  }
0x2e: {  	s16 =	rddreg [dreg:$0x9]  }
0x2f: {  	[tilespmem:s24], [sflag:$0x3] =	stream.linear.gather [hbm4b:s16+s12], $0x80, $0x38;
	[tilespmem:$0x1E080] =	vst v63  }
0x30: {  	s17 =	simm.s32 $0x80  }
0x31: {  	[tilespmem:s26], [sflag:$0x6] =	stream.indirect.gather [hbm4b:s5+s20], $0x80, s17, s20, $0xb8;
	[tilespmem:$0x1E080] =	vst v63  }
0x32: {  	[bflag:$0x0] =	sbarrier.arrive $0xFFFF  }
0x33: {  	_ =	swait.ge [sflag:s28], $0x2000  }
0x34: {  	[sflag:s28] =	ssyncset.done $0x0  }
0x35: {  	[sflag:s28] =	ssyncadd.s32 $0xFFFFE000  }
0x36: {  	_ =	swait.ge [sflag:s29], $0x80  }
0x37: {  	[sflag:s29] =	ssyncset.done $0x0  }
0x38: {  	[sflag:s29] =	ssyncadd.s32 $0xFFFFFF80  }
0x39: {  	[spmem:s2] =	stream.indirect.scatter.add.f32 [tilespmem:s21], [sflag:$0x7], $0x80, s19, s20, $0xb8;
	[tilespmem:$0x1E080] =	vst v63  }
0x3a: {  	_ =	swait.ge [sflag:s18], $0x2000  }
0x3b: {  	p0 =	sle.u32 s6, $0x3;
	s10 =	rddreg [dreg:$0xd]  }
0x3c: {  	s7 =	sadd.s32 @!p0 $0xFFFFFF00, s10  }
0x3d: {  	s8 =	simm.s32 @!p0 $0x0;
	[sflag:s18] =	ssyncset.done $0x0;
	s7 =	sshrl.u32 @!p0 s7, $0x3  }
0x3e: {  	s9 =	simm.s32 @!p0 $0x3F00;
	[sflag:s18] =	ssyncadd.s32 $0xFFFFE000;
	s7 =	sadd.s32 @!p0 s4, s7  }
0x3f: {  	[tilespmem:s9], [sflag:$0x1] =	stream.linear.gather @!p0 [hbm4b:s7+s8], $0x80, $0x38;
	[tilespmem:$0x1E080] =	vst v63  }
0x40: {  	s7 =	simm.s32 @!p0 $0xC0;
	s8 =	simm.s32 @!p0 $0x40;
	s9 =	simm.s32 @!p0 $0x4080  }
0x41: {  	[tilespmem:s9], [sflag:$0x4] =	stream.indirect.gather @!p0 [hbm4b:s5+s8], $0x80, s7, s8, $0xb8;
	[tilespmem:$0x1E080] =	vst v63  }
0x42: {  	_ =	swait.ge [sflag:s30], $0x2000  }
0x43: {  	[sflag:s30] =	ssyncset.done $0x0  }
0x44: {  	[sflag:s30] =	ssyncadd.s32 $0xFFFFE000  }
0x45: {  	_ =	swait.ge [sflag:s31], $0x80  }
0x46: {  	[sflag:s31] =	ssyncset.done $0x0  }
0x47: {  	p0 =	sle.u32 s6, $0x4;
	[sflag:s31] =	ssyncadd.s32 $0xFFFFFF80  }
0x48: {  	[spmem:s2] =	stream.indirect.scatter.add.f32 [tilespmem:s23], [sflag:$0x7], $0x80, s22, s20, $0xb8;
	[tilespmem:$0x1E080] =	vst v63  }
0x49: {  	s7 =	sadd.s32 @!p0 $0xFFFFFF80, s10;
	_ =	swait.ge [sflag:s18], $0x2000  }
0x4a: {  	s8 =	simm.s32 @!p0 $0x3F80;
	s7 =	sshrl.u32 @!p0 s7, $0x3;
	[sflag:s18] =	ssyncset.done $0x0  }
0x4b: {  	s9 =	simm.s32 @!p0 $0x0;
	s7 =	sadd.s32 @!p0 s4, s7;
	[sflag:s18] =	ssyncadd.s32 $0xFFFFE000  }
0x4c: {  	[tilespmem:s8], [sflag:$0x2] =	stream.linear.gather @!p0 [hbm4b:s7+s9], $0x80, $0x38;
	[tilespmem:$0x1E080] =	vst v63  }
0x4d: {  	s7 =	simm.s32 @!p0 $0x40;
	s8 =	simm.s32 @!p0 $0x100;
	s9 =	simm.s32 @!p0 $0x6080  }
0x4e: {  	[tilespmem:s9], [sflag:$0x5] =	stream.indirect.gather @!p0 [hbm4b:s5+s7], $0x80, s8, s7, $0xb8;
	[tilespmem:$0x1E080] =	vst v63  }
0x4f: {  	_ =	swait.ge [sflag:s1], $0x2000  }
0x50: {  	s11 =	simm.s32 $0x200;
	[sflag:s1] =	ssyncset.done $0x0  }
0x51: {  	p1 =	sle.u32 s6, $0x5;
	s25 =	rddreg [dreg:$0xa];
	[sflag:s1] =	ssyncadd.s32 $0xFFFFE000  }
0x52: {  	s14 =	simm.s32 @!p1 $0x4000;
	s7 =	sadd.s32 $0xFFFFFFFF, s25;
	_ =	swait.ge [sflag:s0], $0x80  }
0x53: {  	s12 =	simm.s32 $0x8;
	p0 =	sne.s32 s7, $0x0;
	[sflag:s0] =	ssyncset.done $0x0  }
.Ltmp0:
0x54: {  	s17 =	simm.s32 @!p1 $0x8080;
	[sflag:s0] =	ssyncadd.s32 $0xFFFFFF80;
	(pc) =	sbr.rel @!p0 .LBB2_3-.Ltmp0, $4  }
0x55: {  	[spmem:s2] =	stream.indirect.scatter.add.f32 [tilespmem:s26], [sflag:$0x7], $0x80, s24, s20, $0xb8;
	[tilespmem:$0x1E080] =	vst v63  }
0x56: {  	s13 =	sadd.s32 $0x180, s10;
	s9 =	simm.s32 $0x140;
	_ =	swait.ge [sflag:s18], $0x2000  }
0x57: {  	s8 =	sshrl.u32 @!p1 s10, $0x3;
	s10 =	simm.s32 @!p1 $0x40;
	[sflag:s18] =	ssyncset.done $0x0  }
0x58: {  	s15 =	sadd.s32 @!p1 s4, s8;
	s8 =	simm.s32 @!p1 $0x0;
	[sflag:s18] =	ssyncadd.s32 $0xFFFFE000  }
.LBB2_2:
0x59: {  	[tilespmem:s14], [sflag:$0x3] =	stream.linear.gather @!p1 [hbm4b:s15+s8], $0x80, $0x38;
	[tilespmem:$0x1E080] =	vst v63  }
0x5a: {  	s7 =	sadd.s32 $0xFFFFFFFF, s7;
	s15 =	smov.u32 s12;
	s14 =	smov.u32 s13  }
0x5b: {  	[tilespmem:s17], [sflag:$0x6] =	stream.indirect.gather @!p1 [hbm4b:s5+s10], $0x80, s9, s10, $0xb8;
	[tilespmem:$0x1E080] =	vst v63  }
0x5c: {  	p0 =	sne.s32 s7, $0x0;
	s9 =	smov.u32 s11;
	_ =	swait.ge [sflag:s28], $0x2000  }
0x5d: {  	[sflag:s28] =	ssyncset.done $0x0  }
0x5e: {  	[sflag:s28] =	ssyncadd.s32 $0xFFFFE000  }
0x5f: {  	_ =	swait.ge [sflag:s29], $0x80  }
0x60: {  	s8 =	sadd.s32 $0xFFFFFFFE, s12;
	[sflag:s29] =	ssyncset.done $0x0  }
0x61: {  	p1 =	sge.u32 s8, s6;
	[sflag:s29] =	ssyncadd.s32 $0xFFFFFF80  }
0x62: {  	[spmem:s2] =	stream.indirect.scatter.add.f32 [tilespmem:s21], [sflag:$0x7], $0x80, s19, s20, $0xb8;
	[tilespmem:$0x1E080] =	vst v63  }
0x63: {  	s8 =	sadd.s32 @!p1 $0xFFFFFF00, s13;
	s10 =	simm.s32 @!p1 $0x0;
	_ =	swait.ge [sflag:s18], $0x2000  }
0x64: {  	s17 =	simm.s32 @!p1 $0x3F00;
	s8 =	sshrl.u32 @!p1 s8, $0x3;
	[sflag:s18] =	ssyncset.done $0x0  }
0x65: {  	s3 =	sadd.s32 @!p1 $0xFFFFFF80, s11;
	s8 =	sadd.s32 @!p1 s4, s8;
	[sflag:s18] =	ssyncadd.s32 $0xFFFFE000  }
0x66: {  	[tilespmem:s17], [sflag:$0x1] =	stream.linear.gather @!p1 [hbm4b:s8+s10], $0x80, $0x38;
	[tilespmem:$0x1E080] =	vst v63  }
0x67: {  	s8 =	simm.s32 @!p1 $0x40;
	s10 =	simm.s32 @!p1 $0x4080  }
0x68: {  	[tilespmem:s10], [sflag:$0x4] =	stream.indirect.gather @!p1 [hbm4b:s5+s8], $0x80, s3, s8, $0xb8;
	[tilespmem:$0x1E080] =	vst v63  }
0x69: {  	_ =	swait.ge [sflag:s30], $0x2000  }
0x6a: {  	[sflag:s30] =	ssyncset.done $0x0  }
0x6b: {  	[sflag:s30] =	ssyncadd.s32 $0xFFFFE000  }
0x6c: {  	_ =	swait.ge [sflag:s31], $0x80  }
0x6d: {  	s3 =	sadd.s32 $0xFFFFFFFF, s12;
	[sflag:s31] =	ssyncset.done $0x0  }
0x6e: {  	p1 =	sge.u32 s3, s6;
	[sflag:s31] =	ssyncadd.s32 $0xFFFFFF80  }
0x6f: {  	s3 =	sadd.s32 @!p1 $0xFFFFFF80, s13;
	s8 =	simm.s32 @!p1 $0x3F80;
	s10 =	simm.s32 @!p1 $0x40  }
0x70: {  	[spmem:s2] =	stream.indirect.scatter.add.f32 [tilespmem:s23], [sflag:$0x7], $0x80, s22, s20, $0xb8;
	[tilespmem:$0x1E080] =	vst v63  }
0x71: {  	s17 =	simm.s32 @!p1 $0x0;
	s3 =	sshrl.u32 @!p1 s3, $0x3;
	_ =	swait.ge [sflag:s18], $0x2000  }
0x72: {  	s16 =	sadd.s32 @!p1 $0xFFFFFFC0, s11;
	s3 =	sadd.s32 @!p1 s4, s3;
	[sflag:s18] =	ssyncset.done $0x0  }
0x73: {  	s25 =	simm.s32 @!p1 $0x6080;
	[sflag:s18] =	ssyncadd.s32 $0xFFFFE000  }
0x74: {  	[tilespmem:s8], [sflag:$0x2] =	stream.linear.gather @!p1 [hbm4b:s3+s17], $0x80, $0x38;
	[tilespmem:$0x1E080] =	vst v63  }
0x75: {  	_ = 	snop  }
0x76: {  	[tilespmem:s25], [sflag:$0x5] =	stream.indirect.gather @!p1 [hbm4b:s5+s10], $0x80, s16, s10, $0xb8;
	[tilespmem:$0x1E080] =	vst v63  }
0x77: {  	_ =	swait.ge [sflag:s1], $0x2000  }
0x78: {  	[sflag:s1] =	ssyncset.done $0x0  }
0x79: {  	[sflag:s1] =	ssyncadd.s32 $0xFFFFE000  }
0x7a: {  	s12 =	sadd.s32 $0x3, s12;
	_ =	swait.ge [sflag:s0], $0x80  }
0x7b: {  	s11 =	sadd.s32 $0xC0, s11;
	s13 =	sadd.s32 $0x180, s13;
	[sflag:s0] =	ssyncset.done $0x0  }
.Ltmp1:
0x7c: {  	p1 =	sge.u32 s15, s6;
	[sflag:s0] =	ssyncadd.s32 $0xFFFFFF80;
	(pc) =	sbr.rel @p0 .LBB2_2-.Ltmp1, $4  }
0x7d: {  	[spmem:s2] =	stream.indirect.scatter.add.f32 [tilespmem:s26], [sflag:$0x7], $0x80, s24, s20, $0xb8;
	[tilespmem:$0x1E080] =	vst v63  }
0x7e: {  	s3 =	sshrl.u32 @!p1 s14, $0x3;
	s14 =	simm.s32 @!p1 $0x4000;
	_ =	swait.ge [sflag:s18], $0x2000  }
0x7f: {  	s8 =	simm.s32 @!p1 $0x0;
	s15 =	sadd.s32 @!p1 s4, s3;
	[sflag:s18] =	ssyncset.done $0x0  }
0x80: {  	s10 =	simm.s32 @!p1 $0x40;
	s17 =	simm.s32 @!p1 $0x8080;
	[sflag:s18] =	ssyncadd.s32 $0xFFFFE000  }
.LBB2_3:
0x81: {  	[tilespmem:s14], [sflag:$0x3] =	stream.linear.gather @!p1 [hbm4b:s15+s8], $0x80, $0x38;
	[tilespmem:$0x1E080] =	vst v63  }
0x82: {  	_ = 	snop  }
0x83: {  	[tilespmem:s17], [sflag:$0x6] =	stream.indirect.gather @!p1 [hbm4b:s5+s10], $0x80, s9, s10, $0xb8;
	[tilespmem:$0x1E080] =	vst v63  }
0x84: {  	[bflag:$0x0] =	sbarrier.arrive $0xFFFF  }
0x85: {  	s14 =	rddreg [dreg:$0x5]  }
0x86: {  	s3 =	rddreg [dreg:$0xb]  }
0x87: {  	s7 =	rddreg [dreg:$0xe]  }
0x88: {  	[hbm:s3], [sflag:s14] =	dma.local [spmem:s7], $0x2800  }
0x89: {  	_ =	swait.ge [sflag:s18], $0x2800  }
0x8a: {  	s17 =	rddreg [dreg:$0xf]  }
0x8b: {  	s25 =	rddreg [dreg:$0xc];
	s8 =	sadd.s32 $0x1, s17  }
0x8c: {  	p0 =	sne.s32 s8, s25  }
.Ltmp2:
0x8d: {  	_ = 	snop;
	(pc) =	sbr.rel @p0 .LBB2_1-.Ltmp2, $3  }
0x8e: {  	_ =	sdelay $0x1  }
0x8f: {  	[sflag:s18] =	ssyncset.done $0x0  }
0x90: {  	[sflag:s18] =	ssyncadd.s32 $0xFFFFD800  }
0x91: {  	_ =	sfence.sel $0x180000  }
0x92: {  	[bflag:$0x0] =	sbarrier.arrive $0xFFFF  }
0x93: {  	_ =	strace $0x9000004D  }
0x94: {  	s0 =	stileid.u32;
	[bflag:$0x2] =	sbarrier.arrive $0xFFFF  }
0x95: {  	p0 =	sne.s32 s0, $0x0;
	s0 =	rddreg [dreg:$0x3]  }
0x96: {  	s0 =	sadd.s32 @!p0 $0x100000, s0  }
0x97: {  	[sflag:s0] =	ssyncadd.tile.s32 @!p0 $0x1;
	_ =	shalt  }
.Lfunc_end2:
_tile_overlayer_lowered:
.L_overlay_start_2:
0x98: {  	(tag) =	ssettag $0x2  }
0x99: {  	s0 =	rddreg [dreg:$0x0];
	s2 =	stileid.u32  }
0x9a: {  	s1 =	rddreg [dreg:$0x1];
	p0 =	sne.s32 s2, $0x0  }
0x9b: {  	s3 =	rddreg [dreg:$0x2];
	[bflag:$0x3] =	sbarrier.arrive $0xFFFF;
	s2 =	simm.s32 @!p0 $0x1C07  }
0x9c: {  	[timem:s3], [sflag:s2] =	dma.local @!p0 [hbm:s0], s1  }
0x9d: {  	s0 =	simm.s32 @!p0 $0x7  }
0x9e: {  	_ =	swait.ge @!p0 [sflag:s0], s1  }
0x9f: {  	s1 =	ssub.s32 @!p0 $0x0, s1;
	[sflag:s0] =	ssyncset.done @!p0 $0x0  }
0xa0: {  	[sflag:s0] =	ssyncadd.s32 @!p0 s1  }
0xa1: {  	[bflag:$0x3] =	sbarrier.arrive $0xFFFF  }
0xa2: {  	_ =	shalt  }

// kernel: kernel.8.cloned.1.call-start
scs
__scs_entry_jumppad:
0x0: {  	(pc) =	sbr.rel $0x88, $3  }
0x1: {  	(tag) =	ssettag $0x0;
	lr =	simm.s32 $0x1  }
0x2: {  	[smem:$0x3F99] =	sst lr;
	_ =	strace $0xD0000000  }
0x3: {  	_ = 	snop  }
0x4: {  	_ = 	snop  }
0x5: {  	_ = 	snop  }
0x6: {  	_ = 	snop  }
0x7: {  	_ = 	snop  }
__scs_overlays_trampoline_lowered:
0x8: {  	[smem:$0x3FA8] =	sst s0  }
0x9: {  	[smem:$0x3FA9] =	sst s1  }
0xa: {  	[smem:$0x3FAA] =	sst s2  }
0xb: {  	[smem:$0x3FAB] =	sst s3  }
0xc: {  	[smem:$0x3FAC] =	sst s4  }
0xd: {  	[smem:$0x3FAD] =	sst s5  }
0xe: {  	[smem:$0x3FAE] =	sst s6  }
0xf: {  	[smem:$0x3FAF] =	sst s7  }
0x10: {  	[smem:$0x3FB0] =	sst s8  }
0x11: {  	[smem:$0x3FB1] =	sst s9;
	s0 =	simm.s32 @!p0 $0x0  }
0x12: {  	s1 =	sld [smem:$0x3F97];
	s0 =	simm.s32 @p0 $0x1  }
0x13: {  	[smem:$0x3FB2] =	sst s0;
	s0 =	simm.s32 @!p1 $0x0  }
0x14: {  	s2 =	sld [smem:$0x3F96];
	s0 =	simm.s32 @p1 $0x1  }
0x15: {  	[smem:$0x3FB3] =	sst s0;
	s0 =	simm.s32 @!p2 $0x0  }
0x16: {  	s3 =	sld [smem:$0x3FDB];
	s0 =	simm.s32 @p2 $0x1  }
0x17: {  	s4 =	simm.s32 $0x1BF5;
	[smem:$0x3FB5] =	sst s0  }
0x18: {  	s0 =	sld [smem:$0x3F98];
	_ =	swait.ge [sflag:s4], $0x0  }
0x19: {  	s7 =	sld [smem:$0x3F99]  }
0x1a: {  	s8 =	sadd.s32 $0xFFFFE003, lr  }
0x1b: {  	s9 =	sadd.s32 $0xFFFFFEF7, lr;
	s5 =	simm.s32 $0xFFFFFFFF;
	p2 =	slt.u32 s8, $0xFFFFF086  }
0x1c: {  	p1 =	slt.u32 s9, $0xF7A;
	s5 =	simm.s32 @!p2 $0x0  }
0x1d: {  	s5 =	simm.s32 @p1 $0x1;
	p0 =	seq.s32 s7, s2  }
0x1e: {  	s7 =	smul.u32 @!p0 $0xF7A, s2;
	p2 =	seq.s32 @!p0 s5, $0x0  }
0x1f: {  	s9 =	smul.u32 $0xF7A, s1;
	s8 =	simm.s32 @!p0 $0x1BF5;
	p2 =	por !p2, p0  }
0x20: {  	[sflag:s8] =	ssyncset.s32 @!p0 $0xFFFFF086;
	s6 =	sadd.s32 @!p0 s3, s7;
	s7 =	simm.s32 @!p0 $0x108  }
0x21: {  	s3 =	sadd.s32 s3, s9;
	s6 =	sadd.s32 @!p0 $0x88, s6;
	s7 =	simm.s32 @p2 $0x1082  }
0x22: {  	[simem:s7], [sflag:s8] =	dma.local @!p0 [hbm:s6], $0xF7A  }
0x23: {  	s9 =	sor.u32 $0xD0000000, s2;
	s6 =	simm.s32 $0x108;
	_ =	swait.ge @!p0 [sflag:s8], $0x0  }
0x24: {  	s3 =	sadd.s32 $0x88, s3;
	s6 =	simm.s32 @!p1 $0x1082;
	[sflag:s4] =	ssyncset.s32 $0xFFFFF086  }
0x25: {  	[simem:s6], [sflag:s4] =	dma.local [hbm:s3], $0xF7A  }
0x26: {  	[smem:$0x3F99] =	sst s1;
	(tag) =	ssettag s2;
	_ =	strace s9  }
0x27: {  	s1 =	sld [smem:$0x3FA9]  }
0x28: {  	s2 =	sld [smem:$0x3FAA]  }
0x29: {  	s4 =	sld [smem:$0x3FAC]  }
0x2a: {  	p0 =	seq.s32 s5, $0x0;
	s5 =	sld [smem:$0x3FAD]  }
0x2b: {  	s6 =	sld [smem:$0x3FAE]  }
0x2c: {  	s7 =	sld [smem:$0x3FAF]  }
0x2d: {  	s3 =	simm.s32 $0x108;
	s8 =	sld [smem:$0x3FB0]  }
0x2e: {  	s3 =	simm.s32 @!p0 $0x1082;
	s9 =	sld [smem:$0x3FB1]  }
0x2f: {  	lr =	sadd.s32 s0, s3;
	s0 =	sld [smem:$0x3FA8]  }
0x30: {  	s3 =	sld [smem:$0x3FAB]  }
0x31: {  	[smem:$0x3FB4] =	sst s10  }
0x32: {  	s10 =	sld [smem:$0x3FB2];
	_ =	sdelay $0x3  }
0x33: {  	p0 =	seq.s32 s10, $0x1;
	s10 =	sld [smem:$0x3FB4];
	_ =	sdelay $0x3  }
0x34: {  	[smem:$0x3FB4] =	sst s10  }
0x35: {  	s10 =	sld [smem:$0x3FB3];
	_ =	sdelay $0x3  }
0x36: {  	p1 =	seq.s32 s10, $0x1;
	s10 =	sld [smem:$0x3FB4];
	_ =	sdelay $0x3  }
0x37: {  	[smem:$0x3FB4] =	sst s10  }
0x38: {  	s10 =	sld [smem:$0x3FB5]  }
0x39: {  	_ = 	snop;
	(pc) =	sbr.ind lr, $3  }
0x3a: {  	_ = 	snop  }
0x3b: {  	_ = 	snop  }
0x3c: {  	p2 =	seq.s32 s10, $0x1;
	s10 =	sld [smem:$0x3FB4]  }
0x3d: {  	_ =	shalt  }
0x3e: {  	_ =	shalt  }
0x3f: {  	_ =	shalt  }
0x40: {  	_ =	shalt  }
0x41: {  	_ =	shalt  }
0x42: {  	_ =	shalt  }
0x43: {  	_ =	shalt  }
0x44: {  	_ =	shalt  }
0x45: {  	_ =	shalt  }
0x46: {  	_ =	shalt  }
0x47: {  	_ =	shalt  }
0x48: {  	_ =	shalt  }
0x49: {  	_ =	shalt  }
0x4a: {  	_ =	shalt  }
0x4b: {  	_ =	shalt  }
0x4c: {  	_ =	shalt  }
0x4d: {  	_ =	shalt  }
0x4e: {  	_ =	shalt  }
0x4f: {  	_ =	shalt  }
0x50: {  	_ =	shalt  }
0x51: {  	_ =	shalt  }
0x52: {  	_ =	shalt  }
0x53: {  	_ =	shalt  }
0x54: {  	_ =	shalt  }
0x55: {  	_ =	shalt  }
0x56: {  	_ =	shalt  }
0x57: {  	_ =	shalt  }
0x58: {  	_ =	shalt  }
0x59: {  	_ =	shalt  }
0x5a: {  	_ =	shalt  }
0x5b: {  	_ =	shalt  }
0x5c: {  	_ =	shalt  }
0x5d: {  	_ =	shalt  }
0x5e: {  	_ =	shalt  }
0x5f: {  	_ =	shalt  }
0x60: {  	_ =	shalt  }
0x61: {  	_ =	shalt  }
0x62: {  	_ =	shalt  }
0x63: {  	_ =	shalt  }
0x64: {  	_ =	shalt  }
0x65: {  	_ =	shalt  }
0x66: {  	_ =	shalt  }
0x67: {  	_ =	shalt  }
0x68: {  	_ =	shalt  }
0x69: {  	_ =	shalt  }
0x6a: {  	_ =	shalt  }
0x6b: {  	_ =	shalt  }
0x6c: {  	_ =	shalt  }
0x6d: {  	_ =	shalt  }
0x6e: {  	_ =	shalt  }
0x6f: {  	_ =	shalt  }
0x70: {  	_ =	shalt  }
0x71: {  	_ =	shalt  }
0x72: {  	_ =	shalt  }
0x73: {  	_ =	shalt  }
0x74: {  	_ =	shalt  }
0x75: {  	_ =	shalt  }
0x76: {  	_ =	shalt  }
0x77: {  	_ =	shalt  }
0x78: {  	_ =	shalt  }
0x79: {  	_ =	shalt  }
0x7a: {  	_ =	shalt  }
0x7b: {  	_ =	shalt  }
0x7c: {  	_ =	shalt  }
0x7d: {  	_ =	shalt  }
0x7e: {  	_ =	shalt  }
0x7f: {  	_ =	shalt  }
0x80: {  	_ =	shalt  }
0x81: {  	_ =	shalt  }
0x82: {  	_ =	shalt  }
0x83: {  	_ =	shalt  }
0x84: {  	_ =	shalt  }
0x85: {  	_ =	shalt  }
0x86: {  	_ =	shalt  }
0x87: {  	_ =	shalt  }
.Lfunc_end0:
.L_simem_size_0:
called_computation_lowered:
.L_overlay_start_0:
0x88: {  	s2 =	sld [smem:$0x3FD9]  }
0x89: {  	s3 =	sld [smem:$0x3FFE];
	_ =	sdelay $0x1  }
0x8a: {  	s1 =	srdreg.scid  }
0x8b: {  	s0 =	sand.u32 $0x1, s1  }
0x8c: {  	s16 =	sshll.u32 s0, $0xA;
	s2 =	sadd.s32 s3, s2  }
0x8d: {  	s2 =	sadd.s32 s2, s16  }
0x8e: {  	[smem:$0x3FC0] =	sst s2  }
0x8f: {  	_ = 	snop  }
0x90: {  	(tm) =	ssettm $0x1  }
0x91: {  	s17 =	sld [smem:$0x3FFB];
	_ =	sdelay $0x3  }
0x92: {  	_ =	strace s17  }
0x93: {  	s2 =	sld [smem:$0x3FFC];
	_ =	sdelay $0x3  }
0x94: {  	_ =	strace s2  }
0x95: {  	s2 =	sld [smem:$0x3FFD];
	_ =	sdelay $0x3  }
0x96: {  	_ =	strace s2  }
0x97: {  	_ =	strace $0x8FFFFFFF  }
0x98: {  	s18 =	sld [smem:$0x3FDB];
	_ =	sdelay $0x1  }
0x99: {  	s19 =	simm.s32 $_scs_section_size  }
0x9a: {  	s4 =	simm.s32 $_size__tile_overlayer_lowered;
	s5 =	simm.s32 $_tile_overlayer_lowered  }
0x9b: {  	s22 =	simm.s32 $0x1BFF;
	s21 =	sshll.u32 s5, $0x1;
	s2 =	sadd.s32 s19, s18  }
0x9c: {  	s6 =	simm.s32 $0x0;
	s20 =	sshll.u32 s4, $0x1;
	s4 =	sadd.s32 s21, s2  }
0x9d: {  	[timem:s6], [sflag:s22] =	dma.local [hbm:s4], s20  }
0x9e: {  	_ =	swait.ge [sflag:s22], s20  }
0x9f: {  	s3 =	ssub.s32 $0x0, s20;
	[sflag:s22] =	ssyncset.done $0x0  }
0xa0: {  	[sflag:s22] =	ssyncadd.s32 s3;
	_ =	sdelay $0x1  }
0xa1: {  	s23 =	simm.s32 $0x1B8B  }
0xa2: {  	_ =	swait.ge [sflag:s23], $0x1  }
0xa3: {  	[sflag:s23] =	ssyncset.done $0x0  }
0xa4: {  	s25 =	simm.s32 $0x1B8E;
	s24 =	sld [smem:$0x3FFE];
	[sflag:s23] =	ssyncadd.s32 $0xFFFFFFFF  }
0xa5: {  	s26 =	simm.s32 $execute0_lowered;
	[smem:$0x3FD2] =	sst s25  }
0xa6: {  	s4 =	sshll.u32 s26, $0x1;
	_ =	strace $0x80000046;
	[dreg:$0x1] =	wrdreg $0xFFFFFFFF  }
0xa7: {  	s28 =	simm.s32 $_size_execute0_lowered;
	s2 =	sadd.s32 s2, s4;
	[dreg:$0x0] =	wrdreg $0x0  }
0xa8: {  	s4 =	sshll.u32 s28, $0x1;
	[dreg:$0x2] =	wrdreg s2  }
0xa9: {  	[dreg:$0x3] =	wrdreg s4  }
0xaa: {  	[dreg:$0x4] =	wrdreg $0xC0  }
0xab: {  	_ =	task [dreg:s6], $0x5FFFF  }
0xac: {  	[dreg:$0x1] =	wrdreg $0xFFFFFFFF  }
0xad: {  	[dreg:$0x0] =	wrdreg $0x60  }
0xae: {  	[dreg:$0x2] =	wrdreg s24  }
0xaf: {  	[dreg:$0x3] =	wrdreg $0x41000  }
0xb0: {  	[dreg:$0x4] =	wrdreg $0x9  }
0xb1: {  	_ =	task.clear_ibuf [dreg:s6], $0x5FFFF;
	_ =	strace $0x90000046  }
0xb2: {  	s29 =	simm.s32 $0x9;
	_ =	strace $0x80000048  }
0xb3: {  	_ =	swait.ge [sflag:s29], $0x1  }
0xb4: {  	[sflag:s29] =	ssyncadd.s32 $0xFFFFFFFF  }
0xb5: {  	_ =	strace $0x90000048  }
0xb6: {  	_ =	sfence  }
0xb7: {  	s30 =	sld [smem:$0x0];
	_ =	sdelay $0x2  }
0xb8: {  	s31 =	sshll.u32 s1, $0xD;
	s1 =	sshrl.u32 s1, $0x2  }
0xb9: {  	s3 =	sand.u32 $0x4000, s31;
	s1 =	sadd.s32 s1, s30  }
0xba: {  	s0 =	sor.u32 s3, s0;
	s1 =	sshll.u32 s1, $0x11  }
0xbb: {  	s0 =	sor.u32 s1, s0  }
0xbc: {  	s0 =	sadd.s32 $0x8F2B, s0  }
0xbd: {  	[sflag:s0] =	ssyncadd.remote.s32 $0x1  }
0xbe: {  	_ =	sfence.sel $0xFFFF  }
0xbf: {  	[dreg:$0x0] =	wrdreg $0xFFFFFFFF;
	(pc) =	sbr.abs _section_cstart, $3  }
0xc0: {  	[dreg:$0x1] =	wrdreg $0xFFFFFFFF  }
0xc1: {  	_ =	task.clear_ibuf [dreg:s6], $0x2FFFF;
	_ =	strace $0x9FFFFFFF  }
0xc2: {  	(tm) =	ssettm $0x7FFFFFFF  }
0xc3: {  	_ =	shalt  }
tec
execute0_lowered:
.L_overlay_start_1:
0x0: {  	(tag) =	ssettag $0x1  }
0x1: {  	s5 =	rddreg [dreg:$0x0]  }
0x2: {  	s2 =	rddreg [dreg:$0x1]  }
0x3: {  	s0 =	rddreg [dreg:$0x2]  }
0x4: {  	s1 =	stileid.u32;
	s4 =	srdreg.scid;
	s3 =	simm.s32 $0x0  }
0x5: {  	s16 =	simm.s32 $0x80;
	s17 =	simm.s32 $0x1;
	s18 =	simm.s32 $0x2  }
0x6: {  	s19 =	simm.s32 $0x0;
	s6 =	smul.u32 $0x14000, s1;
	s7 =	sand.u32 $0x1, s4  }
0x7: {  	[smem:$0x7FF] =	sst s3;
	s12 =	sadd.s32 $0x3000, s5;
	s11 =	smul.u32 $0x50000, s1  }
0x8: {  	s4 =	sadd.s32 $0x35000, s5;
	s29 =	smul.u32 $0x2800, s1;
	s30 =	sshll.u32 s1, $0x6  }
0x9: {  	s8 =	smul.u32 $0x140000, s7;
	_ =	strace $0x80000047;
	s23 =	sshll.u32 s7, $0x4  }
0xa: {  	s10 =	ssub.s32 $0x2, s7;
	s28 =	smul.u32 $0x28000, s7;
	s7 =	sor.u32 $0x1C03, s30  }
0xb: {  	s9 =	sshrl.u32 s6, $0x3;
	s24 =	sshrl.u32 s10, $0x1;
	s26 =	sshrl.u32 s11, $0x2  }
0xc: {  	s6 =	sadd.s32 s6, s8;
	s22 =	sadd.s32 s9, s5;
	s9 =	sor.u32 s1, s23  }
0xd: {  	s10 =	ssub.s32 s10, s24;
	s14 =	sadd.s32 s26, s2;
	s11 =	sadd.s32 s29, s28  }
0xe: {  	s6 =	sshrl.u32 s6, $0x3;
	s25 =	smul.u32 $0x2800, s9;
	s31 =	sor.u32 $0x180, s11  }
0xf: {  	s11 =	sor.u32 $0x100, s11;
	s10 =	smax.u32 s10, $0x1;
	s13 =	sadd.s32 s6, s5  }
0x10: {  	s5 =	sadd.s32 $0xD000, s22;
	s15 =	sshrl.u32 s11, $0x3;
	s6 =	sshrl.u32 s25, $0x3  }
0x11: {  	s9 =	sadd.s32 $0x35800, s13;
	s13 =	sshrl.u32 s31, $0x3;
	s6 =	sadd.s32 s12, s6  }
0x12: {  	s11 =	sadd.s32 s13, s12;
	s12 =	sadd.s32 s15, s12;
	s13 =	sshrl.u32 s14, $0x3  }
0x13: {  	s14 =	simm.s32 $0x3;
	s15 =	simm.s32 $0x100;
	s8 =	sadd.s32 $0x10, s6  }
.LBB2_1:
0x14: {  	[spmem:s13], [sflag:s7] =	dma.local [hbm:s5], $0x2800  }
0x15: {  	_ =	swait.ge [sflag:s14], $0x2800  }
0x16: {  	[sflag:s14] =	ssyncset.done $0x0  }
0x17: {  	[sflag:s14] =	ssyncadd.s32 $0xFFFFD800  }
0x18: {  	[tilespmem:s15], [sflag:$0x3] =	stream.linear.gather [hbm4b:s4+s3], $0x4000, $0x38;
	[tilespmem:$0x18100] =	vst v63  }
0x19: {  	_ =	swait.ge [sflag:s14], $0x4000  }
0x1a: {  	[sflag:s14] =	ssyncset.done $0x0  }
0x1b: {  	[sflag:s14] =	ssyncadd.s32 $0xFFFFC000  }
0x1c: {  	[tilespmem:s3], [sflag:$0x1] =	stream.linear.gather [hbm4b:s6+s3], $0x80, $0x38;
	[tilespmem:$0x18100] =	vst v63  }
0x1d: {  	_ = 	snop  }
0x1e: {  	[tilespmem:s16], [sflag:$0x2] =	stream.linear.gather [hbm4b:s8+s3], $0x80, $0x38;
	[tilespmem:$0x18100] =	vst v63  }
0x1f: {  	[bflag:$0x0] =	sbarrier.arrive $0xFFFF  }
0x20: {  	_ =	swait.ge [sflag:s17], $0x80  }
0x21: {  	[sflag:s17] =	ssyncset.done $0x0  }
0x22: {  	[sflag:s17] =	ssyncadd.s32 $0xFFFFFF80  }
0x23: {  	[spmem:s2] =	stream.indirect.scatter.add.f32 [tilespmem:s15], [sflag:$0x3], $0x80, s3, s16, $0xb8;
	[tilespmem:$0x18100] =	vst v63  }
0x24: {  	_ =	swait.ge [sflag:s14], $0x4000  }
0x25: {  	[sflag:s14] =	ssyncset.done $0x0  }
0x26: {  	s20 =	sadd.s32 $0x0, s12;
	[sflag:s14] =	ssyncadd.s32 $0xFFFFC000  }
0x27: {  	[tilespmem:s3], [sflag:$0x1] =	stream.linear.gather [hbm4b:s20+s3], $0x80, $0x38;
	[tilespmem:$0x18100] =	vst v63  }
0x28: {  	_ =	swait.ge [sflag:s18], $0x80  }
0x29: {  	[sflag:s18] =	ssyncset.done $0x0  }
0x2a: {  	[sflag:s18] =	ssyncadd.s32 $0xFFFFFF80  }
0x2b: {  	[spmem:s2] =	stream.indirect.scatter.add.f32 [tilespmem:s15], [sflag:$0x3], $0x80, s16, s16, $0xb8;
	[tilespmem:$0x18100] =	vst v63  }
0x2c: {  	_ =	swait.ge [sflag:s14], $0x4000  }
0x2d: {  	[sflag:s14] =	ssyncset.done $0x0  }
0x2e: {  	s21 =	sadd.s32 $0x0, s11;
	s20 =	simm.s32 $0x20;
	[sflag:s14] =	ssyncadd.s32 $0xFFFFC000  }
.LBB2_2:
0x2f: {  	[tilespmem:s16], [sflag:$0x2] =	stream.linear.gather [hbm4b:s21+s3], $0x80, $0x38;
	[tilespmem:$0x18100] =	vst v63  }
0x30: {  	s21 =	smov.u32 s20  }
0x31: {  	p0 =	sne.s32 s20, $0x4C0;
	s20 =	sadd.s32 $0x20, s20;
	_ =	swait.ge [sflag:s17], $0x80  }
0x32: {  	[sflag:s17] =	ssyncset.done $0x0  }
0x33: {  	[sflag:s17] =	ssyncadd.s32 $0xFFFFFF80  }
0x34: {  	[spmem:s2] =	stream.indirect.scatter.add.f32 [tilespmem:s15], [sflag:$0x3], $0x80, s3, s16, $0xb8;
	[tilespmem:$0x18100] =	vst v63  }
0x35: {  	_ =	swait.ge [sflag:s14], $0x4000  }
0x36: {  	[sflag:s14] =	ssyncset.done $0x0  }
0x37: {  	s22 =	sadd.s32 s21, s12;
	[sflag:s14] =	ssyncadd.s32 $0xFFFFC000  }
0x38: {  	[tilespmem:s3], [sflag:$0x1] =	stream.linear.gather [hbm4b:s22+s3], $0x80, $0x38;
	[tilespmem:$0x18100] =	vst v63  }
0x39: {  	_ =	swait.ge [sflag:s18], $0x80  }
0x3a: {  	[sflag:s18] =	ssyncset.done $0x0  }
.Ltmp0:
0x3b: {  	[sflag:s18] =	ssyncadd.s32 $0xFFFFFF80;
	(pc) =	sbr.rel @p0 .LBB2_2-.Ltmp0, $4  }
0x3c: {  	[spmem:s2] =	stream.indirect.scatter.add.f32 [tilespmem:s15], [sflag:$0x3], $0x80, s16, s16, $0xb8;
	[tilespmem:$0x18100] =	vst v63  }
0x3d: {  	_ =	swait.ge [sflag:s14], $0x4000  }
0x3e: {  	[sflag:s14] =	ssyncset.done $0x0  }
0x3f: {  	s21 =	sadd.s32 s21, s11;
	[sflag:s14] =	ssyncadd.s32 $0xFFFFC000  }
0x40: {  	[tilespmem:s16], [sflag:$0x2] =	stream.linear.gather [hbm4b:s21+s3], $0x80, $0x38;
	[tilespmem:$0x18100] =	vst v63  }
0x41: {  	_ =	swait.ge [sflag:s17], $0x80  }
0x42: {  	[sflag:s17] =	ssyncset.done $0x0  }
0x43: {  	[sflag:s17] =	ssyncadd.s32 $0xFFFFFF80  }
0x44: {  	[spmem:s2] =	stream.indirect.scatter.add.f32 [tilespmem:s15], [sflag:$0x3], $0x80, s3, s16, $0xb8;
	[tilespmem:$0x18100] =	vst v63  }
0x45: {  	_ =	swait.ge [sflag:s14], $0x4000  }
0x46: {  	[sflag:s14] =	ssyncset.done $0x0  }
0x47: {  	[sflag:s14] =	ssyncadd.s32 $0xFFFFC000  }
0x48: {  	_ =	swait.ge [sflag:s18], $0x80  }
0x49: {  	[sflag:s18] =	ssyncset.done $0x0  }
0x4a: {  	[sflag:s18] =	ssyncadd.s32 $0xFFFFFF80  }
0x4b: {  	[spmem:s2] =	stream.indirect.scatter.add.f32 [tilespmem:s15], [sflag:$0x3], $0x80, s16, s16, $0xb8;
	[tilespmem:$0x18100] =	vst v63  }
0x4c: {  	_ =	swait.ge [sflag:s14], $0x4000  }
0x4d: {  	s19 =	sadd.s32 $0x1, s19;
	[sflag:s14] =	ssyncset.done $0x0  }
0x4e: {  	p0 =	sne.s32 s19, s10;
	[sflag:s14] =	ssyncadd.s32 $0xFFFFC000  }
.Ltmp1:
0x4f: {  	[bflag:$0x0] =	sbarrier.arrive $0xFFFF;
	(pc) =	sbr.rel @p0 .LBB2_1-.Ltmp1, $4  }
0x50: {  	[hbm:s9], [sflag:s7] =	dma.local [spmem:s13], $0x2800  }
0x51: {  	_ =	swait.ge [sflag:s14], $0x2800  }
0x52: {  	[sflag:s14] =	ssyncset.done $0x0  }
0x53: {  	[sflag:s14] =	ssyncadd.s32 $0xFFFFD800  }
0x54: {  	_ =	sfence.sel $0x180000  }
0x55: {  	[bflag:$0x0] =	sbarrier.arrive $0xFFFF  }
0x56: {  	p0 =	sne.s32 s1, $0x0;
	_ =	strace $0x90000047  }
0x57: {  	s0 =	sadd.s32 @!p0 $0x100000, s0;
	[bflag:$0x2] =	sbarrier.arrive $0xFFFF  }
0x58: {  	[sflag:s0] =	ssyncadd.tile.s32 @!p0 $0x1;
	_ =	shalt  }
.Lfunc_end2:
_tile_overlayer_lowered:
.L_overlay_start_2:
0x59: {  	(tag) =	ssettag $0x2  }
0x5a: {  	s0 =	rddreg [dreg:$0x0];
	s2 =	stileid.u32  }
0x5b: {  	s1 =	rddreg [dreg:$0x1];
	p0 =	sne.s32 s2, $0x0  }
0x5c: {  	s3 =	rddreg [dreg:$0x2];
	[bflag:$0x3] =	sbarrier.arrive $0xFFFF;
	s2 =	simm.s32 @!p0 $0x1C03  }
0x5d: {  	[timem:s3], [sflag:s2] =	dma.local @!p0 [hbm:s0], s1  }
0x5e: {  	s0 =	simm.s32 @!p0 $0x3  }
0x5f: {  	_ =	swait.ge @!p0 [sflag:s0], s1  }
0x60: {  	s1 =	ssub.s32 @!p0 $0x0, s1;
	[sflag:s0] =	ssyncset.done @!p0 $0x0  }
0x61: {  	[sflag:s0] =	ssyncadd.s32 @!p0 s1  }
0x62: {  	[bflag:$0x3] =	sbarrier.arrive $0xFFFF  }
0x63: {  	_ =	shalt  }

</sc_bundles>
